<compile_context>
chip_gen: v7x
topology: tpu7x:2x2x1
jax: 0.10.2.dev20260603
libtpu: 0.0.44.dev20260713+nightly
codegen_flags: <defaults>
</compile_context>

<pallas_src>
import jax
import jax.numpy as jnp
from jax.experimental import pallas as pl
from jax.experimental.pallas import tpu as pltpu
from jax.experimental.pallas import tpu_sc as plsc

_K = 10
_POOL = 100000
_TILE = 2048
_NT = 49
_POOL_PAD = _TILE * _NT
_Q = 1024
_D = 128
_CHUNKS = _TILE // _D
_NG = _NT * _CHUNKS
_NSEL = 16
_BIGI = 2**30


def _dist_body(x_ref, xx_ref, p_ref, pp_ref, d2_ref, gm_ref):

    x = x_ref[...]
    tile = p_ref[...]
    xx = xx_ref[...]
    pp = pp_ref[0]
    xt = jax.lax.dot_general(x.astype(jnp.bfloat16), tile.astype(jnp.bfloat16),
                             (((1,), (1,)), ((), ())),
                             preferred_element_type=jnp.float32)
    d2 = xx + pp - 2.0 * xt
    d2_ref[...] = d2
    cms = [jnp.min(d2[:, c * _D:(c + 1) * _D], axis=1, keepdims=True)
           for c in range(_CHUNKS)]
    gm_ref[0] = jnp.concatenate(cms, axis=1)


def _dist_and_groupmin(x, xx, pool_pad, pp_pad):
    return pl.pallas_call(
        _dist_body,
        grid=(_NT,),
        in_specs=[pl.BlockSpec((_Q, _D), lambda t: (0, 0)),
                  pl.BlockSpec((_Q, 1), lambda t: (0, 0)),
                  pl.BlockSpec((_TILE, _D), lambda t: (t, 0)),
                  pl.BlockSpec((1, 1, _TILE), lambda t: (t, 0, 0))],
        out_specs=[pl.BlockSpec((_Q, _TILE), lambda t: (0, t)),
                   pl.BlockSpec((1, _Q, _CHUNKS), lambda t: (t, 0, 0))],
        out_shape=[jax.ShapeDtypeStruct((_Q, _POOL_PAD), jnp.float32),
                   jax.ShapeDtypeStruct((_NT, _Q, _CHUNKS), jnp.float32)],
    )(x, xx, pool_pad, pp_pad)


def _gext_body(gm_ref, og_ref):
    gm = gm_ref[...]
    inf = float('inf')
    gid = jax.lax.broadcasted_iota(jnp.int32, (_Q, _NG), 1)
    sel = []
    for _ in range(_NSEL):
        m = jnp.min(gm, axis=1, keepdims=True)
        im = jnp.min(jnp.where(gm == m, gid, _BIGI), axis=1, keepdims=True)
        sel.append(im)
        gm = jnp.where(gid == im, inf, gm)
    og_ref[...] = jnp.concatenate(sel, axis=1)


def _group_extract(gm2):
    return pl.pallas_call(
        _gext_body,
        in_specs=[pl.BlockSpec((_Q, _NG), lambda: (0, 0))],
        out_specs=pl.BlockSpec((_Q, _NSEL), lambda: (0, 0)),
        out_shape=jax.ShapeDtypeStruct((_Q, _NSEL), jnp.int32),
    )(gm2)


def _fin_body(d2c_ref, col_ref, oi_ref):
    inf = float('inf')
    dist = jnp.sqrt(jnp.maximum(d2c_ref[...], 0.0))
    colid = col_ref[...]
    new_i = []
    for _ in range(_K):
        m = jnp.min(dist, axis=1, keepdims=True)
        im = jnp.min(jnp.where(dist == m, colid, _BIGI), axis=1, keepdims=True)
        new_i.append(im)
        dist = jnp.where(colid == im, inf, dist)
    pad_i = jnp.full((_Q, 16 - _K), _BIGI, jnp.int32)
    oi_ref[...] = jnp.concatenate(new_i + [pad_i], axis=1)


def _final_topk(d2cand, colcand):
    w = _NSEL * _D
    return pl.pallas_call(
        _fin_body,
        in_specs=[pl.BlockSpec((_Q, w), lambda: (0, 0)),
                  pl.BlockSpec((_Q, w), lambda: (0, 0))],
        out_specs=pl.BlockSpec((_Q, 16), lambda: (0, 0)),
        out_shape=jax.ShapeDtypeStruct((_Q, 16), jnp.int32),
    )(d2cand, colcand)


def _sc_mesh():
    return plsc.VectorSubcoreMesh(core_axis_name="core",
                                  subcore_axis_name="subcore")


def _sc_gather1(src, idx_flat):
    n = idx_flat.shape[0]
    w = 128

    @pl.kernel(out_type=jax.ShapeDtypeStruct((n, _D), src.dtype),
               mesh=_sc_mesh())
    def gk(src_hbm, i_hbm, o_hbm):
        def body(i_vmem, o_vmem):
            pltpu.sync_copy(src_hbm.at[i_vmem.at[0]], o_vmem)

        pltpu.emit_pipeline(
            body,
            grid=(n // w,),
            in_specs=[pl.BlockSpec((1, w), lambda i: (0, i))],
            out_specs=[pl.BlockSpec((w, _D), lambda i: (i, 0))],
            core_axis_name=("core", "subcore"),
            dimension_semantics=(pltpu.PARALLEL,),
        )(i_hbm, o_hbm)

    return gk(src, idx_flat.reshape(1, n))


def _sc_gather(pool_x, pool_y2d, idx_flat, yrow_idx):
    n = idx_flat.shape[0]
    w = 128

    @pl.kernel(out_type=(jax.ShapeDtypeStruct((n, _D), jnp.float32),
                         jax.ShapeDtypeStruct((n, _D), jnp.float32)),
               mesh=_sc_mesh())
    def gk(px_hbm, py_hbm, i_hbm, iy_hbm, ox_hbm, oy_hbm):
        def body(i_vmem, iy_vmem, ox_vmem, oy_vmem):
            pltpu.sync_copy(px_hbm.at[i_vmem.at[0]], ox_vmem)
            pltpu.sync_copy(py_hbm.at[iy_vmem.at[0]], oy_vmem)

        pltpu.emit_pipeline(
            body,
            grid=(n // w,),
            in_specs=[pl.BlockSpec((1, w), lambda i: (0, i)),
                      pl.BlockSpec((1, w), lambda i: (0, i))],
            out_specs=[pl.BlockSpec((w, _D), lambda i: (i, 0)),
                       pl.BlockSpec((w, _D), lambda i: (i, 0))],
            core_axis_name=("core", "subcore"),
            dimension_semantics=(pltpu.PARALLEL,),
        )(i_hbm, iy_hbm, ox_hbm, oy_hbm)

    return gk(pool_x, pool_y2d, idx_flat.reshape(1, n),
              yrow_idx.reshape(1, n))


def _ysel_body(yrow_ref, lane_ref, oy_ref):
    lanes = jax.lax.broadcasted_iota(jnp.int32, (_Q * _K, _D), 1)
    sel = jnp.where(lanes == lane_ref[...], yrow_ref[...], 0.0)
    oy_ref[...] = jnp.sum(sel, axis=1, keepdims=True)


def _y_select(gyrow, lane):
    return pl.pallas_call(
        _ysel_body,
        in_specs=[pl.BlockSpec((_Q * _K, _D), lambda: (0, 0)),
                  pl.BlockSpec((_Q * _K, 1), lambda: (0, 0))],
        out_specs=pl.BlockSpec((_Q * _K, 1), lambda: (0, 0)),
        out_shape=jax.ShapeDtypeStruct((_Q * _K, 1), jnp.float32),
    )(gyrow, lane)


def kernel(x, pool_x, pool_y):
    pool_pad = jnp.pad(pool_x, ((0, _POOL_PAD - _POOL), (0, 0)))
    pool_y2d = jnp.pad(pool_y.reshape(-1),
                       (0, _POOL_PAD - _POOL)).reshape(_POOL_PAD // _D, _D)
    xx = jnp.sum(x * x, axis=-1, keepdims=True)
    pp = jnp.sum(pool_x * pool_x, axis=-1)
    pp_pad = jnp.pad(pp, (0, _POOL_PAD - _POOL),
                     constant_values=jnp.inf).reshape(_NT, 1, _TILE)

    d2_spill, gm = _dist_and_groupmin(x, xx, pool_pad, pp_pad)
    gm2 = gm.transpose(1, 0, 2).reshape(_Q, _NG)
    gids = _group_extract(gm2)

    rowidx = (jnp.arange(_Q, dtype=jnp.int32)[:, None] * _NG
              + gids).reshape(-1)
    d2cand = _sc_gather1(d2_spill.reshape(_Q * _NG, _D), rowidx)
    colcand = (gids[:, :, None] * _D
               + jnp.arange(_D, dtype=jnp.int32)).reshape(_Q, _NSEL * _D)

    fin = _final_topk(d2cand.reshape(_Q, _NSEL * _D), colcand)
    idx = fin[:, :_K].reshape(-1)

    gx, gyrow = _sc_gather(pool_x, pool_y2d, idx, idx // _D)
    gy = _y_select(gyrow, (idx % _D).reshape(-1, 1))
    return jnp.concatenate([gx.reshape(_Q, _K, _D), gy.reshape(_Q, _K, 1)],
                           axis=-1)

# --- scband reference (transcript-rebuilt; emitter-appended) ---
"""Pipeline reference for scband-retrieval-enhanced-mbo-26766236188953 (READ-ONLY COPY).

The authoritative reference and input builder live on the scoring server;
editing this copy changes nothing except your own understanding.
"""

import jax, jax.numpy as jnp
import numpy as np

SIZE_RETRIEVAL_SET = 10

def setup_inputs(seed: int = 0) -> dict:
    key = jax.random.key(seed)
    k1, k2, k3 = jax.random.split(key, 3)
    x = jax.random.normal(k1, (1024, 128), dtype=jnp.float32)
    pool_x = jax.random.normal(k2, (100000, 128), dtype=jnp.float32)
    pool_y = jax.random.normal(k3, (100000, 1), dtype=jnp.float32)
    return {"x": x, "pool_x": pool_x, "pool_y": pool_y}

def reference(x, pool_x, pool_y):
    # search_engine with retrieval_method='distance' (torch.cdist, p=2)
    xx = jnp.sum(x * x, axis=-1, keepdims=True)            # [Q, 1]
    pp = jnp.sum(pool_x * pool_x, axis=-1)[None, :]        # [1, K]
    d2 = xx + pp - 2.0 * (x @ pool_x.T)                    # [Q, K]
    distance = jnp.sqrt(jnp.maximum(d2, 0.0))
    # torch.sort ascending, keep first size_retrieval_set indices
    indices = jnp.argsort(distance, axis=-1)[:, :SIZE_RETRIEVAL_SET]  # [Q, k]
    gathered_x = jnp.take(pool_x, indices, axis=0)         # [Q, k, d]
    gathered_y = jnp.take(pool_y, indices, axis=0)         # [Q, k, 1]
    retrieval_set = jnp.concatenate([gathered_x, gathered_y], axis=-1)  # [Q, k, d+1]
    return retrieval_set

if __name__ == "__main__":
    import jax
    _d = setup_inputs()
    print(jax.jit(kernel)(*tuple(_d.values())))

</pallas_src>

<mosaic_0001>
#map = affine_map<(d0, d1) -> (0, 0)>
module attributes {stable_mosaic.version = 14 : i64} {
  func.func @gk(%arg0: i32, %arg1: i32, %arg2: memref<802816x128xf32, #tpu.memory_space<hbm>>, %arg3: memref<1x16384xi32, #tpu.memory_space<hbm>>, %arg4: memref<16384x128xf32, #tpu.memory_space<hbm>>) attributes {dimension_semantics = [#tpu.dimension_semantics<core_parallel>, #tpu.dimension_semantics<subcore_parallel>], iteration_bounds = array<i64: 2, 16>, scalar_prefetch = 0 : i64, scratch_operands = 0 : i64, tpu.core_type = #tpu.core_type<sc_vector_subcore>, window_params = [{transform_indices = #map}, {transform_indices = #map}, {transform_indices = #map}]} {
    %mul3A = arith.constant 1 : i32
    %mul3A_0 = arith.muli %arg1, %mul3A : i32
    %add3A = arith.constant 0 : i32
    %add3A_1 = arith.addi %add3A, %mul3A_0 : i32
    %mul3A_2 = arith.constant 16 : i32
    %mul3A_3 = arith.muli %arg0, %mul3A_2 : i32
    %add3A_4 = arith.addi %add3A_1, %mul3A_3 : i32
    %mul3A_5 = arith.constant 4 : i32
    %mul3A_6 = arith.muli %add3A_4, %mul3A_5 : i32
    "tpu.region"() ({
      %run_scoped3A = memref.alloca() : memref<2x1x128xi32, #tpu.memory_space<vmem>>
      %run_scoped3A_7 = tpu.sem_alloc : memref<2x!tpu.dma_semaphore, #tpu.memory_space<semaphore_mem>>
      %run_scoped3A_8 = memref.alloca() : memref<2x128x128xf32, #tpu.memory_space<vmem>>
      %run_scoped3A_9 = tpu.sem_alloc : memref<2x!tpu.dma_semaphore, #tpu.memory_space<semaphore_mem>>
      %add3A_10 = arith.constant 0 : i32
      %add3A_11 = arith.addi %add3A_10, %mul3A_6 : i32
      %select_n3A = arith.constant true
      %select_n3A_12 = arith.constant 0 : i32
      %select_n3A_13 = arith.constant -1 : i32
      %select_n3A_14 = arith.select %select_n3A, %select_n3A_13, %select_n3A_12 : i32
      %eq3A = arith.constant -1 : i32
      %eq3A_15 = arith.cmpi eq, %select_n3A_14, %eq3A : i32
      %select_n3A_16 = arith.constant 3 : i32
      %select_n3A_17 = arith.select %eq3A_15, %select_n3A_16, %select_n3A_14 : i32
      %add3A_18 = arith.addi %select_n3A_17, %mul3A_6 : i32
      %select_n3A_19 = arith.constant true
      %select_n3A_20 = arith.constant 0 : i32
      %select_n3A_21 = arith.constant 1 : i32
      %select_n3A_22 = arith.select %select_n3A_19, %select_n3A_21, %select_n3A_20 : i32
      %eq3A_23 = arith.constant 4 : i32
      %eq3A_24 = arith.cmpi eq, %select_n3A_22, %eq3A_23 : i32
      %select_n3A_25 = arith.constant 0 : i32
      %select_n3A_26 = arith.select %eq3A_24, %select_n3A_25, %select_n3A_22 : i32
      %add3A_27 = arith.addi %select_n3A_26, %mul3A_6 : i32
      %add3A_28 = arith.constant 1 : i32
      %add3A_29 = arith.addi %select_n3A_26, %add3A_28 : i32
      %select_n3A_30 = arith.constant true
      %select_n3A_31 = arith.select %select_n3A_30, %add3A_29, %select_n3A_26 : i32
      %eq3A_32 = arith.constant 4 : i32
      %eq3A_33 = arith.cmpi eq, %select_n3A_31, %eq3A_32 : i32
      %select_n3A_34 = arith.constant 0 : i32
      %select_n3A_35 = arith.select %eq3A_33, %select_n3A_34, %select_n3A_31 : i32
      %add3A_36 = arith.addi %select_n3A_35, %mul3A_6 : i32
      "tpu.trace_start"() <{level = 10 : i32, message = "ep_initialize_0"}> : () -> ()
      %rem3A = arith.constant 0 : i32
      %rem3A_37 = arith.constant 2 : i32
      %rem3A_38 = arith.remui %rem3A, %rem3A_37 : i32
      %mul3A_39 = arith.constant 128 : i32
      %mul3A_40 = arith.muli %mul3A_39, %add3A_11 : i32
      %dma_start3A = arith.constant 0 : i32
      %dma_start3A_41 = arith.constant 0 : i32
      %dma_start3A_42 = tpu.memref_slice %run_scoped3A[%rem3A_38, %dma_start3A, %dma_start3A_41] : memref<2x1x128xi32, #tpu.memory_space<vmem>> -> memref<1x1x128xi32, #tpu.memory_space<vmem>>
      %dma_start3A_43 = tpu.memref_squeeze %dma_start3A_42 : memref<1x1x128xi32, #tpu.memory_space<vmem>> -> memref<1x128xi32, #tpu.memory_space<vmem>>
      %dma_start3A_44 = arith.constant 0 : i32
      %dma_start3A_45 = tpu.memref_slice %arg3[%dma_start3A_44, %mul3A_40] : memref<1x16384xi32, #tpu.memory_space<hbm>> -> memref<1x128xi32, #tpu.memory_space<hbm>>
      %dma_start3A_46 = tpu.memref_slice %run_scoped3A_7[%rem3A_38] : memref<2x!tpu.dma_semaphore, #tpu.memory_space<semaphore_mem>> -> memref<1x!tpu.dma_semaphore, #tpu.memory_space<semaphore_mem>>
      %dma_start3A_47 = tpu.memref_squeeze %dma_start3A_46 : memref<1x!tpu.dma_semaphore, #tpu.memory_space<semaphore_mem>> -> memref<!tpu.dma_semaphore, #tpu.memory_space<semaphore_mem>>
      %dma_start3A_48 = arith.constant 0 : i32
      %dma_start3A_49 = arith.constant 0 : i32
      %dma_start3A_50 = tpu.memref_slice %run_scoped3A[%rem3A_38, %dma_start3A_48, %dma_start3A_49] : memref<2x1x128xi32, #tpu.memory_space<vmem>> -> memref<1x1x128xi32, #tpu.memory_space<vmem>>
      %dma_start3A_51 = tpu.memref_squeeze %dma_start3A_50 : memref<1x1x128xi32, #tpu.memory_space<vmem>> -> memref<1x128xi32, #tpu.memory_space<vmem>>
      %dma_start3A_52 = arith.constant 0 : i32
      %dma_start3A_53 = tpu.memref_slice %arg3[%dma_start3A_52, %mul3A_40] : memref<1x16384xi32, #tpu.memory_space<hbm>> -> memref<1x128xi32, #tpu.memory_space<hbm>>
      tpu.enqueue_dma source(%dma_start3A_53 : memref<1x128xi32, #tpu.memory_space<hbm>>) target(%dma_start3A_51 : memref<1x128xi32, #tpu.memory_space<vmem>>) target_semaphore(%dma_start3A_47 : memref<!tpu.dma_semaphore, #tpu.memory_space<semaphore_mem>>)
      %add3A_54 = arith.constant 0 : i32
      %add3A_55 = arith.constant 1 : i32
      %add3A_56 = arith.addi %add3A_54, %add3A_55 : i32
      %select_n3A_57 = arith.constant true
      %select_n3A_58 = arith.constant 0 : i32
      %select_n3A_59 = arith.select %select_n3A_57, %add3A_56, %select_n3A_58 : i32
      "tpu.trace_stop"() : () -> ()
      %scan3A = arith.constant 0 : i32
      %scan3A_60 = arith.constant 0 : i32
      %scan3A_61 = arith.constant 0 : i32
      %scan3A_62 = arith.constant 0 : i32
      %scan3A_63 = arith.constant 0 : i32
      %scan3A_64 = arith.constant 4 : i32
      %scan3A_65 = arith.addi %scan3A_63, %scan3A_64 : i32
      %scan3A_66 = arith.constant 1 : i32
      %scan3A_67:5 = scf.for %scan3A_121 = %scan3A_63 to %scan3A_65 step %scan3A_66 iter_args(%scan3A_122 = %select_n3A_59, %scan3A_123 = %scan3A, %scan3A_124 = %scan3A_60, %scan3A_125 = %scan3A_61, %scan3A_126 = %scan3A_62) -> (i32, i32, i32, i32, i32)  : i32 {
        %eq3A_127 = arith.constant 0 : i32
        %eq3A_128 = arith.cmpi eq, %scan3A_121, %eq3A_127 : i32
        %eq3A_129 = arith.constant 3 : i32
        %eq3A_130 = arith.cmpi eq, %scan3A_121, %eq3A_129 : i32
        %add3A_131 = arith.addi %scan3A_126, %mul3A_6 : i32
        %sub3A_132 = arith.constant 1 : i32
        %sub3A_133 = arith.subi %scan3A_126, %sub3A_132 : i32
        %select_n3A_134 = arith.constant true
        %select_n3A_135 = arith.select %select_n3A_134, %sub3A_133, %scan3A_126 : i32
        %eq3A_136 = arith.constant -1 : i32
        %eq3A_137 = arith.cmpi eq, %select_n3A_135, %eq3A_136 : i32
        %select_n3A_138 = arith.constant 3 : i32
        %select_n3A_139 = arith.select %eq3A_137, %select_n3A_138, %select_n3A_135 : i32
        %add3A_140 = arith.addi %select_n3A_139, %mul3A_6 : i32
        %add3A_141 = arith.constant 1 : i32
        %add3A_142 = arith.addi %scan3A_126, %add3A_141 : i32
        %select_n3A_143 = arith.constant true
        %select_n3A_144 = arith.select %select_n3A_143, %add3A_142, %scan3A_126 : i32
        %eq3A_145 = arith.constant 4 : i32
        %eq3A_146 = arith.cmpi eq, %select_n3A_144, %eq3A_145 : i32
        %select_n3A_147 = arith.constant 0 : i32
        %select_n3A_148 = arith.select %eq3A_146, %select_n3A_147, %select_n3A_144 : i32
        %add3A_149 = arith.addi %select_n3A_148, %mul3A_6 : i32
        %add3A_150 = arith.constant 1 : i32
        %add3A_151 = arith.addi %select_n3A_148, %add3A_150 : i32
        %select_n3A_152 = arith.constant true
        %select_n3A_153 = arith.select %select_n3A_152, %add3A_151, %select_n3A_148 : i32
        %eq3A_154 = arith.constant 4 : i32
        %eq3A_155 = arith.cmpi eq, %select_n3A_153, %eq3A_154 : i32
        %select_n3A_156 = arith.constant 0 : i32
        %select_n3A_157 = arith.select %eq3A_155, %select_n3A_156, %select_n3A_153 : i32
        %add3A_158 = arith.addi %select_n3A_157, %mul3A_6 : i32
        %ne3A = arith.cmpi ne, %add3A_131, %add3A_149 : i32
        %or3A = arith.constant false
        %or3A_159 = arith.ori %or3A, %ne3A : i1
        %ge3A = arith.constant 3 : i32
        %ge3A_160 = arith.cmpi sge, %scan3A_121, %ge3A : i32
        %not3A = arith.constant true
        %not3A_161 = arith.xori %ge3A_160, %not3A : i1
        %and3A = arith.andi %or3A_159, %not3A_161 : i1
        %convert_element_type3A = arith.extui %and3A : i1 to i32
        %cond3A = arith.constant 0 : i32
        %cond3A_162 = arith.cmpi ne, %convert_element_type3A, %cond3A : i32
        scf.if %cond3A_162 {
          "tpu.trace_start"() <{level = 10 : i32, message = "ep_copy_in"}> : () -> ()
          %rem3A_264 = arith.constant 2 : i32
          %rem3A_265 = arith.remui %scan3A_122, %rem3A_264 : i32
          %mul3A_266 = arith.constant 128 : i32
          %mul3A_267 = arith.muli %mul3A_266, %add3A_149 : i32
          %dma_start3A_268 = arith.constant 0 : i32
          %dma_start3A_269 = arith.constant 0 : i32
          %dma_start3A_270 = tpu.memref_slice %run_scoped3A[%rem3A_265, %dma_start3A_268, %dma_start3A_269] : memref<2x1x128xi32, #tpu.memory_space<vmem>> -> memref<1x1x128xi32, #tpu.memory_space<vmem>>
          %dma_start3A_271 = tpu.memref_squeeze %dma_start3A_270 : memref<1x1x128xi32, #tpu.memory_space<vmem>> -> memref<1x128xi32, #tpu.memory_space<vmem>>
          %dma_start3A_272 = arith.constant 0 : i32
          %dma_start3A_273 = tpu.memref_slice %arg3[%dma_start3A_272, %mul3A_267] : memref<1x16384xi32, #tpu.memory_space<hbm>> -> memref<1x128xi32, #tpu.memory_space<hbm>>
          %dma_start3A_274 = tpu.memref_slice %run_scoped3A_7[%rem3A_265] : memref<2x!tpu.dma_semaphore, #tpu.memory_space<semaphore_mem>> -> memref<1x!tpu.dma_semaphore, #tpu.memory_space<semaphore_mem>>
          %dma_start3A_275 = tpu.memref_squeeze %dma_start3A_274 : memref<1x!tpu.dma_semaphore, #tpu.memory_space<semaphore_mem>> -> memref<!tpu.dma_semaphore, #tpu.memory_space<semaphore_mem>>
          %dma_start3A_276 = arith.constant 0 : i32
          %dma_start3A_277 = arith.constant 0 : i32
          %dma_start3A_278 = tpu.memref_slice %run_scoped3A[%rem3A_265, %dma_start3A_276, %dma_start3A_277] : memref<2x1x128xi32, #tpu.memory_space<vmem>> -> memref<1x1x128xi32, #tpu.memory_space<vmem>>
          %dma_start3A_279 = tpu.memref_squeeze %dma_start3A_278 : memref<1x1x128xi32, #tpu.memory_space<vmem>> -> memref<1x128xi32, #tpu.memory_space<vmem>>
          %dma_start3A_280 = arith.constant 0 : i32
          %dma_start3A_281 = tpu.memref_slice %arg3[%dma_start3A_280, %mul3A_267] : memref<1x16384xi32, #tpu.memory_space<hbm>> -> memref<1x128xi32, #tpu.memory_space<hbm>>
          tpu.enqueue_dma source(%dma_start3A_281 : memref<1x128xi32, #tpu.memory_space<hbm>>) target(%dma_start3A_279 : memref<1x128xi32, #tpu.memory_space<vmem>>) target_semaphore(%dma_start3A_275 : memref<!tpu.dma_semaphore, #tpu.memory_space<semaphore_mem>>)
          "tpu.trace_stop"() : () -> ()
        } else {
        }
        %and3A_163 = arith.constant true
        %and3A_164 = arith.andi %and3A, %and3A_163 : i1
        %add3A_165 = arith.constant 1 : i32
        %add3A_166 = arith.addi %scan3A_122, %add3A_165 : i32
        %select_n3A_167 = arith.select %and3A_164, %add3A_166, %scan3A_122 : i32
        %ne3A_168 = arith.cmpi ne, %add3A_131, %add3A_149 : i32
        %or3A_169 = arith.constant false
        %or3A_170 = arith.ori %or3A_169, %ne3A_168 : i1
        %or3A_171 = arith.constant false
        %or3A_172 = arith.ori %or3A_170, %or3A_171 : i1
        %ge3A_173 = arith.constant 3 : i32
        %ge3A_174 = arith.cmpi sge, %scan3A_121, %ge3A_173 : i32
        %not3A_175 = arith.constant true
        %not3A_176 = arith.xori %ge3A_174, %not3A_175 : i1
        %and3A_177 = arith.andi %or3A_172, %not3A_176 : i1
        %ne3A_178 = arith.cmpi ne, %add3A_131, %add3A_140 : i32
        %or3A_179 = arith.constant false
        %or3A_180 = arith.ori %or3A_179, %ne3A_178 : i1
        %or3A_181 = arith.ori %or3A_180, %eq3A_128 : i1
        %convert_element_type3A_182 = arith.extui %or3A_181 : i1 to i32
        %cond3A_183 = arith.constant 0 : i32
        %cond3A_184 = arith.cmpi ne, %convert_element_type3A_182, %cond3A_183 : i32
        scf.if %cond3A_184 {
          "tpu.trace_start"() <{level = 10 : i32, message = "ep_wait_in"}> : () -> ()
          %mul3A_264 = arith.constant 128 : i32
          %mul3A_265 = arith.muli %mul3A_264, %add3A_131 : i32
          %rem3A_266 = arith.constant 2 : i32
          %rem3A_267 = arith.remui %scan3A_123, %rem3A_266 : i32
          %dma_wait3A_268 = arith.constant 0 : i32
          %dma_wait3A_269 = arith.constant 0 : i32
          %dma_wait3A_270 = tpu.memref_slice %run_scoped3A[%rem3A_267, %dma_wait3A_268, %dma_wait3A_269] : memref<2x1x128xi32, #tpu.memory_space<vmem>> -> memref<1x1x128xi32, #tpu.memory_space<vmem>>
          %dma_wait3A_271 = tpu.memref_squeeze %dma_wait3A_270 : memref<1x1x128xi32, #tpu.memory_space<vmem>> -> memref<1x128xi32, #tpu.memory_space<vmem>>
          %dma_wait3A_272 = arith.constant 0 : i32
          %dma_wait3A_273 = tpu.memref_slice %arg3[%dma_wait3A_272, %mul3A_265] : memref<1x16384xi32, #tpu.memory_space<hbm>> -> memref<1x128xi32, #tpu.memory_space<hbm>>
          %dma_wait3A_274 = tpu.memref_slice %run_scoped3A_7[%rem3A_267] : memref<2x!tpu.dma_semaphore, #tpu.memory_space<semaphore_mem>> -> memref<1x!tpu.dma_semaphore, #tpu.memory_space<semaphore_mem>>
          %dma_wait3A_275 = tpu.memref_squeeze %dma_wait3A_274 : memref<1x!tpu.dma_semaphore, #tpu.memory_space<semaphore_mem>> -> memref<!tpu.dma_semaphore, #tpu.memory_space<semaphore_mem>>
          %dma_wait3A_276 = arith.constant 0 : i32
          %dma_wait3A_277 = arith.constant 0 : i32
          %dma_wait3A_278 = tpu.memref_slice %run_scoped3A[%rem3A_267, %dma_wait3A_276, %dma_wait3A_277] : memref<2x1x128xi32, #tpu.memory_space<vmem>> -> memref<1x1x128xi32, #tpu.memory_space<vmem>>
          %dma_wait3A_279 = tpu.memref_squeeze %dma_wait3A_278 : memref<1x1x128xi32, #tpu.memory_space<vmem>> -> memref<1x128xi32, #tpu.memory_space<vmem>>
          %dma_wait3A_280 = arith.constant 0 : i32
          %dma_wait3A_281 = tpu.memref_slice %arg3[%dma_wait3A_280, %mul3A_265] : memref<1x16384xi32, #tpu.memory_space<hbm>> -> memref<1x128xi32, #tpu.memory_space<hbm>>
          tpu.wait_dma2 semaphore(%dma_wait3A_275 : memref<!tpu.dma_semaphore, #tpu.memory_space<semaphore_mem>>) src(%dma_wait3A_281 : memref<1x128xi32, #tpu.memory_space<hbm>>) dst(%dma_wait3A_279 : memref<1x128xi32, #tpu.memory_space<vmem>>)
          "tpu.trace_stop"() : () -> ()
        } else {
        }
        %ne3A_185 = arith.cmpi ne, %add3A_131, %add3A_140 : i32
        %or3A_186 = arith.constant false
        %or3A_187 = arith.ori %or3A_186, %ne3A_185 : i1
        %or3A_188 = arith.constant false
        %or3A_189 = arith.ori %or3A_187, %or3A_188 : i1
        %or3A_190 = arith.ori %or3A_189, %eq3A_128 : i1
        %convert_element_type3A_191 = arith.extui %or3A_190 : i1 to i32
        %cond3A_192 = arith.constant 0 : i32
        %cond3A_193 = arith.cmpi ne, %convert_element_type3A_191, %cond3A_192 : i32
        scf.if %cond3A_193 {
        } else {
        }
        %rem3A_194 = arith.constant 2 : i32
        %rem3A_195 = arith.remui %scan3A_123, %rem3A_194 : i32
        %rem3A_196 = arith.constant 2 : i32
        %rem3A_197 = arith.remui %scan3A_124, %rem3A_196 : i32
        %run_scoped3A_198 = arith.constant 0 : i32
        "tpu.trace_start"() <{level = 10 : i32, message = "ep_run_kernel"}> : () -> ()
        "tpu.region"() ({
          %run_scoped3A_264 = tpu.sem_alloc : memref<!tpu.dma_semaphore, #tpu.memory_space<semaphore_mem>>
          %dma_start3A_265 = arith.constant 0 : i32
          %dma_start3A_266 = arith.constant 0 : i32
          %dma_start3A_267 = tpu.memref_slice %run_scoped3A_8[%rem3A_197, %dma_start3A_265, %dma_start3A_266] : memref<2x128x128xf32, #tpu.memory_space<vmem>> -> memref<1x128x128xf32, #tpu.memory_space<vmem>>
          %dma_start3A_268 = tpu.memref_squeeze %dma_start3A_267 : memref<1x128x128xf32, #tpu.memory_space<vmem>> -> memref<128x128xf32, #tpu.memory_space<vmem>>
          %dma_start3A_269 = arith.constant 0 : i32
          %dma_start3A_270 = arith.constant 0 : i32
          %dma_start3A_271 = tpu.memref_slice %run_scoped3A[%rem3A_195, %dma_start3A_269, %dma_start3A_270] : memref<2x1x128xi32, #tpu.memory_space<vmem>> -> memref<1x1x128xi32, #tpu.memory_space<vmem>>
          %dma_start3A_272 = tpu.memref_squeeze %dma_start3A_271 : memref<1x1x128xi32, #tpu.memory_space<vmem>> -> memref<1x128xi32, #tpu.memory_space<vmem>>
          %dma_start3A_273 = arith.constant 0 : i32
          %dma_start3A_274 = tpu.memref_slice %dma_start3A_272[%run_scoped3A_198, %dma_start3A_273] : memref<1x128xi32, #tpu.memory_space<vmem>> -> memref<1x128xi32, #tpu.memory_space<vmem>>
          %dma_start3A_275 = tpu.memref_squeeze %dma_start3A_274 : memref<1x128xi32, #tpu.memory_space<vmem>> -> memref<128xi32, #tpu.memory_space<vmem>>
          %dma_start3A_276 = arith.constant 0 : i32
          %dma_start3A_277 = arith.constant 0 : i32
          %dma_start3A_278 = tpu.memref_slice %arg2[%dma_start3A_276, %dma_start3A_277] : memref<802816x128xf32, #tpu.memory_space<hbm>> -> memref<802816x128xf32, #tpu.memory_space<hbm>>
          tpu.enqueue_indirect_dma source(%dma_start3A_278 : memref<802816x128xf32, #tpu.memory_space<hbm>>) target(%dma_start3A_268 : memref<128x128xf32, #tpu.memory_space<vmem>>) offsets(%dma_start3A_275 : memref<128xi32, #tpu.memory_space<vmem>>) semaphore(%run_scoped3A_264 : memref<!tpu.dma_semaphore, #tpu.memory_space<semaphore_mem>>)
          %dma_wait3A_279 = arith.constant 0 : i32
          %dma_wait3A_280 = arith.constant 0 : i32
          %dma_wait3A_281 = tpu.memref_slice %run_scoped3A_8[%rem3A_197, %dma_wait3A_279, %dma_wait3A_280] : memref<2x128x128xf32, #tpu.memory_space<vmem>> -> memref<1x128x128xf32, #tpu.memory_space<vmem>>
          %dma_wait3A_282 = tpu.memref_squeeze %dma_wait3A_281 : memref<1x128x128xf32, #tpu.memory_space<vmem>> -> memref<128x128xf32, #tpu.memory_space<vmem>>
          %dma_wait3A_283 = arith.constant 0 : i32
          %dma_wait3A_284 = arith.constant 0 : i32
          %dma_wait3A_285 = tpu.memref_slice %run_scoped3A[%rem3A_195, %dma_wait3A_283, %dma_wait3A_284] : memref<2x1x128xi32, #tpu.memory_space<vmem>> -> memref<1x1x128xi32, #tpu.memory_space<vmem>>
          %dma_wait3A_286 = tpu.memref_squeeze %dma_wait3A_285 : memref<1x1x128xi32, #tpu.memory_space<vmem>> -> memref<1x128xi32, #tpu.memory_space<vmem>>
          %dma_wait3A_287 = arith.constant 0 : i32
          %dma_wait3A_288 = tpu.memref_slice %dma_wait3A_286[%run_scoped3A_198, %dma_wait3A_287] : memref<1x128xi32, #tpu.memory_space<vmem>> -> memref<1x128xi32, #tpu.memory_space<vmem>>
          %dma_wait3A_289 = tpu.memref_squeeze %dma_wait3A_288 : memref<1x128xi32, #tpu.memory_space<vmem>> -> memref<128xi32, #tpu.memory_space<vmem>>
          %dma_wait3A_290 = arith.constant 0 : i32
          %dma_wait3A_291 = arith.constant 0 : i32
          %dma_wait3A_292 = tpu.memref_slice %arg2[%dma_wait3A_290, %dma_wait3A_291] : memref<802816x128xf32, #tpu.memory_space<hbm>> -> memref<802816x128xf32, #tpu.memory_space<hbm>>
          tpu.wait_indirect_dma semaphore(%run_scoped3A_264 : memref<!tpu.dma_semaphore, #tpu.memory_space<semaphore_mem>>) src(%dma_wait3A_292 : memref<802816x128xf32, #tpu.memory_space<hbm>>) dst(%dma_wait3A_282 : memref<128x128xf32, #tpu.memory_space<vmem>>)
          tpu.yield
        }) : () -> ()
        "tpu.trace_stop"() : () -> ()
        %ne3A_199 = arith.cmpi ne, %add3A_131, %add3A_149 : i32
        %or3A_200 = arith.constant false
        %or3A_201 = arith.ori %or3A_200, %ne3A_199 : i1
        %or3A_202 = arith.ori %or3A_201, %eq3A_130 : i1
        %convert_element_type3A_203 = arith.extui %or3A_202 : i1 to i32
        %cond3A_204 = arith.constant 0 : i32
        %cond3A_205 = arith.cmpi ne, %convert_element_type3A_203, %cond3A_204 : i32
        scf.if %cond3A_205 {
        } else {
        }
        %and3A_206 = arith.constant false
        %and3A_207 = arith.andi %or3A_202, %and3A_206 : i1
        %ne3A_208 = arith.cmpi ne, %add3A_131, %add3A_149 : i32
        %or3A_209 = arith.constant false
        %or3A_210 = arith.ori %or3A_209, %ne3A_208 : i1
        %or3A_211 = arith.constant false
        %or3A_212 = arith.ori %or3A_210, %or3A_211 : i1
        %or3A_213 = arith.ori %or3A_212, %eq3A_130 : i1
        %convert_element_type3A_214 = arith.extui %or3A_213 : i1 to i32
        %cond3A_215 = arith.constant 0 : i32
        %cond3A_216 = arith.cmpi ne, %convert_element_type3A_214, %cond3A_215 : i32
        scf.if %cond3A_216 {
          "tpu.trace_start"() <{level = 10 : i32, message = "ep_copy_out"}> : () -> ()
          %rem3A_264 = arith.constant 2 : i32
          %rem3A_265 = arith.remui %scan3A_124, %rem3A_264 : i32
          %mul3A_266 = arith.constant 128 : i32
          %mul3A_267 = arith.muli %mul3A_266, %add3A_131 : i32
          %dma_start3A_268 = arith.constant 0 : i32
          %dma_start3A_269 = arith.constant 0 : i32
          %dma_start3A_270 = tpu.memref_slice %run_scoped3A_8[%rem3A_265, %dma_start3A_268, %dma_start3A_269] : memref<2x128x128xf32, #tpu.memory_space<vmem>> -> memref<1x128x128xf32, #tpu.memory_space<vmem>>
          %dma_start3A_271 = tpu.memref_squeeze %dma_start3A_270 : memref<1x128x128xf32, #tpu.memory_space<vmem>> -> memref<128x128xf32, #tpu.memory_space<vmem>>
          %dma_start3A_272 = arith.constant 0 : i32
          %dma_start3A_273 = tpu.memref_slice %arg4[%mul3A_267, %dma_start3A_272] : memref<16384x128xf32, #tpu.memory_space<hbm>> -> memref<128x128xf32, #tpu.memory_space<hbm>>
          %dma_start3A_274 = tpu.memref_slice %run_scoped3A_9[%rem3A_265] : memref<2x!tpu.dma_semaphore, #tpu.memory_space<semaphore_mem>> -> memref<1x!tpu.dma_semaphore, #tpu.memory_space<semaphore_mem>>
          %dma_start3A_275 = tpu.memref_squeeze %dma_start3A_274 : memref<1x!tpu.dma_semaphore, #tpu.memory_space<semaphore_mem>> -> memref<!tpu.dma_semaphore, #tpu.memory_space<semaphore_mem>>
          %dma_start3A_276 = arith.constant 0 : i32
          %dma_start3A_277 = tpu.memref_slice %arg4[%mul3A_267, %dma_start3A_276] : memref<16384x128xf32, #tpu.memory_space<hbm>> -> memref<128x128xf32, #tpu.memory_space<hbm>>
          %dma_start3A_278 = arith.constant 0 : i32
          %dma_start3A_279 = arith.constant 0 : i32
          %dma_start3A_280 = tpu.memref_slice %run_scoped3A_8[%rem3A_265, %dma_start3A_278, %dma_start3A_279] : memref<2x128x128xf32, #tpu.memory_space<vmem>> -> memref<1x128x128xf32, #tpu.memory_space<vmem>>
          %dma_start3A_281 = tpu.memref_squeeze %dma_start3A_280 : memref<1x128x128xf32, #tpu.memory_space<vmem>> -> memref<128x128xf32, #tpu.memory_space<vmem>>
          tpu.enqueue_dma source(%dma_start3A_281 : memref<128x128xf32, #tpu.memory_space<vmem>>) target(%dma_start3A_277 : memref<128x128xf32, #tpu.memory_space<hbm>>) target_semaphore(%dma_start3A_275 : memref<!tpu.dma_semaphore, #tpu.memory_space<semaphore_mem>>)
          "tpu.trace_stop"() : () -> ()
        } else {
        }
        %and3A_217 = arith.constant true
        %and3A_218 = arith.andi %or3A_213, %and3A_217 : i1
        %add3A_219 = arith.constant 1 : i32
        %add3A_220 = arith.addi %scan3A_124, %add3A_219 : i32
        %select_n3A_221 = arith.select %and3A_218, %add3A_220, %scan3A_124 : i32
        %ne3A_222 = arith.cmpi ne, %add3A_131, %add3A_140 : i32
        %or3A_223 = arith.constant false
        %or3A_224 = arith.ori %or3A_223, %ne3A_222 : i1
        %not3A_225 = arith.constant true
        %not3A_226 = arith.xori %eq3A_128, %not3A_225 : i1
        %and3A_227 = arith.andi %or3A_224, %not3A_226 : i1
        %convert_element_type3A_228 = arith.extui %and3A_227 : i1 to i32
        %cond3A_229 = arith.constant 0 : i32
        %cond3A_230 = arith.cmpi ne, %convert_element_type3A_228, %cond3A_229 : i32
        scf.if %cond3A_230 {
        } else {
        }
        %and3A_231 = arith.constant false
        %and3A_232 = arith.andi %and3A_227, %and3A_231 : i1
        %ne3A_233 = arith.cmpi ne, %add3A_131, %add3A_140 : i32
        %or3A_234 = arith.constant false
        %or3A_235 = arith.ori %or3A_234, %ne3A_233 : i1
        %or3A_236 = arith.constant false
        %or3A_237 = arith.ori %or3A_235, %or3A_236 : i1
        %not3A_238 = arith.constant true
        %not3A_239 = arith.xori %eq3A_128, %not3A_238 : i1
        %and3A_240 = arith.andi %or3A_237, %not3A_239 : i1
        %convert_element_type3A_241 = arith.extui %and3A_240 : i1 to i32
        %cond3A_242 = arith.constant 0 : i32
        %cond3A_243 = arith.cmpi ne, %convert_element_type3A_241, %cond3A_242 : i32
        scf.if %cond3A_243 {
          "tpu.trace_start"() <{level = 10 : i32, message = "ep_wait_out"}> : () -> ()
          %rem3A_264 = arith.constant 2 : i32
          %rem3A_265 = arith.remui %scan3A_125, %rem3A_264 : i32
          %mul3A_266 = arith.constant 128 : i32
          %mul3A_267 = arith.muli %mul3A_266, %add3A_140 : i32
          %dma_wait3A_268 = arith.constant 0 : i32
          %dma_wait3A_269 = arith.constant 0 : i32
          %dma_wait3A_270 = tpu.memref_slice %run_scoped3A_8[%rem3A_265, %dma_wait3A_268, %dma_wait3A_269] : memref<2x128x128xf32, #tpu.memory_space<vmem>> -> memref<1x128x128xf32, #tpu.memory_space<vmem>>
          %dma_wait3A_271 = tpu.memref_squeeze %dma_wait3A_270 : memref<1x128x128xf32, #tpu.memory_space<vmem>> -> memref<128x128xf32, #tpu.memory_space<vmem>>
          %dma_wait3A_272 = arith.constant 0 : i32
          %dma_wait3A_273 = tpu.memref_slice %arg4[%mul3A_267, %dma_wait3A_272] : memref<16384x128xf32, #tpu.memory_space<hbm>> -> memref<128x128xf32, #tpu.memory_space<hbm>>
          %dma_wait3A_274 = tpu.memref_slice %run_scoped3A_9[%rem3A_265] : memref<2x!tpu.dma_semaphore, #tpu.memory_space<semaphore_mem>> -> memref<1x!tpu.dma_semaphore, #tpu.memory_space<semaphore_mem>>
          %dma_wait3A_275 = tpu.memref_squeeze %dma_wait3A_274 : memref<1x!tpu.dma_semaphore, #tpu.memory_space<semaphore_mem>> -> memref<!tpu.dma_semaphore, #tpu.memory_space<semaphore_mem>>
          %dma_wait3A_276 = arith.constant 0 : i32
          %dma_wait3A_277 = tpu.memref_slice %arg4[%mul3A_267, %dma_wait3A_276] : memref<16384x128xf32, #tpu.memory_space<hbm>> -> memref<128x128xf32, #tpu.memory_space<hbm>>
          %dma_wait3A_278 = arith.constant 0 : i32
          %dma_wait3A_279 = arith.constant 0 : i32
          %dma_wait3A_280 = tpu.memref_slice %run_scoped3A_8[%rem3A_265, %dma_wait3A_278, %dma_wait3A_279] : memref<2x128x128xf32, #tpu.memory_space<vmem>> -> memref<1x128x128xf32, #tpu.memory_space<vmem>>
          %dma_wait3A_281 = tpu.memref_squeeze %dma_wait3A_280 : memref<1x128x128xf32, #tpu.memory_space<vmem>> -> memref<128x128xf32, #tpu.memory_space<vmem>>
          tpu.wait_dma2 semaphore(%dma_wait3A_275 : memref<!tpu.dma_semaphore, #tpu.memory_space<semaphore_mem>>) src(%dma_wait3A_281 : memref<128x128xf32, #tpu.memory_space<vmem>>) dst(%dma_wait3A_277 : memref<128x128xf32, #tpu.memory_space<hbm>>)
          "tpu.trace_stop"() : () -> ()
        } else {
        }
        %and3A_244 = arith.constant true
        %and3A_245 = arith.andi %and3A_240, %and3A_244 : i1
        %add3A_246 = arith.constant 1 : i32
        %add3A_247 = arith.addi %scan3A_125, %add3A_246 : i32
        %select_n3A_248 = arith.select %and3A_245, %add3A_247, %scan3A_125 : i32
        %ne3A_249 = arith.cmpi ne, %add3A_131, %add3A_149 : i32
        %or3A_250 = arith.constant false
        %or3A_251 = arith.ori %or3A_250, %ne3A_249 : i1
        %or3A_252 = arith.ori %or3A_251, %eq3A_130 : i1
        %add3A_253 = arith.constant 1 : i32
        %add3A_254 = arith.addi %scan3A_123, %add3A_253 : i32
        %select_n3A_255 = arith.select %or3A_252, %add3A_254, %scan3A_123 : i32
        %add3A_256 = arith.constant 1 : i32
        %add3A_257 = arith.addi %scan3A_126, %add3A_256 : i32
        %select_n3A_258 = arith.constant true
        %select_n3A_259 = arith.select %select_n3A_258, %add3A_257, %scan3A_126 : i32
        %eq3A_260 = arith.constant 4 : i32
        %eq3A_261 = arith.cmpi eq, %select_n3A_259, %eq3A_260 : i32
        %select_n3A_262 = arith.constant 0 : i32
        %select_n3A_263 = arith.select %eq3A_261, %select_n3A_262, %select_n3A_259 : i32
        scf.yield %select_n3A_167, %select_n3A_255, %select_n3A_221, %select_n3A_248, %select_n3A_263 : i32, i32, i32, i32, i32
      }
      %scan3A_68 = arith.constant 4 : i32
      %sub3A = arith.constant 1 : i32
      %sub3A_69 = arith.subi %scan3A_67#4, %sub3A : i32
      %select_n3A_70 = arith.constant true
      %select_n3A_71 = arith.select %select_n3A_70, %sub3A_69, %scan3A_67#4 : i32
      %eq3A_72 = arith.constant -1 : i32
      %eq3A_73 = arith.cmpi eq, %select_n3A_71, %eq3A_72 : i32
      %select_n3A_74 = arith.constant 3 : i32
      %select_n3A_75 = arith.select %eq3A_73, %select_n3A_74, %select_n3A_71 : i32
      %add3A_76 = arith.addi %select_n3A_75, %mul3A_6 : i32
      %sub3A_77 = arith.constant 1 : i32
      %sub3A_78 = arith.subi %select_n3A_75, %sub3A_77 : i32
      %select_n3A_79 = arith.constant true
      %select_n3A_80 = arith.select %select_n3A_79, %sub3A_78, %select_n3A_75 : i32
      %eq3A_81 = arith.constant -1 : i32
      %eq3A_82 = arith.cmpi eq, %select_n3A_80, %eq3A_81 : i32
      %select_n3A_83 = arith.constant 3 : i32
      %select_n3A_84 = arith.select %eq3A_82, %select_n3A_83, %select_n3A_80 : i32
      %add3A_85 = arith.addi %select_n3A_84, %mul3A_6 : i32
      %add3A_86 = arith.constant 1 : i32
      %add3A_87 = arith.addi %select_n3A_75, %add3A_86 : i32
      %select_n3A_88 = arith.constant true
      %select_n3A_89 = arith.select %select_n3A_88, %add3A_87, %select_n3A_75 : i32
      %eq3A_90 = arith.constant 4 : i32
      %eq3A_91 = arith.cmpi eq, %select_n3A_89, %eq3A_90 : i32
      %select_n3A_92 = arith.constant 0 : i32
      %select_n3A_93 = arith.select %eq3A_91, %select_n3A_92, %select_n3A_89 : i32
      %add3A_94 = arith.addi %select_n3A_93, %mul3A_6 : i32
      %add3A_95 = arith.constant 1 : i32
      %add3A_96 = arith.addi %select_n3A_93, %add3A_95 : i32
      %select_n3A_97 = arith.constant true
      %select_n3A_98 = arith.select %select_n3A_97, %add3A_96, %select_n3A_93 : i32
      %eq3A_99 = arith.constant 4 : i32
      %eq3A_100 = arith.cmpi eq, %select_n3A_98, %eq3A_99 : i32
      %select_n3A_101 = arith.constant 0 : i32
      %select_n3A_102 = arith.select %eq3A_100, %select_n3A_101, %select_n3A_98 : i32
      %add3A_103 = arith.addi %select_n3A_102, %mul3A_6 : i32
      "tpu.trace_start"() <{level = 10 : i32, message = "ep_finalize"}> : () -> ()
      %rem3A_104 = arith.constant 2 : i32
      %rem3A_105 = arith.remui %scan3A_67#3, %rem3A_104 : i32
      %mul3A_106 = arith.constant 128 : i32
      %mul3A_107 = arith.muli %mul3A_106, %add3A_76 : i32
      %dma_wait3A = arith.constant 0 : i32
      %dma_wait3A_108 = arith.constant 0 : i32
      %dma_wait3A_109 = tpu.memref_slice %run_scoped3A_8[%rem3A_105, %dma_wait3A, %dma_wait3A_108] : memref<2x128x128xf32, #tpu.memory_space<vmem>> -> memref<1x128x128xf32, #tpu.memory_space<vmem>>
      %dma_wait3A_110 = tpu.memref_squeeze %dma_wait3A_109 : memref<1x128x128xf32, #tpu.memory_space<vmem>> -> memref<128x128xf32, #tpu.memory_space<vmem>>
      %dma_wait3A_111 = arith.constant 0 : i32
      %dma_wait3A_112 = tpu.memref_slice %arg4[%mul3A_107, %dma_wait3A_111] : memref<16384x128xf32, #tpu.memory_space<hbm>> -> memref<128x128xf32, #tpu.memory_space<hbm>>
      %dma_wait3A_113 = tpu.memref_slice %run_scoped3A_9[%rem3A_105] : memref<2x!tpu.dma_semaphore, #tpu.memory_space<semaphore_mem>> -> memref<1x!tpu.dma_semaphore, #tpu.memory_space<semaphore_mem>>
      %dma_wait3A_114 = tpu.memref_squeeze %dma_wait3A_113 : memref<1x!tpu.dma_semaphore, #tpu.memory_space<semaphore_mem>> -> memref<!tpu.dma_semaphore, #tpu.memory_space<semaphore_mem>>
      %dma_wait3A_115 = arith.constant 0 : i32
      %dma_wait3A_116 = tpu.memref_slice %arg4[%mul3A_107, %dma_wait3A_115] : memref<16384x128xf32, #tpu.memory_space<hbm>> -> memref<128x128xf32, #tpu.memory_space<hbm>>
      %dma_wait3A_117 = arith.constant 0 : i32
      %dma_wait3A_118 = arith.constant 0 : i32
      %dma_wait3A_119 = tpu.memref_slice %run_scoped3A_8[%rem3A_105, %dma_wait3A_117, %dma_wait3A_118] : memref<2x128x128xf32, #tpu.memory_space<vmem>> -> memref<1x128x128xf32, #tpu.memory_space<vmem>>
      %dma_wait3A_120 = tpu.memref_squeeze %dma_wait3A_119 : memref<1x128x128xf32, #tpu.memory_space<vmem>> -> memref<128x128xf32, #tpu.memory_space<vmem>>
      tpu.wait_dma2 semaphore(%dma_wait3A_114 : memref<!tpu.dma_semaphore, #tpu.memory_space<semaphore_mem>>) src(%dma_wait3A_120 : memref<128x128xf32, #tpu.memory_space<vmem>>) dst(%dma_wait3A_116 : memref<128x128xf32, #tpu.memory_space<hbm>>)
      "tpu.trace_stop"() : () -> ()
      tpu.yield
    }) : () -> ()
    return
  }
}

#map = affine_map<(d0, d1) -> (0, 0)>
module attributes {stable_mosaic.version = 14 : i64} {
  func.func @gk(%arg0: i32, %arg1: i32, %arg2: memref<100000x128xf32, #tpu.memory_space<hbm>>, %arg3: memref<784x128xf32, #tpu.memory_space<hbm>>, %arg4: memref<1x10240xi32, #tpu.memory_space<hbm>>, %arg5: memref<1x10240xi32, #tpu.memory_space<hbm>>, %arg6: memref<10240x128xf32, #tpu.memory_space<hbm>>, %arg7: memref<10240x128xf32, #tpu.memory_space<hbm>>) attributes {dimension_semantics = [#tpu.dimension_semantics<core_parallel>, #tpu.dimension_semantics<subcore_parallel>], iteration_bounds = array<i64: 2, 16>, scalar_prefetch = 0 : i64, scratch_operands = 0 : i64, tpu.core_type = #tpu.core_type<sc_vector_subcore>, window_params = [{transform_indices = #map}, {transform_indices = #map}, {transform_indices = #map}, {transform_indices = #map}, {transform_indices = #map}, {transform_indices = #map}]} {
    %mul3A = arith.constant 1 : i32
    %mul3A_0 = arith.muli %arg1, %mul3A : i32
    %add3A = arith.constant 0 : i32
    %add3A_1 = arith.addi %add3A, %mul3A_0 : i32
    %mul3A_2 = arith.constant 16 : i32
    %mul3A_3 = arith.muli %arg0, %mul3A_2 : i32
    %add3A_4 = arith.addi %add3A_1, %mul3A_3 : i32
    %lt3A = arith.constant 16 : i32
    %lt3A_5 = arith.cmpi slt, %add3A_4, %lt3A : i32
    %jit3A = arith.constant 3 : i32
    %jit3A_6 = arith.constant 2 : i32
    %select_n3A = arith.select %lt3A_5, %jit3A, %jit3A_6 : i32
    %lt3A_7 = arith.constant 16 : i32
    %lt3A_8 = arith.cmpi slt, %add3A_4, %lt3A_7 : i32
    %mul3A_9 = arith.muli %add3A_4, %select_n3A : i32
    %mul3A_10 = arith.constant 2 : i32
    %mul3A_11 = arith.muli %add3A_4, %mul3A_10 : i32
    %add3A_12 = arith.constant 16 : i32
    %add3A_13 = arith.addi %mul3A_11, %add3A_12 : i32
    %select_n3A_14 = arith.select %lt3A_8, %mul3A_9, %add3A_13 : i32
    %mul3A_15 = arith.constant 1 : i32
    %mul3A_16 = arith.muli %mul3A_15, %select_n3A : i32
    "tpu.region"() ({
      %run_scoped3A = memref.alloca() : memref<2x1x128xi32, #tpu.memory_space<vmem>>
      %run_scoped3A_17 = tpu.sem_alloc : memref<2x!tpu.dma_semaphore, #tpu.memory_space<semaphore_mem>>
      %run_scoped3A_18 = memref.alloca() : memref<2x1x128xi32, #tpu.memory_space<vmem>>
      %run_scoped3A_19 = tpu.sem_alloc : memref<2x!tpu.dma_semaphore, #tpu.memory_space<semaphore_mem>>
      %run_scoped3A_20 = memref.alloca() : memref<2x128x128xf32, #tpu.memory_space<vmem>>
      %run_scoped3A_21 = tpu.sem_alloc : memref<2x!tpu.dma_semaphore, #tpu.memory_space<semaphore_mem>>
      %run_scoped3A_22 = memref.alloca() : memref<2x128x128xf32, #tpu.memory_space<vmem>>
      %run_scoped3A_23 = tpu.sem_alloc : memref<2x!tpu.dma_semaphore, #tpu.memory_space<semaphore_mem>>
      %gt3A = arith.constant 0 : i32
      %gt3A_24 = arith.cmpi sgt, %mul3A_16, %gt3A : i32
      %convert_element_type3A = arith.extui %gt3A_24 : i1 to i32
      %cond3A = arith.constant 0 : i32
      %cond3A_25 = arith.cmpi ne, %convert_element_type3A, %cond3A : i32
      scf.if %cond3A_25 {
        %mul3A_26 = arith.constant 1 : i32
        %mul3A_27 = arith.muli %mul3A_26, %select_n3A : i32
        %sub3A = arith.constant 1 : i32
        %sub3A_28 = arith.subi %mul3A_27, %sub3A : i32
        %eq3A = arith.constant 0 : i32
        %eq3A_29 = arith.cmpi eq, %sub3A_28, %eq3A : i32
        %add3A_30 = arith.constant 0 : i32
        %add3A_31 = arith.addi %add3A_30, %select_n3A_14 : i32
        %select_n3A_32 = arith.constant true
        %select_n3A_33 = arith.constant 0 : i32
        %select_n3A_34 = arith.constant -1 : i32
        %select_n3A_35 = arith.select %select_n3A_32, %select_n3A_34, %select_n3A_33 : i32
        %eq3A_36 = arith.constant -1 : i32
        %eq3A_37 = arith.cmpi eq, %select_n3A_35, %eq3A_36 : i32
        %sub3A_38 = arith.constant 1 : i32
        %sub3A_39 = arith.subi %select_n3A, %sub3A_38 : i32
        %select_n3A_40 = arith.select %eq3A_37, %sub3A_39, %select_n3A_35 : i32
        %add3A_41 = arith.addi %select_n3A_40, %select_n3A_14 : i32
        %select_n3A_42 = arith.constant true
        %select_n3A_43 = arith.constant 0 : i32
        %select_n3A_44 = arith.constant 1 : i32
        %select_n3A_45 = arith.select %select_n3A_42, %select_n3A_44, %select_n3A_43 : i32
        %eq3A_46 = arith.cmpi eq, %select_n3A_45, %select_n3A : i32
        %select_n3A_47 = arith.constant 0 : i32
        %select_n3A_48 = arith.select %eq3A_46, %select_n3A_47, %select_n3A_45 : i32
        %add3A_49 = arith.addi %select_n3A_48, %select_n3A_14 : i32
        %add3A_50 = arith.constant 1 : i32
        %add3A_51 = arith.addi %select_n3A_48, %add3A_50 : i32
        %select_n3A_52 = arith.constant true
        %select_n3A_53 = arith.select %select_n3A_52, %add3A_51, %select_n3A_48 : i32
        %eq3A_54 = arith.cmpi eq, %select_n3A_53, %select_n3A : i32
        %select_n3A_55 = arith.constant 0 : i32
        %select_n3A_56 = arith.select %eq3A_54, %select_n3A_55, %select_n3A_53 : i32
        %add3A_57 = arith.addi %select_n3A_56, %select_n3A_14 : i32
        "tpu.trace_start"() <{level = 10 : i32, message = "ep_initialize_0"}> : () -> ()
        %rem3A = arith.constant 0 : i32
        %rem3A_58 = arith.constant 2 : i32
        %rem3A_59 = arith.remui %rem3A, %rem3A_58 : i32
        %mul3A_60 = arith.constant 128 : i32
        %mul3A_61 = arith.muli %mul3A_60, %add3A_31 : i32
        %dma_start3A = arith.constant 0 : i32
        %dma_start3A_62 = arith.constant 0 : i32
        %dma_start3A_63 = tpu.memref_slice %run_scoped3A[%rem3A_59, %dma_start3A, %dma_start3A_62] : memref<2x1x128xi32, #tpu.memory_space<vmem>> -> memref<1x1x128xi32, #tpu.memory_space<vmem>>
        %dma_start3A_64 = tpu.memref_squeeze %dma_start3A_63 : memref<1x1x128xi32, #tpu.memory_space<vmem>> -> memref<1x128xi32, #tpu.memory_space<vmem>>
        %dma_start3A_65 = arith.constant 0 : i32
        %dma_start3A_66 = tpu.memref_slice %arg4[%dma_start3A_65, %mul3A_61] : memref<1x10240xi32, #tpu.memory_space<hbm>> -> memref<1x128xi32, #tpu.memory_space<hbm>>
        %dma_start3A_67 = tpu.memref_slice %run_scoped3A_17[%rem3A_59] : memref<2x!tpu.dma_semaphore, #tpu.memory_space<semaphore_mem>> -> memref<1x!tpu.dma_semaphore, #tpu.memory_space<semaphore_mem>>
        %dma_start3A_68 = tpu.memref_squeeze %dma_start3A_67 : memref<1x!tpu.dma_semaphore, #tpu.memory_space<semaphore_mem>> -> memref<!tpu.dma_semaphore, #tpu.memory_space<semaphore_mem>>
        %dma_start3A_69 = arith.constant 0 : i32
        %dma_start3A_70 = arith.constant 0 : i32
        %dma_start3A_71 = tpu.memref_slice %run_scoped3A[%rem3A_59, %dma_start3A_69, %dma_start3A_70] : memref<2x1x128xi32, #tpu.memory_space<vmem>> -> memref<1x1x128xi32, #tpu.memory_space<vmem>>
        %dma_start3A_72 = tpu.memref_squeeze %dma_start3A_71 : memref<1x1x128xi32, #tpu.memory_space<vmem>> -> memref<1x128xi32, #tpu.memory_space<vmem>>
        %dma_start3A_73 = arith.constant 0 : i32
        %dma_start3A_74 = tpu.memref_slice %arg4[%dma_start3A_73, %mul3A_61] : memref<1x10240xi32, #tpu.memory_space<hbm>> -> memref<1x128xi32, #tpu.memory_space<hbm>>
        tpu.enqueue_dma source(%dma_start3A_74 : memref<1x128xi32, #tpu.memory_space<hbm>>) target(%dma_start3A_72 : memref<1x128xi32, #tpu.memory_space<vmem>>) target_semaphore(%dma_start3A_68 : memref<!tpu.dma_semaphore, #tpu.memory_space<semaphore_mem>>)
        %add3A_75 = arith.constant 0 : i32
        %add3A_76 = arith.constant 1 : i32
        %add3A_77 = arith.addi %add3A_75, %add3A_76 : i32
        %select_n3A_78 = arith.constant true
        %select_n3A_79 = arith.constant 0 : i32
        %select_n3A_80 = arith.select %select_n3A_78, %add3A_77, %select_n3A_79 : i32
        %rem3A_81 = arith.constant 0 : i32
        %rem3A_82 = arith.constant 2 : i32
        %rem3A_83 = arith.remui %rem3A_81, %rem3A_82 : i32
        %mul3A_84 = arith.constant 128 : i32
        %mul3A_85 = arith.muli %mul3A_84, %add3A_31 : i32
        %dma_start3A_86 = arith.constant 0 : i32
        %dma_start3A_87 = arith.constant 0 : i32
        %dma_start3A_88 = tpu.memref_slice %run_scoped3A_18[%rem3A_83, %dma_start3A_86, %dma_start3A_87] : memref<2x1x128xi32, #tpu.memory_space<vmem>> -> memref<1x1x128xi32, #tpu.memory_space<vmem>>
        %dma_start3A_89 = tpu.memref_squeeze %dma_start3A_88 : memref<1x1x128xi32, #tpu.memory_space<vmem>> -> memref<1x128xi32, #tpu.memory_space<vmem>>
        %dma_start3A_90 = arith.constant 0 : i32
        %dma_start3A_91 = tpu.memref_slice %arg5[%dma_start3A_90, %mul3A_85] : memref<1x10240xi32, #tpu.memory_space<hbm>> -> memref<1x128xi32, #tpu.memory_space<hbm>>
        %dma_start3A_92 = tpu.memref_slice %run_scoped3A_19[%rem3A_83] : memref<2x!tpu.dma_semaphore, #tpu.memory_space<semaphore_mem>> -> memref<1x!tpu.dma_semaphore, #tpu.memory_space<semaphore_mem>>
        %dma_start3A_93 = tpu.memref_squeeze %dma_start3A_92 : memref<1x!tpu.dma_semaphore, #tpu.memory_space<semaphore_mem>> -> memref<!tpu.dma_semaphore, #tpu.memory_space<semaphore_mem>>
        %dma_start3A_94 = arith.constant 0 : i32
        %dma_start3A_95 = arith.constant 0 : i32
        %dma_start3A_96 = tpu.memref_slice %run_scoped3A_18[%rem3A_83, %dma_start3A_94, %dma_start3A_95] : memref<2x1x128xi32, #tpu.memory_space<vmem>> -> memref<1x1x128xi32, #tpu.memory_space<vmem>>
        %dma_start3A_97 = tpu.memref_squeeze %dma_start3A_96 : memref<1x1x128xi32, #tpu.memory_space<vmem>> -> memref<1x128xi32, #tpu.memory_space<vmem>>
        %dma_start3A_98 = arith.constant 0 : i32
        %dma_start3A_99 = tpu.memref_slice %arg5[%dma_start3A_98, %mul3A_85] : memref<1x10240xi32, #tpu.memory_space<hbm>> -> memref<1x128xi32, #tpu.memory_space<hbm>>
        tpu.enqueue_dma source(%dma_start3A_99 : memref<1x128xi32, #tpu.memory_space<hbm>>) target(%dma_start3A_97 : memref<1x128xi32, #tpu.memory_space<vmem>>) target_semaphore(%dma_start3A_93 : memref<!tpu.dma_semaphore, #tpu.memory_space<semaphore_mem>>)
        %add3A_100 = arith.constant 0 : i32
        %add3A_101 = arith.constant 1 : i32
        %add3A_102 = arith.addi %add3A_100, %add3A_101 : i32
        %select_n3A_103 = arith.constant true
        %select_n3A_104 = arith.constant 0 : i32
        %select_n3A_105 = arith.select %select_n3A_103, %add3A_102, %select_n3A_104 : i32
        %while3A = arith.constant 0 : i32
        %while3A_106 = arith.constant 0 : i32
        %while3A_107 = arith.constant 0 : i32
        %while3A_108 = arith.constant 0 : i32
        %while3A_109 = arith.constant 0 : i32
        %while3A_110 = arith.constant 0 : i32
        %while3A_111 = arith.constant 0 : i32
        %while3A_112 = arith.constant 0 : i32
        "tpu.trace_stop"() : () -> ()
        %while3A_113 = arith.subi %mul3A_16, %while3A : i32
        %while3A_114 = arith.addi %while3A, %while3A_113 : i32
        %while3A_115 = arith.constant 1 : i32
        %while3A_116 = arith.divsi %while3A_113, %while3A_115 : i32
        %while3A_117 = arith.muli %while3A_116, %while3A_115 : i32
        %while3A_118 = arith.addi %while3A, %while3A_117 : i32
        %while3A_119 = arith.constant 1 : i32
        %while3A_120:9 = scf.for %while3A_180 = %while3A to %while3A_118 step %while3A_119 iter_args(%while3A_181 = %select_n3A_80, %while3A_182 = %while3A_106, %while3A_183 = %select_n3A_105, %while3A_184 = %while3A_107, %while3A_185 = %while3A_108, %while3A_186 = %while3A_109, %while3A_187 = %while3A_110, %while3A_188 = %while3A_111, %while3A_189 = %while3A_112) -> (i32, i32, i32, i32, i32, i32, i32, i32, i32)  : i32 {
          %mul3A_190 = arith.constant 1 : i32
          %mul3A_191 = arith.muli %mul3A_190, %select_n3A : i32
          %eq3A_192 = arith.constant 0 : i32
          %eq3A_193 = arith.cmpi eq, %while3A_180, %eq3A_192 : i32
          %sub3A_194 = arith.constant 1 : i32
          %sub3A_195 = arith.subi %mul3A_191, %sub3A_194 : i32
          %eq3A_196 = arith.cmpi eq, %while3A_180, %sub3A_195 : i32
          %add3A_197 = arith.addi %while3A_189, %select_n3A_14 : i32
          %sub3A_198 = arith.constant 1 : i32
          %sub3A_199 = arith.subi %while3A_189, %sub3A_198 : i32
          %select_n3A_200 = arith.constant true
          %select_n3A_201 = arith.select %select_n3A_200, %sub3A_199, %while3A_189 : i32
          %eq3A_202 = arith.constant -1 : i32
          %eq3A_203 = arith.cmpi eq, %select_n3A_201, %eq3A_202 : i32
          %sub3A_204 = arith.constant 1 : i32
          %sub3A_205 = arith.subi %select_n3A, %sub3A_204 : i32
          %select_n3A_206 = arith.select %eq3A_203, %sub3A_205, %select_n3A_201 : i32
          %add3A_207 = arith.addi %select_n3A_206, %select_n3A_14 : i32
          %add3A_208 = arith.constant 1 : i32
          %add3A_209 = arith.addi %while3A_189, %add3A_208 : i32
          %select_n3A_210 = arith.constant true
          %select_n3A_211 = arith.select %select_n3A_210, %add3A_209, %while3A_189 : i32
          %eq3A_212 = arith.cmpi eq, %select_n3A_211, %select_n3A : i32
          %select_n3A_213 = arith.constant 0 : i32
          %select_n3A_214 = arith.select %eq3A_212, %select_n3A_213, %select_n3A_211 : i32
          %add3A_215 = arith.addi %select_n3A_214, %select_n3A_14 : i32
          %add3A_216 = arith.constant 1 : i32
          %add3A_217 = arith.addi %select_n3A_214, %add3A_216 : i32
          %select_n3A_218 = arith.constant true
          %select_n3A_219 = arith.select %select_n3A_218, %add3A_217, %select_n3A_214 : i32
          %eq3A_220 = arith.cmpi eq, %select_n3A_219, %select_n3A : i32
          %select_n3A_221 = arith.constant 0 : i32
          %select_n3A_222 = arith.select %eq3A_220, %select_n3A_221, %select_n3A_219 : i32
          %add3A_223 = arith.addi %select_n3A_222, %select_n3A_14 : i32
          %ne3A = arith.cmpi ne, %add3A_197, %add3A_215 : i32
          %or3A = arith.constant false
          %or3A_224 = arith.ori %or3A, %ne3A : i1
          %sub3A_225 = arith.constant 2 : i32
          %sub3A_226 = arith.subi %mul3A_191, %sub3A_225 : i32
          %add3A_227 = arith.constant 1 : i32
          %add3A_228 = arith.addi %sub3A_226, %add3A_227 : i32
          %ge3A = arith.cmpi sge, %while3A_180, %add3A_228 : i32
          %not3A = arith.constant true
          %not3A_229 = arith.xori %ge3A, %not3A : i1
          %and3A = arith.andi %or3A_224, %not3A_229 : i1
          %convert_element_type3A_230 = arith.extui %and3A : i1 to i32
          %cond3A_231 = arith.constant 0 : i32
          %cond3A_232 = arith.cmpi ne, %convert_element_type3A_230, %cond3A_231 : i32
          scf.if %cond3A_232 {
            "tpu.trace_start"() <{level = 10 : i32, message = "ep_copy_in"}> : () -> ()
            %rem3A_446 = arith.constant 2 : i32
            %rem3A_447 = arith.remui %while3A_181, %rem3A_446 : i32
            %mul3A_448 = arith.constant 128 : i32
            %mul3A_449 = arith.muli %mul3A_448, %add3A_215 : i32
            %dma_start3A_450 = arith.constant 0 : i32
            %dma_start3A_451 = arith.constant 0 : i32
            %dma_start3A_452 = tpu.memref_slice %run_scoped3A[%rem3A_447, %dma_start3A_450, %dma_start3A_451] : memref<2x1x128xi32, #tpu.memory_space<vmem>> -> memref<1x1x128xi32, #tpu.memory_space<vmem>>
            %dma_start3A_453 = tpu.memref_squeeze %dma_start3A_452 : memref<1x1x128xi32, #tpu.memory_space<vmem>> -> memref<1x128xi32, #tpu.memory_space<vmem>>
            %dma_start3A_454 = arith.constant 0 : i32
            %dma_start3A_455 = tpu.memref_slice %arg4[%dma_start3A_454, %mul3A_449] : memref<1x10240xi32, #tpu.memory_space<hbm>> -> memref<1x128xi32, #tpu.memory_space<hbm>>
            %dma_start3A_456 = tpu.memref_slice %run_scoped3A_17[%rem3A_447] : memref<2x!tpu.dma_semaphore, #tpu.memory_space<semaphore_mem>> -> memref<1x!tpu.dma_semaphore, #tpu.memory_space<semaphore_mem>>
            %dma_start3A_457 = tpu.memref_squeeze %dma_start3A_456 : memref<1x!tpu.dma_semaphore, #tpu.memory_space<semaphore_mem>> -> memref<!tpu.dma_semaphore, #tpu.memory_space<semaphore_mem>>
            %dma_start3A_458 = arith.constant 0 : i32
            %dma_start3A_459 = arith.constant 0 : i32
            %dma_start3A_460 = tpu.memref_slice %run_scoped3A[%rem3A_447, %dma_start3A_458, %dma_start3A_459] : memref<2x1x128xi32, #tpu.memory_space<vmem>> -> memref<1x1x128xi32, #tpu.memory_space<vmem>>
            %dma_start3A_461 = tpu.memref_squeeze %dma_start3A_460 : memref<1x1x128xi32, #tpu.memory_space<vmem>> -> memref<1x128xi32, #tpu.memory_space<vmem>>
            %dma_start3A_462 = arith.constant 0 : i32
            %dma_start3A_463 = tpu.memref_slice %arg4[%dma_start3A_462, %mul3A_449] : memref<1x10240xi32, #tpu.memory_space<hbm>> -> memref<1x128xi32, #tpu.memory_space<hbm>>
            tpu.enqueue_dma source(%dma_start3A_463 : memref<1x128xi32, #tpu.memory_space<hbm>>) target(%dma_start3A_461 : memref<1x128xi32, #tpu.memory_space<vmem>>) target_semaphore(%dma_start3A_457 : memref<!tpu.dma_semaphore, #tpu.memory_space<semaphore_mem>>)
            "tpu.trace_stop"() : () -> ()
          } else {
          }
          %and3A_233 = arith.constant true
          %and3A_234 = arith.andi %and3A, %and3A_233 : i1
          %add3A_235 = arith.constant 1 : i32
          %add3A_236 = arith.addi %while3A_181, %add3A_235 : i32
          %select_n3A_237 = arith.select %and3A_234, %add3A_236, %while3A_181 : i32
          %ne3A_238 = arith.cmpi ne, %add3A_197, %add3A_215 : i32
          %or3A_239 = arith.constant false
          %or3A_240 = arith.ori %or3A_239, %ne3A_238 : i1
          %sub3A_241 = arith.constant 2 : i32
          %sub3A_242 = arith.subi %mul3A_191, %sub3A_241 : i32
          %add3A_243 = arith.constant 1 : i32
          %add3A_244 = arith.addi %sub3A_242, %add3A_243 : i32
          %ge3A_245 = arith.cmpi sge, %while3A_180, %add3A_244 : i32
          %not3A_246 = arith.constant true
          %not3A_247 = arith.xori %ge3A_245, %not3A_246 : i1
          %and3A_248 = arith.andi %or3A_240, %not3A_247 : i1
          %convert_element_type3A_249 = arith.extui %and3A_248 : i1 to i32
          %cond3A_250 = arith.constant 0 : i32
          %cond3A_251 = arith.cmpi ne, %convert_element_type3A_249, %cond3A_250 : i32
          scf.if %cond3A_251 {
            "tpu.trace_start"() <{level = 10 : i32, message = "ep_copy_in"}> : () -> ()
            %rem3A_446 = arith.constant 2 : i32
            %rem3A_447 = arith.remui %while3A_183, %rem3A_446 : i32
            %mul3A_448 = arith.constant 128 : i32
            %mul3A_449 = arith.muli %mul3A_448, %add3A_215 : i32
            %dma_start3A_450 = arith.constant 0 : i32
            %dma_start3A_451 = arith.constant 0 : i32
            %dma_start3A_452 = tpu.memref_slice %run_scoped3A_18[%rem3A_447, %dma_start3A_450, %dma_start3A_451] : memref<2x1x128xi32, #tpu.memory_space<vmem>> -> memref<1x1x128xi32, #tpu.memory_space<vmem>>
            %dma_start3A_453 = tpu.memref_squeeze %dma_start3A_452 : memref<1x1x128xi32, #tpu.memory_space<vmem>> -> memref<1x128xi32, #tpu.memory_space<vmem>>
            %dma_start3A_454 = arith.constant 0 : i32
            %dma_start3A_455 = tpu.memref_slice %arg5[%dma_start3A_454, %mul3A_449] : memref<1x10240xi32, #tpu.memory_space<hbm>> -> memref<1x128xi32, #tpu.memory_space<hbm>>
            %dma_start3A_456 = tpu.memref_slice %run_scoped3A_19[%rem3A_447] : memref<2x!tpu.dma_semaphore, #tpu.memory_space<semaphore_mem>> -> memref<1x!tpu.dma_semaphore, #tpu.memory_space<semaphore_mem>>
            %dma_start3A_457 = tpu.memref_squeeze %dma_start3A_456 : memref<1x!tpu.dma_semaphore, #tpu.memory_space<semaphore_mem>> -> memref<!tpu.dma_semaphore, #tpu.memory_space<semaphore_mem>>
            %dma_start3A_458 = arith.constant 0 : i32
            %dma_start3A_459 = arith.constant 0 : i32
            %dma_start3A_460 = tpu.memref_slice %run_scoped3A_18[%rem3A_447, %dma_start3A_458, %dma_start3A_459] : memref<2x1x128xi32, #tpu.memory_space<vmem>> -> memref<1x1x128xi32, #tpu.memory_space<vmem>>
            %dma_start3A_461 = tpu.memref_squeeze %dma_start3A_460 : memref<1x1x128xi32, #tpu.memory_space<vmem>> -> memref<1x128xi32, #tpu.memory_space<vmem>>
            %dma_start3A_462 = arith.constant 0 : i32
            %dma_start3A_463 = tpu.memref_slice %arg5[%dma_start3A_462, %mul3A_449] : memref<1x10240xi32, #tpu.memory_space<hbm>> -> memref<1x128xi32, #tpu.memory_space<hbm>>
            tpu.enqueue_dma source(%dma_start3A_463 : memref<1x128xi32, #tpu.memory_space<hbm>>) target(%dma_start3A_461 : memref<1x128xi32, #tpu.memory_space<vmem>>) target_semaphore(%dma_start3A_457 : memref<!tpu.dma_semaphore, #tpu.memory_space<semaphore_mem>>)
            "tpu.trace_stop"() : () -> ()
          } else {
          }
          %and3A_252 = arith.constant true
          %and3A_253 = arith.andi %and3A_248, %and3A_252 : i1
          %add3A_254 = arith.constant 1 : i32
          %add3A_255 = arith.addi %while3A_183, %add3A_254 : i32
          %select_n3A_256 = arith.select %and3A_253, %add3A_255, %while3A_183 : i32
          %ne3A_257 = arith.cmpi ne, %add3A_197, %add3A_215 : i32
          %or3A_258 = arith.constant false
          %or3A_259 = arith.ori %or3A_258, %ne3A_257 : i1
          %or3A_260 = arith.constant false
          %or3A_261 = arith.ori %or3A_259, %or3A_260 : i1
          %sub3A_262 = arith.constant 2 : i32
          %sub3A_263 = arith.subi %mul3A_191, %sub3A_262 : i32
          %add3A_264 = arith.constant 1 : i32
          %add3A_265 = arith.addi %sub3A_263, %add3A_264 : i32
          %ge3A_266 = arith.cmpi sge, %while3A_180, %add3A_265 : i32
          %not3A_267 = arith.constant true
          %not3A_268 = arith.xori %ge3A_266, %not3A_267 : i1
          %and3A_269 = arith.andi %or3A_261, %not3A_268 : i1
          %ne3A_270 = arith.cmpi ne, %add3A_197, %add3A_215 : i32
          %or3A_271 = arith.constant false
          %or3A_272 = arith.ori %or3A_271, %ne3A_270 : i1
          %or3A_273 = arith.constant false
          %or3A_274 = arith.ori %or3A_272, %or3A_273 : i1
          %sub3A_275 = arith.constant 2 : i32
          %sub3A_276 = arith.subi %mul3A_191, %sub3A_275 : i32
          %add3A_277 = arith.constant 1 : i32
          %add3A_278 = arith.addi %sub3A_276, %add3A_277 : i32
          %ge3A_279 = arith.cmpi sge, %while3A_180, %add3A_278 : i32
          %not3A_280 = arith.constant true
          %not3A_281 = arith.xori %ge3A_279, %not3A_280 : i1
          %and3A_282 = arith.andi %or3A_274, %not3A_281 : i1
          %ne3A_283 = arith.cmpi ne, %add3A_197, %add3A_207 : i32
          %or3A_284 = arith.constant false
          %or3A_285 = arith.ori %or3A_284, %ne3A_283 : i1
          %or3A_286 = arith.ori %or3A_285, %eq3A_193 : i1
          %convert_element_type3A_287 = arith.extui %or3A_286 : i1 to i32
          %cond3A_288 = arith.constant 0 : i32
          %cond3A_289 = arith.cmpi ne, %convert_element_type3A_287, %cond3A_288 : i32
          scf.if %cond3A_289 {
            "tpu.trace_start"() <{level = 10 : i32, message = "ep_wait_in"}> : () -> ()
            %mul3A_446 = arith.constant 128 : i32
            %mul3A_447 = arith.muli %mul3A_446, %add3A_197 : i32
            %rem3A_448 = arith.constant 2 : i32
            %rem3A_449 = arith.remui %while3A_182, %rem3A_448 : i32
            %dma_wait3A = arith.constant 0 : i32
            %dma_wait3A_450 = arith.constant 0 : i32
            %dma_wait3A_451 = tpu.memref_slice %run_scoped3A[%rem3A_449, %dma_wait3A, %dma_wait3A_450] : memref<2x1x128xi32, #tpu.memory_space<vmem>> -> memref<1x1x128xi32, #tpu.memory_space<vmem>>
            %dma_wait3A_452 = tpu.memref_squeeze %dma_wait3A_451 : memref<1x1x128xi32, #tpu.memory_space<vmem>> -> memref<1x128xi32, #tpu.memory_space<vmem>>
            %dma_wait3A_453 = arith.constant 0 : i32
            %dma_wait3A_454 = tpu.memref_slice %arg4[%dma_wait3A_453, %mul3A_447] : memref<1x10240xi32, #tpu.memory_space<hbm>> -> memref<1x128xi32, #tpu.memory_space<hbm>>
            %dma_wait3A_455 = tpu.memref_slice %run_scoped3A_17[%rem3A_449] : memref<2x!tpu.dma_semaphore, #tpu.memory_space<semaphore_mem>> -> memref<1x!tpu.dma_semaphore, #tpu.memory_space<semaphore_mem>>
            %dma_wait3A_456 = tpu.memref_squeeze %dma_wait3A_455 : memref<1x!tpu.dma_semaphore, #tpu.memory_space<semaphore_mem>> -> memref<!tpu.dma_semaphore, #tpu.memory_space<semaphore_mem>>
            %dma_wait3A_457 = arith.constant 0 : i32
            %dma_wait3A_458 = arith.constant 0 : i32
            %dma_wait3A_459 = tpu.memref_slice %run_scoped3A[%rem3A_449, %dma_wait3A_457, %dma_wait3A_458] : memref<2x1x128xi32, #tpu.memory_space<vmem>> -> memref<1x1x128xi32, #tpu.memory_space<vmem>>
            %dma_wait3A_460 = tpu.memref_squeeze %dma_wait3A_459 : memref<1x1x128xi32, #tpu.memory_space<vmem>> -> memref<1x128xi32, #tpu.memory_space<vmem>>
            %dma_wait3A_461 = arith.constant 0 : i32
            %dma_wait3A_462 = tpu.memref_slice %arg4[%dma_wait3A_461, %mul3A_447] : memref<1x10240xi32, #tpu.memory_space<hbm>> -> memref<1x128xi32, #tpu.memory_space<hbm>>
            tpu.wait_dma2 semaphore(%dma_wait3A_456 : memref<!tpu.dma_semaphore, #tpu.memory_space<semaphore_mem>>) src(%dma_wait3A_462 : memref<1x128xi32, #tpu.memory_space<hbm>>) dst(%dma_wait3A_460 : memref<1x128xi32, #tpu.memory_space<vmem>>)
            "tpu.trace_stop"() : () -> ()
          } else {
          }
          %ne3A_290 = arith.cmpi ne, %add3A_197, %add3A_207 : i32
          %or3A_291 = arith.constant false
          %or3A_292 = arith.ori %or3A_291, %ne3A_290 : i1
          %or3A_293 = arith.ori %or3A_292, %eq3A_193 : i1
          %convert_element_type3A_294 = arith.extui %or3A_293 : i1 to i32
          %cond3A_295 = arith.constant 0 : i32
          %cond3A_296 = arith.cmpi ne, %convert_element_type3A_294, %cond3A_295 : i32
          scf.if %cond3A_296 {
            "tpu.trace_start"() <{level = 10 : i32, message = "ep_wait_in"}> : () -> ()
            %mul3A_446 = arith.constant 128 : i32
            %mul3A_447 = arith.muli %mul3A_446, %add3A_197 : i32
            %rem3A_448 = arith.constant 2 : i32
            %rem3A_449 = arith.remui %while3A_184, %rem3A_448 : i32
            %dma_wait3A = arith.constant 0 : i32
            %dma_wait3A_450 = arith.constant 0 : i32
            %dma_wait3A_451 = tpu.memref_slice %run_scoped3A_18[%rem3A_449, %dma_wait3A, %dma_wait3A_450] : memref<2x1x128xi32, #tpu.memory_space<vmem>> -> memref<1x1x128xi32, #tpu.memory_space<vmem>>
            %dma_wait3A_452 = tpu.memref_squeeze %dma_wait3A_451 : memref<1x1x128xi32, #tpu.memory_space<vmem>> -> memref<1x128xi32, #tpu.memory_space<vmem>>
            %dma_wait3A_453 = arith.constant 0 : i32
            %dma_wait3A_454 = tpu.memref_slice %arg5[%dma_wait3A_453, %mul3A_447] : memref<1x10240xi32, #tpu.memory_space<hbm>> -> memref<1x128xi32, #tpu.memory_space<hbm>>
            %dma_wait3A_455 = tpu.memref_slice %run_scoped3A_19[%rem3A_449] : memref<2x!tpu.dma_semaphore, #tpu.memory_space<semaphore_mem>> -> memref<1x!tpu.dma_semaphore, #tpu.memory_space<semaphore_mem>>
            %dma_wait3A_456 = tpu.memref_squeeze %dma_wait3A_455 : memref<1x!tpu.dma_semaphore, #tpu.memory_space<semaphore_mem>> -> memref<!tpu.dma_semaphore, #tpu.memory_space<semaphore_mem>>
            %dma_wait3A_457 = arith.constant 0 : i32
            %dma_wait3A_458 = arith.constant 0 : i32
            %dma_wait3A_459 = tpu.memref_slice %run_scoped3A_18[%rem3A_449, %dma_wait3A_457, %dma_wait3A_458] : memref<2x1x128xi32, #tpu.memory_space<vmem>> -> memref<1x1x128xi32, #tpu.memory_space<vmem>>
            %dma_wait3A_460 = tpu.memref_squeeze %dma_wait3A_459 : memref<1x1x128xi32, #tpu.memory_space<vmem>> -> memref<1x128xi32, #tpu.memory_space<vmem>>
            %dma_wait3A_461 = arith.constant 0 : i32
            %dma_wait3A_462 = tpu.memref_slice %arg5[%dma_wait3A_461, %mul3A_447] : memref<1x10240xi32, #tpu.memory_space<hbm>> -> memref<1x128xi32, #tpu.memory_space<hbm>>
            tpu.wait_dma2 semaphore(%dma_wait3A_456 : memref<!tpu.dma_semaphore, #tpu.memory_space<semaphore_mem>>) src(%dma_wait3A_462 : memref<1x128xi32, #tpu.memory_space<hbm>>) dst(%dma_wait3A_460 : memref<1x128xi32, #tpu.memory_space<vmem>>)
            "tpu.trace_stop"() : () -> ()
          } else {
          }
          %ne3A_297 = arith.cmpi ne, %add3A_197, %add3A_207 : i32
          %or3A_298 = arith.constant false
          %or3A_299 = arith.ori %or3A_298, %ne3A_297 : i1
          %or3A_300 = arith.constant false
          %or3A_301 = arith.ori %or3A_299, %or3A_300 : i1
          %or3A_302 = arith.ori %or3A_301, %eq3A_193 : i1
          %convert_element_type3A_303 = arith.extui %or3A_302 : i1 to i32
          %cond3A_304 = arith.constant 0 : i32
          %cond3A_305 = arith.cmpi ne, %convert_element_type3A_303, %cond3A_304 : i32
          scf.if %cond3A_305 {
          } else {
          }
          %ne3A_306 = arith.cmpi ne, %add3A_197, %add3A_207 : i32
          %or3A_307 = arith.constant false
          %or3A_308 = arith.ori %or3A_307, %ne3A_306 : i1
          %or3A_309 = arith.constant false
          %or3A_310 = arith.ori %or3A_308, %or3A_309 : i1
          %or3A_311 = arith.ori %or3A_310, %eq3A_193 : i1
          %convert_element_type3A_312 = arith.extui %or3A_311 : i1 to i32
          %cond3A_313 = arith.constant 0 : i32
          %cond3A_314 = arith.cmpi ne, %convert_element_type3A_312, %cond3A_313 : i32
          scf.if %cond3A_314 {
          } else {
          }
          %rem3A_315 = arith.constant 2 : i32
          %rem3A_316 = arith.remui %while3A_182, %rem3A_315 : i32
          %rem3A_317 = arith.constant 2 : i32
          %rem3A_318 = arith.remui %while3A_184, %rem3A_317 : i32
          %rem3A_319 = arith.constant 2 : i32
          %rem3A_320 = arith.remui %while3A_185, %rem3A_319 : i32
          %rem3A_321 = arith.constant 2 : i32
          %rem3A_322 = arith.remui %while3A_187, %rem3A_321 : i32
          %run_scoped3A_323 = arith.constant 0 : i32
          "tpu.trace_start"() <{level = 10 : i32, message = "ep_run_kernel"}> : () -> ()
          "tpu.region"() ({
            %run_scoped3A_446 = tpu.sem_alloc : memref<!tpu.dma_semaphore, #tpu.memory_space<semaphore_mem>>
            %dma_start3A_447 = arith.constant 0 : i32
            %dma_start3A_448 = arith.constant 0 : i32
            %dma_start3A_449 = tpu.memref_slice %run_scoped3A_20[%rem3A_320, %dma_start3A_447, %dma_start3A_448] : memref<2x128x128xf32, #tpu.memory_space<vmem>> -> memref<1x128x128xf32, #tpu.memory_space<vmem>>
            %dma_start3A_450 = tpu.memref_squeeze %dma_start3A_449 : memref<1x128x128xf32, #tpu.memory_space<vmem>> -> memref<128x128xf32, #tpu.memory_space<vmem>>
            %dma_start3A_451 = arith.constant 0 : i32
            %dma_start3A_452 = arith.constant 0 : i32
            %dma_start3A_453 = tpu.memref_slice %run_scoped3A[%rem3A_316, %dma_start3A_451, %dma_start3A_452] : memref<2x1x128xi32, #tpu.memory_space<vmem>> -> memref<1x1x128xi32, #tpu.memory_space<vmem>>
            %dma_start3A_454 = tpu.memref_squeeze %dma_start3A_453 : memref<1x1x128xi32, #tpu.memory_space<vmem>> -> memref<1x128xi32, #tpu.memory_space<vmem>>
            %dma_start3A_455 = arith.constant 0 : i32
            %dma_start3A_456 = tpu.memref_slice %dma_start3A_454[%run_scoped3A_323, %dma_start3A_455] : memref<1x128xi32, #tpu.memory_space<vmem>> -> memref<1x128xi32, #tpu.memory_space<vmem>>
            %dma_start3A_457 = tpu.memref_squeeze %dma_start3A_456 : memref<1x128xi32, #tpu.memory_space<vmem>> -> memref<128xi32, #tpu.memory_space<vmem>>
            %dma_start3A_458 = arith.constant 0 : i32
            %dma_start3A_459 = arith.constant 0 : i32
            %dma_start3A_460 = tpu.memref_slice %arg2[%dma_start3A_458, %dma_start3A_459] : memref<100000x128xf32, #tpu.memory_space<hbm>> -> memref<100000x128xf32, #tpu.memory_space<hbm>>
            tpu.enqueue_indirect_dma source(%dma_start3A_460 : memref<100000x128xf32, #tpu.memory_space<hbm>>) target(%dma_start3A_450 : memref<128x128xf32, #tpu.memory_space<vmem>>) offsets(%dma_start3A_457 : memref<128xi32, #tpu.memory_space<vmem>>) semaphore(%run_scoped3A_446 : memref<!tpu.dma_semaphore, #tpu.memory_space<semaphore_mem>>)
            %dma_wait3A = arith.constant 0 : i32
            %dma_wait3A_461 = arith.constant 0 : i32
            %dma_wait3A_462 = tpu.memref_slice %run_scoped3A_20[%rem3A_320, %dma_wait3A, %dma_wait3A_461] : memref<2x128x128xf32, #tpu.memory_space<vmem>> -> memref<1x128x128xf32, #tpu.memory_space<vmem>>
            %dma_wait3A_463 = tpu.memref_squeeze %dma_wait3A_462 : memref<1x128x128xf32, #tpu.memory_space<vmem>> -> memref<128x128xf32, #tpu.memory_space<vmem>>
            %dma_wait3A_464 = arith.constant 0 : i32
            %dma_wait3A_465 = arith.constant 0 : i32
            %dma_wait3A_466 = tpu.memref_slice %run_scoped3A[%rem3A_316, %dma_wait3A_464, %dma_wait3A_465] : memref<2x1x128xi32, #tpu.memory_space<vmem>> -> memref<1x1x128xi32, #tpu.memory_space<vmem>>
            %dma_wait3A_467 = tpu.memref_squeeze %dma_wait3A_466 : memref<1x1x128xi32, #tpu.memory_space<vmem>> -> memref<1x128xi32, #tpu.memory_space<vmem>>
            %dma_wait3A_468 = arith.constant 0 : i32
            %dma_wait3A_469 = tpu.memref_slice %dma_wait3A_467[%run_scoped3A_323, %dma_wait3A_468] : memref<1x128xi32, #tpu.memory_space<vmem>> -> memref<1x128xi32, #tpu.memory_space<vmem>>
            %dma_wait3A_470 = tpu.memref_squeeze %dma_wait3A_469 : memref<1x128xi32, #tpu.memory_space<vmem>> -> memref<128xi32, #tpu.memory_space<vmem>>
            %dma_wait3A_471 = arith.constant 0 : i32
            %dma_wait3A_472 = arith.constant 0 : i32
            %dma_wait3A_473 = tpu.memref_slice %arg2[%dma_wait3A_471, %dma_wait3A_472] : memref<100000x128xf32, #tpu.memory_space<hbm>> -> memref<100000x128xf32, #tpu.memory_space<hbm>>
            tpu.wait_indirect_dma semaphore(%run_scoped3A_446 : memref<!tpu.dma_semaphore, #tpu.memory_space<semaphore_mem>>) src(%dma_wait3A_473 : memref<100000x128xf32, #tpu.memory_space<hbm>>) dst(%dma_wait3A_463 : memref<128x128xf32, #tpu.memory_space<vmem>>)
            tpu.yield
          }) : () -> ()
          %run_scoped3A_324 = arith.constant 0 : i32
          "tpu.region"() ({
            %run_scoped3A_446 = tpu.sem_alloc : memref<!tpu.dma_semaphore, #tpu.memory_space<semaphore_mem>>
            %dma_start3A_447 = arith.constant 0 : i32
            %dma_start3A_448 = arith.constant 0 : i32
            %dma_start3A_449 = tpu.memref_slice %run_scoped3A_22[%rem3A_322, %dma_start3A_447, %dma_start3A_448] : memref<2x128x128xf32, #tpu.memory_space<vmem>> -> memref<1x128x128xf32, #tpu.memory_space<vmem>>
            %dma_start3A_450 = tpu.memref_squeeze %dma_start3A_449 : memref<1x128x128xf32, #tpu.memory_space<vmem>> -> memref<128x128xf32, #tpu.memory_space<vmem>>
            %dma_start3A_451 = arith.constant 0 : i32
            %dma_start3A_452 = arith.constant 0 : i32
            %dma_start3A_453 = tpu.memref_slice %run_scoped3A_18[%rem3A_318, %dma_start3A_451, %dma_start3A_452] : memref<2x1x128xi32, #tpu.memory_space<vmem>> -> memref<1x1x128xi32, #tpu.memory_space<vmem>>
            %dma_start3A_454 = tpu.memref_squeeze %dma_start3A_453 : memref<1x1x128xi32, #tpu.memory_space<vmem>> -> memref<1x128xi32, #tpu.memory_space<vmem>>
            %dma_start3A_455 = arith.constant 0 : i32
            %dma_start3A_456 = tpu.memref_slice %dma_start3A_454[%run_scoped3A_324, %dma_start3A_455] : memref<1x128xi32, #tpu.memory_space<vmem>> -> memref<1x128xi32, #tpu.memory_space<vmem>>
            %dma_start3A_457 = tpu.memref_squeeze %dma_start3A_456 : memref<1x128xi32, #tpu.memory_space<vmem>> -> memref<128xi32, #tpu.memory_space<vmem>>
            %dma_start3A_458 = arith.constant 0 : i32
            %dma_start3A_459 = arith.constant 0 : i32
            %dma_start3A_460 = tpu.memref_slice %arg3[%dma_start3A_458, %dma_start3A_459] : memref<784x128xf32, #tpu.memory_space<hbm>> -> memref<784x128xf32, #tpu.memory_space<hbm>>
            tpu.enqueue_indirect_dma source(%dma_start3A_460 : memref<784x128xf32, #tpu.memory_space<hbm>>) target(%dma_start3A_450 : memref<128x128xf32, #tpu.memory_space<vmem>>) offsets(%dma_start3A_457 : memref<128xi32, #tpu.memory_space<vmem>>) semaphore(%run_scoped3A_446 : memref<!tpu.dma_semaphore, #tpu.memory_space<semaphore_mem>>)
            %dma_wait3A = arith.constant 0 : i32
            %dma_wait3A_461 = arith.constant 0 : i32
            %dma_wait3A_462 = tpu.memref_slice %run_scoped3A_22[%rem3A_322, %dma_wait3A, %dma_wait3A_461] : memref<2x128x128xf32, #tpu.memory_space<vmem>> -> memref<1x128x128xf32, #tpu.memory_space<vmem>>
            %dma_wait3A_463 = tpu.memref_squeeze %dma_wait3A_462 : memref<1x128x128xf32, #tpu.memory_space<vmem>> -> memref<128x128xf32, #tpu.memory_space<vmem>>
            %dma_wait3A_464 = arith.constant 0 : i32
            %dma_wait3A_465 = arith.constant 0 : i32
            %dma_wait3A_466 = tpu.memref_slice %run_scoped3A_18[%rem3A_318, %dma_wait3A_464, %dma_wait3A_465] : memref<2x1x128xi32, #tpu.memory_space<vmem>> -> memref<1x1x128xi32, #tpu.memory_space<vmem>>
            %dma_wait3A_467 = tpu.memref_squeeze %dma_wait3A_466 : memref<1x1x128xi32, #tpu.memory_space<vmem>> -> memref<1x128xi32, #tpu.memory_space<vmem>>
            %dma_wait3A_468 = arith.constant 0 : i32
            %dma_wait3A_469 = tpu.memref_slice %dma_wait3A_467[%run_scoped3A_324, %dma_wait3A_468] : memref<1x128xi32, #tpu.memory_space<vmem>> -> memref<1x128xi32, #tpu.memory_space<vmem>>
            %dma_wait3A_470 = tpu.memref_squeeze %dma_wait3A_469 : memref<1x128xi32, #tpu.memory_space<vmem>> -> memref<128xi32, #tpu.memory_space<vmem>>
            %dma_wait3A_471 = arith.constant 0 : i32
            %dma_wait3A_472 = arith.constant 0 : i32
            %dma_wait3A_473 = tpu.memref_slice %arg3[%dma_wait3A_471, %dma_wait3A_472] : memref<784x128xf32, #tpu.memory_space<hbm>> -> memref<784x128xf32, #tpu.memory_space<hbm>>
            tpu.wait_indirect_dma semaphore(%run_scoped3A_446 : memref<!tpu.dma_semaphore, #tpu.memory_space<semaphore_mem>>) src(%dma_wait3A_473 : memref<784x128xf32, #tpu.memory_space<hbm>>) dst(%dma_wait3A_463 : memref<128x128xf32, #tpu.memory_space<vmem>>)
            tpu.yield
          }) : () -> ()
          "tpu.trace_stop"() : () -> ()
          %ne3A_325 = arith.cmpi ne, %add3A_197, %add3A_215 : i32
          %or3A_326 = arith.constant false
          %or3A_327 = arith.ori %or3A_326, %ne3A_325 : i1
          %or3A_328 = arith.ori %or3A_327, %eq3A_196 : i1
          %convert_element_type3A_329 = arith.extui %or3A_328 : i1 to i32
          %cond3A_330 = arith.constant 0 : i32
          %cond3A_331 = arith.cmpi ne, %convert_element_type3A_329, %cond3A_330 : i32
          scf.if %cond3A_331 {
          } else {
          }
          %and3A_332 = arith.constant false
          %and3A_333 = arith.andi %or3A_328, %and3A_332 : i1
          %ne3A_334 = arith.cmpi ne, %add3A_197, %add3A_215 : i32
          %or3A_335 = arith.constant false
          %or3A_336 = arith.ori %or3A_335, %ne3A_334 : i1
          %or3A_337 = arith.ori %or3A_336, %eq3A_196 : i1
          %convert_element_type3A_338 = arith.extui %or3A_337 : i1 to i32
          %cond3A_339 = arith.constant 0 : i32
          %cond3A_340 = arith.cmpi ne, %convert_element_type3A_338, %cond3A_339 : i32
          scf.if %cond3A_340 {
          } else {
          }
          %and3A_341 = arith.constant false
          %and3A_342 = arith.andi %or3A_337, %and3A_341 : i1
          %ne3A_343 = arith.cmpi ne, %add3A_197, %add3A_215 : i32
          %or3A_344 = arith.constant false
          %or3A_345 = arith.ori %or3A_344, %ne3A_343 : i1
          %or3A_346 = arith.constant false
          %or3A_347 = arith.ori %or3A_345, %or3A_346 : i1
          %or3A_348 = arith.ori %or3A_347, %eq3A_196 : i1
          %convert_element_type3A_349 = arith.extui %or3A_348 : i1 to i32
          %cond3A_350 = arith.constant 0 : i32
          %cond3A_351 = arith.cmpi ne, %convert_element_type3A_349, %cond3A_350 : i32
          scf.if %cond3A_351 {
            "tpu.trace_start"() <{level = 10 : i32, message = "ep_copy_out"}> : () -> ()
            %rem3A_446 = arith.constant 2 : i32
            %rem3A_447 = arith.remui %while3A_185, %rem3A_446 : i32
            %mul3A_448 = arith.constant 128 : i32
            %mul3A_449 = arith.muli %mul3A_448, %add3A_197 : i32
            %dma_start3A_450 = arith.constant 0 : i32
            %dma_start3A_451 = arith.constant 0 : i32
            %dma_start3A_452 = tpu.memref_slice %run_scoped3A_20[%rem3A_447, %dma_start3A_450, %dma_start3A_451] : memref<2x128x128xf32, #tpu.memory_space<vmem>> -> memref<1x128x128xf32, #tpu.memory_space<vmem>>
            %dma_start3A_453 = tpu.memref_squeeze %dma_start3A_452 : memref<1x128x128xf32, #tpu.memory_space<vmem>> -> memref<128x128xf32, #tpu.memory_space<vmem>>
            %dma_start3A_454 = arith.constant 0 : i32
            %dma_start3A_455 = tpu.memref_slice %arg6[%mul3A_449, %dma_start3A_454] : memref<10240x128xf32, #tpu.memory_space<hbm>> -> memref<128x128xf32, #tpu.memory_space<hbm>>
            %dma_start3A_456 = tpu.memref_slice %run_scoped3A_21[%rem3A_447] : memref<2x!tpu.dma_semaphore, #tpu.memory_space<semaphore_mem>> -> memref<1x!tpu.dma_semaphore, #tpu.memory_space<semaphore_mem>>
            %dma_start3A_457 = tpu.memref_squeeze %dma_start3A_456 : memref<1x!tpu.dma_semaphore, #tpu.memory_space<semaphore_mem>> -> memref<!tpu.dma_semaphore, #tpu.memory_space<semaphore_mem>>
            %dma_start3A_458 = arith.constant 0 : i32
            %dma_start3A_459 = tpu.memref_slice %arg6[%mul3A_449, %dma_start3A_458] : memref<10240x128xf32, #tpu.memory_space<hbm>> -> memref<128x128xf32, #tpu.memory_space<hbm>>
            %dma_start3A_460 = arith.constant 0 : i32
            %dma_start3A_461 = arith.constant 0 : i32
            %dma_start3A_462 = tpu.memref_slice %run_scoped3A_20[%rem3A_447, %dma_start3A_460, %dma_start3A_461] : memref<2x128x128xf32, #tpu.memory_space<vmem>> -> memref<1x128x128xf32, #tpu.memory_space<vmem>>
            %dma_start3A_463 = tpu.memref_squeeze %dma_start3A_462 : memref<1x128x128xf32, #tpu.memory_space<vmem>> -> memref<128x128xf32, #tpu.memory_space<vmem>>
            tpu.enqueue_dma source(%dma_start3A_463 : memref<128x128xf32, #tpu.memory_space<vmem>>) target(%dma_start3A_459 : memref<128x128xf32, #tpu.memory_space<hbm>>) target_semaphore(%dma_start3A_457 : memref<!tpu.dma_semaphore, #tpu.memory_space<semaphore_mem>>)
            "tpu.trace_stop"() : () -> ()
          } else {
          }
          %and3A_352 = arith.constant true
          %and3A_353 = arith.andi %or3A_348, %and3A_352 : i1
          %add3A_354 = arith.constant 1 : i32
          %add3A_355 = arith.addi %while3A_185, %add3A_354 : i32
          %select_n3A_356 = arith.select %and3A_353, %add3A_355, %while3A_185 : i32
          %ne3A_357 = arith.cmpi ne, %add3A_197, %add3A_215 : i32
          %or3A_358 = arith.constant false
          %or3A_359 = arith.ori %or3A_358, %ne3A_357 : i1
          %or3A_360 = arith.constant false
          %or3A_361 = arith.ori %or3A_359, %or3A_360 : i1
          %or3A_362 = arith.ori %or3A_361, %eq3A_196 : i1
          %convert_element_type3A_363 = arith.extui %or3A_362 : i1 to i32
          %cond3A_364 = arith.constant 0 : i32
          %cond3A_365 = arith.cmpi ne, %convert_element_type3A_363, %cond3A_364 : i32
          scf.if %cond3A_365 {
            "tpu.trace_start"() <{level = 10 : i32, message = "ep_copy_out"}> : () -> ()
            %rem3A_446 = arith.constant 2 : i32
            %rem3A_447 = arith.remui %while3A_187, %rem3A_446 : i32
            %mul3A_448 = arith.constant 128 : i32
            %mul3A_449 = arith.muli %mul3A_448, %add3A_197 : i32
            %dma_start3A_450 = arith.constant 0 : i32
            %dma_start3A_451 = arith.constant 0 : i32
            %dma_start3A_452 = tpu.memref_slice %run_scoped3A_22[%rem3A_447, %dma_start3A_450, %dma_start3A_451] : memref<2x128x128xf32, #tpu.memory_space<vmem>> -> memref<1x128x128xf32, #tpu.memory_space<vmem>>
            %dma_start3A_453 = tpu.memref_squeeze %dma_start3A_452 : memref<1x128x128xf32, #tpu.memory_space<vmem>> -> memref<128x128xf32, #tpu.memory_space<vmem>>
            %dma_start3A_454 = arith.constant 0 : i32
            %dma_start3A_455 = tpu.memref_slice %arg7[%mul3A_449, %dma_start3A_454] : memref<10240x128xf32, #tpu.memory_space<hbm>> -> memref<128x128xf32, #tpu.memory_space<hbm>>
            %dma_start3A_456 = tpu.memref_slice %run_scoped3A_23[%rem3A_447] : memref<2x!tpu.dma_semaphore, #tpu.memory_space<semaphore_mem>> -> memref<1x!tpu.dma_semaphore, #tpu.memory_space<semaphore_mem>>
            %dma_start3A_457 = tpu.memref_squeeze %dma_start3A_456 : memref<1x!tpu.dma_semaphore, #tpu.memory_space<semaphore_mem>> -> memref<!tpu.dma_semaphore, #tpu.memory_space<semaphore_mem>>
            %dma_start3A_458 = arith.constant 0 : i32
            %dma_start3A_459 = tpu.memref_slice %arg7[%mul3A_449, %dma_start3A_458] : memref<10240x128xf32, #tpu.memory_space<hbm>> -> memref<128x128xf32, #tpu.memory_space<hbm>>
            %dma_start3A_460 = arith.constant 0 : i32
            %dma_start3A_461 = arith.constant 0 : i32
            %dma_start3A_462 = tpu.memref_slice %run_scoped3A_22[%rem3A_447, %dma_start3A_460, %dma_start3A_461] : memref<2x128x128xf32, #tpu.memory_space<vmem>> -> memref<1x128x128xf32, #tpu.memory_space<vmem>>
            %dma_start3A_463 = tpu.memref_squeeze %dma_start3A_462 : memref<1x128x128xf32, #tpu.memory_space<vmem>> -> memref<128x128xf32, #tpu.memory_space<vmem>>
            tpu.enqueue_dma source(%dma_start3A_463 : memref<128x128xf32, #tpu.memory_space<vmem>>) target(%dma_start3A_459 : memref<128x128xf32, #tpu.memory_space<hbm>>) target_semaphore(%dma_start3A_457 : memref<!tpu.dma_semaphore, #tpu.memory_space<semaphore_mem>>)
            "tpu.trace_stop"() : () -> ()
          } else {
          }
          %and3A_366 = arith.constant true
          %and3A_367 = arith.andi %or3A_362, %and3A_366 : i1
          %add3A_368 = arith.constant 1 : i32
          %add3A_369 = arith.addi %while3A_187, %add3A_368 : i32
          %select_n3A_370 = arith.select %and3A_367, %add3A_369, %while3A_187 : i32
          %ne3A_371 = arith.cmpi ne, %add3A_197, %add3A_207 : i32
          %or3A_372 = arith.constant false
          %or3A_373 = arith.ori %or3A_372, %ne3A_371 : i1
          %not3A_374 = arith.constant true
          %not3A_375 = arith.xori %eq3A_193, %not3A_374 : i1
          %and3A_376 = arith.andi %or3A_373, %not3A_375 : i1
          %convert_element_type3A_377 = arith.extui %and3A_376 : i1 to i32
          %cond3A_378 = arith.constant 0 : i32
          %cond3A_379 = arith.cmpi ne, %convert_element_type3A_377, %cond3A_378 : i32
          scf.if %cond3A_379 {
          } else {
          }
          %and3A_380 = arith.constant false
          %and3A_381 = arith.andi %and3A_376, %and3A_380 : i1
          %ne3A_382 = arith.cmpi ne, %add3A_197, %add3A_207 : i32
          %or3A_383 = arith.constant false
          %or3A_384 = arith.ori %or3A_383, %ne3A_382 : i1
          %not3A_385 = arith.constant true
          %not3A_386 = arith.xori %eq3A_193, %not3A_385 : i1
          %and3A_387 = arith.andi %or3A_384, %not3A_386 : i1
          %convert_element_type3A_388 = arith.extui %and3A_387 : i1 to i32
          %cond3A_389 = arith.constant 0 : i32
          %cond3A_390 = arith.cmpi ne, %convert_element_type3A_388, %cond3A_389 : i32
          scf.if %cond3A_390 {
          } else {
          }
          %and3A_391 = arith.constant false
          %and3A_392 = arith.andi %and3A_387, %and3A_391 : i1
          %ne3A_393 = arith.cmpi ne, %add3A_197, %add3A_207 : i32
          %or3A_394 = arith.constant false
          %or3A_395 = arith.ori %or3A_394, %ne3A_393 : i1
          %or3A_396 = arith.constant false
          %or3A_397 = arith.ori %or3A_395, %or3A_396 : i1
          %not3A_398 = arith.constant true
          %not3A_399 = arith.xori %eq3A_193, %not3A_398 : i1
          %and3A_400 = arith.andi %or3A_397, %not3A_399 : i1
          %convert_element_type3A_401 = arith.extui %and3A_400 : i1 to i32
          %cond3A_402 = arith.constant 0 : i32
          %cond3A_403 = arith.cmpi ne, %convert_element_type3A_401, %cond3A_402 : i32
          scf.if %cond3A_403 {
            "tpu.trace_start"() <{level = 10 : i32, message = "ep_wait_out"}> : () -> ()
            %rem3A_446 = arith.constant 2 : i32
            %rem3A_447 = arith.remui %while3A_186, %rem3A_446 : i32
            %mul3A_448 = arith.constant 128 : i32
            %mul3A_449 = arith.muli %mul3A_448, %add3A_207 : i32
            %dma_wait3A = arith.constant 0 : i32
            %dma_wait3A_450 = arith.constant 0 : i32
            %dma_wait3A_451 = tpu.memref_slice %run_scoped3A_20[%rem3A_447, %dma_wait3A, %dma_wait3A_450] : memref<2x128x128xf32, #tpu.memory_space<vmem>> -> memref<1x128x128xf32, #tpu.memory_space<vmem>>
            %dma_wait3A_452 = tpu.memref_squeeze %dma_wait3A_451 : memref<1x128x128xf32, #tpu.memory_space<vmem>> -> memref<128x128xf32, #tpu.memory_space<vmem>>
            %dma_wait3A_453 = arith.constant 0 : i32
            %dma_wait3A_454 = tpu.memref_slice %arg6[%mul3A_449, %dma_wait3A_453] : memref<10240x128xf32, #tpu.memory_space<hbm>> -> memref<128x128xf32, #tpu.memory_space<hbm>>
            %dma_wait3A_455 = tpu.memref_slice %run_scoped3A_21[%rem3A_447] : memref<2x!tpu.dma_semaphore, #tpu.memory_space<semaphore_mem>> -> memref<1x!tpu.dma_semaphore, #tpu.memory_space<semaphore_mem>>
            %dma_wait3A_456 = tpu.memref_squeeze %dma_wait3A_455 : memref<1x!tpu.dma_semaphore, #tpu.memory_space<semaphore_mem>> -> memref<!tpu.dma_semaphore, #tpu.memory_space<semaphore_mem>>
            %dma_wait3A_457 = arith.constant 0 : i32
            %dma_wait3A_458 = tpu.memref_slice %arg6[%mul3A_449, %dma_wait3A_457] : memref<10240x128xf32, #tpu.memory_space<hbm>> -> memref<128x128xf32, #tpu.memory_space<hbm>>
            %dma_wait3A_459 = arith.constant 0 : i32
            %dma_wait3A_460 = arith.constant 0 : i32
            %dma_wait3A_461 = tpu.memref_slice %run_scoped3A_20[%rem3A_447, %dma_wait3A_459, %dma_wait3A_460] : memref<2x128x128xf32, #tpu.memory_space<vmem>> -> memref<1x128x128xf32, #tpu.memory_space<vmem>>
            %dma_wait3A_462 = tpu.memref_squeeze %dma_wait3A_461 : memref<1x128x128xf32, #tpu.memory_space<vmem>> -> memref<128x128xf32, #tpu.memory_space<vmem>>
            tpu.wait_dma2 semaphore(%dma_wait3A_456 : memref<!tpu.dma_semaphore, #tpu.memory_space<semaphore_mem>>) src(%dma_wait3A_462 : memref<128x128xf32, #tpu.memory_space<vmem>>) dst(%dma_wait3A_458 : memref<128x128xf32, #tpu.memory_space<hbm>>)
            "tpu.trace_stop"() : () -> ()
          } else {
          }
          %and3A_404 = arith.constant true
          %and3A_405 = arith.andi %and3A_400, %and3A_404 : i1
          %add3A_406 = arith.constant 1 : i32
          %add3A_407 = arith.addi %while3A_186, %add3A_406 : i32
          %select_n3A_408 = arith.select %and3A_405, %add3A_407, %while3A_186 : i32
          %ne3A_409 = arith.cmpi ne, %add3A_197, %add3A_207 : i32
          %or3A_410 = arith.constant false
          %or3A_411 = arith.ori %or3A_410, %ne3A_409 : i1
          %or3A_412 = arith.constant false
          %or3A_413 = arith.ori %or3A_411, %or3A_412 : i1
          %not3A_414 = arith.constant true
          %not3A_415 = arith.xori %eq3A_193, %not3A_414 : i1
          %and3A_416 = arith.andi %or3A_413, %not3A_415 : i1
          %convert_element_type3A_417 = arith.extui %and3A_416 : i1 to i32
          %cond3A_418 = arith.constant 0 : i32
          %cond3A_419 = arith.cmpi ne, %convert_element_type3A_417, %cond3A_418 : i32
          scf.if %cond3A_419 {
            "tpu.trace_start"() <{level = 10 : i32, message = "ep_wait_out"}> : () -> ()
            %rem3A_446 = arith.constant 2 : i32
            %rem3A_447 = arith.remui %while3A_188, %rem3A_446 : i32
            %mul3A_448 = arith.constant 128 : i32
            %mul3A_449 = arith.muli %mul3A_448, %add3A_207 : i32
            %dma_wait3A = arith.constant 0 : i32
            %dma_wait3A_450 = arith.constant 0 : i32
            %dma_wait3A_451 = tpu.memref_slice %run_scoped3A_22[%rem3A_447, %dma_wait3A, %dma_wait3A_450] : memref<2x128x128xf32, #tpu.memory_space<vmem>> -> memref<1x128x128xf32, #tpu.memory_space<vmem>>
            %dma_wait3A_452 = tpu.memref_squeeze %dma_wait3A_451 : memref<1x128x128xf32, #tpu.memory_space<vmem>> -> memref<128x128xf32, #tpu.memory_space<vmem>>
            %dma_wait3A_453 = arith.constant 0 : i32
            %dma_wait3A_454 = tpu.memref_slice %arg7[%mul3A_449, %dma_wait3A_453] : memref<10240x128xf32, #tpu.memory_space<hbm>> -> memref<128x128xf32, #tpu.memory_space<hbm>>
            %dma_wait3A_455 = tpu.memref_slice %run_scoped3A_23[%rem3A_447] : memref<2x!tpu.dma_semaphore, #tpu.memory_space<semaphore_mem>> -> memref<1x!tpu.dma_semaphore, #tpu.memory_space<semaphore_mem>>
            %dma_wait3A_456 = tpu.memref_squeeze %dma_wait3A_455 : memref<1x!tpu.dma_semaphore, #tpu.memory_space<semaphore_mem>> -> memref<!tpu.dma_semaphore, #tpu.memory_space<semaphore_mem>>
            %dma_wait3A_457 = arith.constant 0 : i32
            %dma_wait3A_458 = tpu.memref_slice %arg7[%mul3A_449, %dma_wait3A_457] : memref<10240x128xf32, #tpu.memory_space<hbm>> -> memref<128x128xf32, #tpu.memory_space<hbm>>
            %dma_wait3A_459 = arith.constant 0 : i32
            %dma_wait3A_460 = arith.constant 0 : i32
            %dma_wait3A_461 = tpu.memref_slice %run_scoped3A_22[%rem3A_447, %dma_wait3A_459, %dma_wait3A_460] : memref<2x128x128xf32, #tpu.memory_space<vmem>> -> memref<1x128x128xf32, #tpu.memory_space<vmem>>
            %dma_wait3A_462 = tpu.memref_squeeze %dma_wait3A_461 : memref<1x128x128xf32, #tpu.memory_space<vmem>> -> memref<128x128xf32, #tpu.memory_space<vmem>>
            tpu.wait_dma2 semaphore(%dma_wait3A_456 : memref<!tpu.dma_semaphore, #tpu.memory_space<semaphore_mem>>) src(%dma_wait3A_462 : memref<128x128xf32, #tpu.memory_space<vmem>>) dst(%dma_wait3A_458 : memref<128x128xf32, #tpu.memory_space<hbm>>)
            "tpu.trace_stop"() : () -> ()
          } else {
          }
          %and3A_420 = arith.constant true
          %and3A_421 = arith.andi %and3A_416, %and3A_420 : i1
          %add3A_422 = arith.constant 1 : i32
          %add3A_423 = arith.addi %while3A_188, %add3A_422 : i32
          %select_n3A_424 = arith.select %and3A_421, %add3A_423, %while3A_188 : i32
          %ne3A_425 = arith.cmpi ne, %add3A_197, %add3A_215 : i32
          %or3A_426 = arith.constant false
          %or3A_427 = arith.ori %or3A_426, %ne3A_425 : i1
          %or3A_428 = arith.ori %or3A_427, %eq3A_196 : i1
          %add3A_429 = arith.constant 1 : i32
          %add3A_430 = arith.addi %while3A_182, %add3A_429 : i32
          %select_n3A_431 = arith.select %or3A_428, %add3A_430, %while3A_182 : i32
          %ne3A_432 = arith.cmpi ne, %add3A_197, %add3A_215 : i32
          %or3A_433 = arith.constant false
          %or3A_434 = arith.ori %or3A_433, %ne3A_432 : i1
          %or3A_435 = arith.ori %or3A_434, %eq3A_196 : i1
          %add3A_436 = arith.constant 1 : i32
          %add3A_437 = arith.addi %while3A_184, %add3A_436 : i32
          %select_n3A_438 = arith.select %or3A_435, %add3A_437, %while3A_184 : i32
          %add3A_439 = arith.constant 1 : i32
          %add3A_440 = arith.addi %while3A_189, %add3A_439 : i32
          %select_n3A_441 = arith.constant true
          %select_n3A_442 = arith.select %select_n3A_441, %add3A_440, %while3A_189 : i32
          %eq3A_443 = arith.cmpi eq, %select_n3A_442, %select_n3A : i32
          %select_n3A_444 = arith.constant 0 : i32
          %select_n3A_445 = arith.select %eq3A_443, %select_n3A_444, %select_n3A_442 : i32
          scf.yield %select_n3A_237, %select_n3A_431, %select_n3A_256, %select_n3A_438, %select_n3A_356, %select_n3A_408, %select_n3A_370, %select_n3A_424, %select_n3A_445 : i32, i32, i32, i32, i32, i32, i32, i32, i32
        }
        %while3A_121 = arith.constant 1 : i32
        %while3A_122:9 = scf.for %while3A_180 = %while3A_118 to %while3A_114 step %while3A_121 iter_args(%while3A_181 = %while3A_120#0, %while3A_182 = %while3A_120#1, %while3A_183 = %while3A_120#2, %while3A_184 = %while3A_120#3, %while3A_185 = %while3A_120#4, %while3A_186 = %while3A_120#5, %while3A_187 = %while3A_120#6, %while3A_188 = %while3A_120#7, %while3A_189 = %while3A_120#8) -> (i32, i32, i32, i32, i32, i32, i32, i32, i32)  : i32 {
          %mul3A_190 = arith.constant 1 : i32
          %mul3A_191 = arith.muli %mul3A_190, %select_n3A : i32
          %eq3A_192 = arith.constant 0 : i32
          %eq3A_193 = arith.cmpi eq, %while3A_180, %eq3A_192 : i32
          %sub3A_194 = arith.constant 1 : i32
          %sub3A_195 = arith.subi %mul3A_191, %sub3A_194 : i32
          %eq3A_196 = arith.cmpi eq, %while3A_180, %sub3A_195 : i32
          %add3A_197 = arith.addi %while3A_189, %select_n3A_14 : i32
          %sub3A_198 = arith.constant 1 : i32
          %sub3A_199 = arith.subi %while3A_189, %sub3A_198 : i32
          %select_n3A_200 = arith.constant true
          %select_n3A_201 = arith.select %select_n3A_200, %sub3A_199, %while3A_189 : i32
          %eq3A_202 = arith.constant -1 : i32
          %eq3A_203 = arith.cmpi eq, %select_n3A_201, %eq3A_202 : i32
          %sub3A_204 = arith.constant 1 : i32
          %sub3A_205 = arith.subi %select_n3A, %sub3A_204 : i32
          %select_n3A_206 = arith.select %eq3A_203, %sub3A_205, %select_n3A_201 : i32
          %add3A_207 = arith.addi %select_n3A_206, %select_n3A_14 : i32
          %add3A_208 = arith.constant 1 : i32
          %add3A_209 = arith.addi %while3A_189, %add3A_208 : i32
          %select_n3A_210 = arith.constant true
          %select_n3A_211 = arith.select %select_n3A_210, %add3A_209, %while3A_189 : i32
          %eq3A_212 = arith.cmpi eq, %select_n3A_211, %select_n3A : i32
          %select_n3A_213 = arith.constant 0 : i32
          %select_n3A_214 = arith.select %eq3A_212, %select_n3A_213, %select_n3A_211 : i32
          %add3A_215 = arith.addi %select_n3A_214, %select_n3A_14 : i32
          %add3A_216 = arith.constant 1 : i32
          %add3A_217 = arith.addi %select_n3A_214, %add3A_216 : i32
          %select_n3A_218 = arith.constant true
          %select_n3A_219 = arith.select %select_n3A_218, %add3A_217, %select_n3A_214 : i32
          %eq3A_220 = arith.cmpi eq, %select_n3A_219, %select_n3A : i32
          %select_n3A_221 = arith.constant 0 : i32
          %select_n3A_222 = arith.select %eq3A_220, %select_n3A_221, %select_n3A_219 : i32
          %add3A_223 = arith.addi %select_n3A_222, %select_n3A_14 : i32
          %ne3A = arith.cmpi ne, %add3A_197, %add3A_215 : i32
          %or3A = arith.constant false
          %or3A_224 = arith.ori %or3A, %ne3A : i1
          %sub3A_225 = arith.constant 2 : i32
          %sub3A_226 = arith.subi %mul3A_191, %sub3A_225 : i32
          %add3A_227 = arith.constant 1 : i32
          %add3A_228 = arith.addi %sub3A_226, %add3A_227 : i32
          %ge3A = arith.cmpi sge, %while3A_180, %add3A_228 : i32
          %not3A = arith.constant true
          %not3A_229 = arith.xori %ge3A, %not3A : i1
          %and3A = arith.andi %or3A_224, %not3A_229 : i1
          %convert_element_type3A_230 = arith.extui %and3A : i1 to i32
          %cond3A_231 = arith.constant 0 : i32
          %cond3A_232 = arith.cmpi ne, %convert_element_type3A_230, %cond3A_231 : i32
          scf.if %cond3A_232 {
            "tpu.trace_start"() <{level = 10 : i32, message = "ep_copy_in"}> : () -> ()
            %rem3A_446 = arith.constant 2 : i32
            %rem3A_447 = arith.remui %while3A_181, %rem3A_446 : i32
            %mul3A_448 = arith.constant 128 : i32
            %mul3A_449 = arith.muli %mul3A_448, %add3A_215 : i32
            %dma_start3A_450 = arith.constant 0 : i32
            %dma_start3A_451 = arith.constant 0 : i32
            %dma_start3A_452 = tpu.memref_slice %run_scoped3A[%rem3A_447, %dma_start3A_450, %dma_start3A_451] : memref<2x1x128xi32, #tpu.memory_space<vmem>> -> memref<1x1x128xi32, #tpu.memory_space<vmem>>
            %dma_start3A_453 = tpu.memref_squeeze %dma_start3A_452 : memref<1x1x128xi32, #tpu.memory_space<vmem>> -> memref<1x128xi32, #tpu.memory_space<vmem>>
            %dma_start3A_454 = arith.constant 0 : i32
            %dma_start3A_455 = tpu.memref_slice %arg4[%dma_start3A_454, %mul3A_449] : memref<1x10240xi32, #tpu.memory_space<hbm>> -> memref<1x128xi32, #tpu.memory_space<hbm>>
            %dma_start3A_456 = tpu.memref_slice %run_scoped3A_17[%rem3A_447] : memref<2x!tpu.dma_semaphore, #tpu.memory_space<semaphore_mem>> -> memref<1x!tpu.dma_semaphore, #tpu.memory_space<semaphore_mem>>
            %dma_start3A_457 = tpu.memref_squeeze %dma_start3A_456 : memref<1x!tpu.dma_semaphore, #tpu.memory_space<semaphore_mem>> -> memref<!tpu.dma_semaphore, #tpu.memory_space<semaphore_mem>>
            %dma_start3A_458 = arith.constant 0 : i32
            %dma_start3A_459 = arith.constant 0 : i32
            %dma_start3A_460 = tpu.memref_slice %run_scoped3A[%rem3A_447, %dma_start3A_458, %dma_start3A_459] : memref<2x1x128xi32, #tpu.memory_space<vmem>> -> memref<1x1x128xi32, #tpu.memory_space<vmem>>
            %dma_start3A_461 = tpu.memref_squeeze %dma_start3A_460 : memref<1x1x128xi32, #tpu.memory_space<vmem>> -> memref<1x128xi32, #tpu.memory_space<vmem>>
            %dma_start3A_462 = arith.constant 0 : i32
            %dma_start3A_463 = tpu.memref_slice %arg4[%dma_start3A_462, %mul3A_449] : memref<1x10240xi32, #tpu.memory_space<hbm>> -> memref<1x128xi32, #tpu.memory_space<hbm>>
            tpu.enqueue_dma source(%dma_start3A_463 : memref<1x128xi32, #tpu.memory_space<hbm>>) target(%dma_start3A_461 : memref<1x128xi32, #tpu.memory_space<vmem>>) target_semaphore(%dma_start3A_457 : memref<!tpu.dma_semaphore, #tpu.memory_space<semaphore_mem>>)
            "tpu.trace_stop"() : () -> ()
          } else {
          }
          %and3A_233 = arith.constant true
          %and3A_234 = arith.andi %and3A, %and3A_233 : i1
          %add3A_235 = arith.constant 1 : i32
          %add3A_236 = arith.addi %while3A_181, %add3A_235 : i32
          %select_n3A_237 = arith.select %and3A_234, %add3A_236, %while3A_181 : i32
          %ne3A_238 = arith.cmpi ne, %add3A_197, %add3A_215 : i32
          %or3A_239 = arith.constant false
          %or3A_240 = arith.ori %or3A_239, %ne3A_238 : i1
          %sub3A_241 = arith.constant 2 : i32
          %sub3A_242 = arith.subi %mul3A_191, %sub3A_241 : i32
          %add3A_243 = arith.constant 1 : i32
          %add3A_244 = arith.addi %sub3A_242, %add3A_243 : i32
          %ge3A_245 = arith.cmpi sge, %while3A_180, %add3A_244 : i32
          %not3A_246 = arith.constant true
          %not3A_247 = arith.xori %ge3A_245, %not3A_246 : i1
          %and3A_248 = arith.andi %or3A_240, %not3A_247 : i1
          %convert_element_type3A_249 = arith.extui %and3A_248 : i1 to i32
          %cond3A_250 = arith.constant 0 : i32
          %cond3A_251 = arith.cmpi ne, %convert_element_type3A_249, %cond3A_250 : i32
          scf.if %cond3A_251 {
            "tpu.trace_start"() <{level = 10 : i32, message = "ep_copy_in"}> : () -> ()
            %rem3A_446 = arith.constant 2 : i32
            %rem3A_447 = arith.remui %while3A_183, %rem3A_446 : i32
            %mul3A_448 = arith.constant 128 : i32
            %mul3A_449 = arith.muli %mul3A_448, %add3A_215 : i32
            %dma_start3A_450 = arith.constant 0 : i32
            %dma_start3A_451 = arith.constant 0 : i32
            %dma_start3A_452 = tpu.memref_slice %run_scoped3A_18[%rem3A_447, %dma_start3A_450, %dma_start3A_451] : memref<2x1x128xi32, #tpu.memory_space<vmem>> -> memref<1x1x128xi32, #tpu.memory_space<vmem>>
            %dma_start3A_453 = tpu.memref_squeeze %dma_start3A_452 : memref<1x1x128xi32, #tpu.memory_space<vmem>> -> memref<1x128xi32, #tpu.memory_space<vmem>>
            %dma_start3A_454 = arith.constant 0 : i32
            %dma_start3A_455 = tpu.memref_slice %arg5[%dma_start3A_454, %mul3A_449] : memref<1x10240xi32, #tpu.memory_space<hbm>> -> memref<1x128xi32, #tpu.memory_space<hbm>>
            %dma_start3A_456 = tpu.memref_slice %run_scoped3A_19[%rem3A_447] : memref<2x!tpu.dma_semaphore, #tpu.memory_space<semaphore_mem>> -> memref<1x!tpu.dma_semaphore, #tpu.memory_space<semaphore_mem>>
            %dma_start3A_457 = tpu.memref_squeeze %dma_start3A_456 : memref<1x!tpu.dma_semaphore, #tpu.memory_space<semaphore_mem>> -> memref<!tpu.dma_semaphore, #tpu.memory_space<semaphore_mem>>
            %dma_start3A_458 = arith.constant 0 : i32
            %dma_start3A_459 = arith.constant 0 : i32
            %dma_start3A_460 = tpu.memref_slice %run_scoped3A_18[%rem3A_447, %dma_start3A_458, %dma_start3A_459] : memref<2x1x128xi32, #tpu.memory_space<vmem>> -> memref<1x1x128xi32, #tpu.memory_space<vmem>>
            %dma_start3A_461 = tpu.memref_squeeze %dma_start3A_460 : memref<1x1x128xi32, #tpu.memory_space<vmem>> -> memref<1x128xi32, #tpu.memory_space<vmem>>
            %dma_start3A_462 = arith.constant 0 : i32
            %dma_start3A_463 = tpu.memref_slice %arg5[%dma_start3A_462, %mul3A_449] : memref<1x10240xi32, #tpu.memory_space<hbm>> -> memref<1x128xi32, #tpu.memory_space<hbm>>
            tpu.enqueue_dma source(%dma_start3A_463 : memref<1x128xi32, #tpu.memory_space<hbm>>) target(%dma_start3A_461 : memref<1x128xi32, #tpu.memory_space<vmem>>) target_semaphore(%dma_start3A_457 : memref<!tpu.dma_semaphore, #tpu.memory_space<semaphore_mem>>)
            "tpu.trace_stop"() : () -> ()
          } else {
          }
          %and3A_252 = arith.constant true
          %and3A_253 = arith.andi %and3A_248, %and3A_252 : i1
          %add3A_254 = arith.constant 1 : i32
          %add3A_255 = arith.addi %while3A_183, %add3A_254 : i32
          %select_n3A_256 = arith.select %and3A_253, %add3A_255, %while3A_183 : i32
          %ne3A_257 = arith.cmpi ne, %add3A_197, %add3A_215 : i32
          %or3A_258 = arith.constant false
          %or3A_259 = arith.ori %or3A_258, %ne3A_257 : i1
          %or3A_260 = arith.constant false
          %or3A_261 = arith.ori %or3A_259, %or3A_260 : i1
          %sub3A_262 = arith.constant 2 : i32
          %sub3A_263 = arith.subi %mul3A_191, %sub3A_262 : i32
          %add3A_264 = arith.constant 1 : i32
          %add3A_265 = arith.addi %sub3A_263, %add3A_264 : i32
          %ge3A_266 = arith.cmpi sge, %while3A_180, %add3A_265 : i32
          %not3A_267 = arith.constant true
          %not3A_268 = arith.xori %ge3A_266, %not3A_267 : i1
          %and3A_269 = arith.andi %or3A_261, %not3A_268 : i1
          %ne3A_270 = arith.cmpi ne, %add3A_197, %add3A_215 : i32
          %or3A_271 = arith.constant false
          %or3A_272 = arith.ori %or3A_271, %ne3A_270 : i1
          %or3A_273 = arith.constant false
          %or3A_274 = arith.ori %or3A_272, %or3A_273 : i1
          %sub3A_275 = arith.constant 2 : i32
          %sub3A_276 = arith.subi %mul3A_191, %sub3A_275 : i32
          %add3A_277 = arith.constant 1 : i32
          %add3A_278 = arith.addi %sub3A_276, %add3A_277 : i32
          %ge3A_279 = arith.cmpi sge, %while3A_180, %add3A_278 : i32
          %not3A_280 = arith.constant true
          %not3A_281 = arith.xori %ge3A_279, %not3A_280 : i1
          %and3A_282 = arith.andi %or3A_274, %not3A_281 : i1
          %ne3A_283 = arith.cmpi ne, %add3A_197, %add3A_207 : i32
          %or3A_284 = arith.constant false
          %or3A_285 = arith.ori %or3A_284, %ne3A_283 : i1
          %or3A_286 = arith.ori %or3A_285, %eq3A_193 : i1
          %convert_element_type3A_287 = arith.extui %or3A_286 : i1 to i32
          %cond3A_288 = arith.constant 0 : i32
          %cond3A_289 = arith.cmpi ne, %convert_element_type3A_287, %cond3A_288 : i32
          scf.if %cond3A_289 {
            "tpu.trace_start"() <{level = 10 : i32, message = "ep_wait_in"}> : () -> ()
            %mul3A_446 = arith.constant 128 : i32
            %mul3A_447 = arith.muli %mul3A_446, %add3A_197 : i32
            %rem3A_448 = arith.constant 2 : i32
            %rem3A_449 = arith.remui %while3A_182, %rem3A_448 : i32
            %dma_wait3A = arith.constant 0 : i32
            %dma_wait3A_450 = arith.constant 0 : i32
            %dma_wait3A_451 = tpu.memref_slice %run_scoped3A[%rem3A_449, %dma_wait3A, %dma_wait3A_450] : memref<2x1x128xi32, #tpu.memory_space<vmem>> -> memref<1x1x128xi32, #tpu.memory_space<vmem>>
            %dma_wait3A_452 = tpu.memref_squeeze %dma_wait3A_451 : memref<1x1x128xi32, #tpu.memory_space<vmem>> -> memref<1x128xi32, #tpu.memory_space<vmem>>
            %dma_wait3A_453 = arith.constant 0 : i32
            %dma_wait3A_454 = tpu.memref_slice %arg4[%dma_wait3A_453, %mul3A_447] : memref<1x10240xi32, #tpu.memory_space<hbm>> -> memref<1x128xi32, #tpu.memory_space<hbm>>
            %dma_wait3A_455 = tpu.memref_slice %run_scoped3A_17[%rem3A_449] : memref<2x!tpu.dma_semaphore, #tpu.memory_space<semaphore_mem>> -> memref<1x!tpu.dma_semaphore, #tpu.memory_space<semaphore_mem>>
            %dma_wait3A_456 = tpu.memref_squeeze %dma_wait3A_455 : memref<1x!tpu.dma_semaphore, #tpu.memory_space<semaphore_mem>> -> memref<!tpu.dma_semaphore, #tpu.memory_space<semaphore_mem>>
            %dma_wait3A_457 = arith.constant 0 : i32
            %dma_wait3A_458 = arith.constant 0 : i32
            %dma_wait3A_459 = tpu.memref_slice %run_scoped3A[%rem3A_449, %dma_wait3A_457, %dma_wait3A_458] : memref<2x1x128xi32, #tpu.memory_space<vmem>> -> memref<1x1x128xi32, #tpu.memory_space<vmem>>
            %dma_wait3A_460 = tpu.memref_squeeze %dma_wait3A_459 : memref<1x1x128xi32, #tpu.memory_space<vmem>> -> memref<1x128xi32, #tpu.memory_space<vmem>>
            %dma_wait3A_461 = arith.constant 0 : i32
            %dma_wait3A_462 = tpu.memref_slice %arg4[%dma_wait3A_461, %mul3A_447] : memref<1x10240xi32, #tpu.memory_space<hbm>> -> memref<1x128xi32, #tpu.memory_space<hbm>>
            tpu.wait_dma2 semaphore(%dma_wait3A_456 : memref<!tpu.dma_semaphore, #tpu.memory_space<semaphore_mem>>) src(%dma_wait3A_462 : memref<1x128xi32, #tpu.memory_space<hbm>>) dst(%dma_wait3A_460 : memref<1x128xi32, #tpu.memory_space<vmem>>)
            "tpu.trace_stop"() : () -> ()
          } else {
          }
          %ne3A_290 = arith.cmpi ne, %add3A_197, %add3A_207 : i32
          %or3A_291 = arith.constant false
          %or3A_292 = arith.ori %or3A_291, %ne3A_290 : i1
          %or3A_293 = arith.ori %or3A_292, %eq3A_193 : i1
          %convert_element_type3A_294 = arith.extui %or3A_293 : i1 to i32
          %cond3A_295 = arith.constant 0 : i32
          %cond3A_296 = arith.cmpi ne, %convert_element_type3A_294, %cond3A_295 : i32
          scf.if %cond3A_296 {
            "tpu.trace_start"() <{level = 10 : i32, message = "ep_wait_in"}> : () -> ()
            %mul3A_446 = arith.constant 128 : i32
            %mul3A_447 = arith.muli %mul3A_446, %add3A_197 : i32
            %rem3A_448 = arith.constant 2 : i32
            %rem3A_449 = arith.remui %while3A_184, %rem3A_448 : i32
            %dma_wait3A = arith.constant 0 : i32
            %dma_wait3A_450 = arith.constant 0 : i32
            %dma_wait3A_451 = tpu.memref_slice %run_scoped3A_18[%rem3A_449, %dma_wait3A, %dma_wait3A_450] : memref<2x1x128xi32, #tpu.memory_space<vmem>> -> memref<1x1x128xi32, #tpu.memory_space<vmem>>
            %dma_wait3A_452 = tpu.memref_squeeze %dma_wait3A_451 : memref<1x1x128xi32, #tpu.memory_space<vmem>> -> memref<1x128xi32, #tpu.memory_space<vmem>>
            %dma_wait3A_453 = arith.constant 0 : i32
            %dma_wait3A_454 = tpu.memref_slice %arg5[%dma_wait3A_453, %mul3A_447] : memref<1x10240xi32, #tpu.memory_space<hbm>> -> memref<1x128xi32, #tpu.memory_space<hbm>>
            %dma_wait3A_455 = tpu.memref_slice %run_scoped3A_19[%rem3A_449] : memref<2x!tpu.dma_semaphore, #tpu.memory_space<semaphore_mem>> -> memref<1x!tpu.dma_semaphore, #tpu.memory_space<semaphore_mem>>
            %dma_wait3A_456 = tpu.memref_squeeze %dma_wait3A_455 : memref<1x!tpu.dma_semaphore, #tpu.memory_space<semaphore_mem>> -> memref<!tpu.dma_semaphore, #tpu.memory_space<semaphore_mem>>
            %dma_wait3A_457 = arith.constant 0 : i32
            %dma_wait3A_458 = arith.constant 0 : i32
            %dma_wait3A_459 = tpu.memref_slice %run_scoped3A_18[%rem3A_449, %dma_wait3A_457, %dma_wait3A_458] : memref<2x1x128xi32, #tpu.memory_space<vmem>> -> memref<1x1x128xi32, #tpu.memory_space<vmem>>
            %dma_wait3A_460 = tpu.memref_squeeze %dma_wait3A_459 : memref<1x1x128xi32, #tpu.memory_space<vmem>> -> memref<1x128xi32, #tpu.memory_space<vmem>>
            %dma_wait3A_461 = arith.constant 0 : i32
            %dma_wait3A_462 = tpu.memref_slice %arg5[%dma_wait3A_461, %mul3A_447] : memref<1x10240xi32, #tpu.memory_space<hbm>> -> memref<1x128xi32, #tpu.memory_space<hbm>>
            tpu.wait_dma2 semaphore(%dma_wait3A_456 : memref<!tpu.dma_semaphore, #tpu.memory_space<semaphore_mem>>) src(%dma_wait3A_462 : memref<1x128xi32, #tpu.memory_space<hbm>>) dst(%dma_wait3A_460 : memref<1x128xi32, #tpu.memory_space<vmem>>)
            "tpu.trace_stop"() : () -> ()
          } else {
          }
          %ne3A_297 = arith.cmpi ne, %add3A_197, %add3A_207 : i32
          %or3A_298 = arith.constant false
          %or3A_299 = arith.ori %or3A_298, %ne3A_297 : i1
          %or3A_300 = arith.constant false
          %or3A_301 = arith.ori %or3A_299, %or3A_300 : i1
          %or3A_302 = arith.ori %or3A_301, %eq3A_193 : i1
          %convert_element_type3A_303 = arith.extui %or3A_302 : i1 to i32
          %cond3A_304 = arith.constant 0 : i32
          %cond3A_305 = arith.cmpi ne, %convert_element_type3A_303, %cond3A_304 : i32
          scf.if %cond3A_305 {
          } else {
          }
          %ne3A_306 = arith.cmpi ne, %add3A_197, %add3A_207 : i32
          %or3A_307 = arith.constant false
          %or3A_308 = arith.ori %or3A_307, %ne3A_306 : i1
          %or3A_309 = arith.constant false
          %or3A_310 = arith.ori %or3A_308, %or3A_309 : i1
          %or3A_311 = arith.ori %or3A_310, %eq3A_193 : i1
          %convert_element_type3A_312 = arith.extui %or3A_311 : i1 to i32
          %cond3A_313 = arith.constant 0 : i32
          %cond3A_314 = arith.cmpi ne, %convert_element_type3A_312, %cond3A_313 : i32
          scf.if %cond3A_314 {
          } else {
          }
          %rem3A_315 = arith.constant 2 : i32
          %rem3A_316 = arith.remui %while3A_182, %rem3A_315 : i32
          %rem3A_317 = arith.constant 2 : i32
          %rem3A_318 = arith.remui %while3A_184, %rem3A_317 : i32
          %rem3A_319 = arith.constant 2 : i32
          %rem3A_320 = arith.remui %while3A_185, %rem3A_319 : i32
          %rem3A_321 = arith.constant 2 : i32
          %rem3A_322 = arith.remui %while3A_187, %rem3A_321 : i32
          %run_scoped3A_323 = arith.constant 0 : i32
          "tpu.trace_start"() <{level = 10 : i32, message = "ep_run_kernel"}> : () -> ()
          "tpu.region"() ({
            %run_scoped3A_446 = tpu.sem_alloc : memref<!tpu.dma_semaphore, #tpu.memory_space<semaphore_mem>>
            %dma_start3A_447 = arith.constant 0 : i32
            %dma_start3A_448 = arith.constant 0 : i32
            %dma_start3A_449 = tpu.memref_slice %run_scoped3A_20[%rem3A_320, %dma_start3A_447, %dma_start3A_448] : memref<2x128x128xf32, #tpu.memory_space<vmem>> -> memref<1x128x128xf32, #tpu.memory_space<vmem>>
            %dma_start3A_450 = tpu.memref_squeeze %dma_start3A_449 : memref<1x128x128xf32, #tpu.memory_space<vmem>> -> memref<128x128xf32, #tpu.memory_space<vmem>>
            %dma_start3A_451 = arith.constant 0 : i32
            %dma_start3A_452 = arith.constant 0 : i32
            %dma_start3A_453 = tpu.memref_slice %run_scoped3A[%rem3A_316, %dma_start3A_451, %dma_start3A_452] : memref<2x1x128xi32, #tpu.memory_space<vmem>> -> memref<1x1x128xi32, #tpu.memory_space<vmem>>
            %dma_start3A_454 = tpu.memref_squeeze %dma_start3A_453 : memref<1x1x128xi32, #tpu.memory_space<vmem>> -> memref<1x128xi32, #tpu.memory_space<vmem>>
            %dma_start3A_455 = arith.constant 0 : i32
            %dma_start3A_456 = tpu.memref_slice %dma_start3A_454[%run_scoped3A_323, %dma_start3A_455] : memref<1x128xi32, #tpu.memory_space<vmem>> -> memref<1x128xi32, #tpu.memory_space<vmem>>
            %dma_start3A_457 = tpu.memref_squeeze %dma_start3A_456 : memref<1x128xi32, #tpu.memory_space<vmem>> -> memref<128xi32, #tpu.memory_space<vmem>>
            %dma_start3A_458 = arith.constant 0 : i32
            %dma_start3A_459 = arith.constant 0 : i32
            %dma_start3A_460 = tpu.memref_slice %arg2[%dma_start3A_458, %dma_start3A_459] : memref<100000x128xf32, #tpu.memory_space<hbm>> -> memref<100000x128xf32, #tpu.memory_space<hbm>>
            tpu.enqueue_indirect_dma source(%dma_start3A_460 : memref<100000x128xf32, #tpu.memory_space<hbm>>) target(%dma_start3A_450 : memref<128x128xf32, #tpu.memory_space<vmem>>) offsets(%dma_start3A_457 : memref<128xi32, #tpu.memory_space<vmem>>) semaphore(%run_scoped3A_446 : memref<!tpu.dma_semaphore, #tpu.memory_space<semaphore_mem>>)
            %dma_wait3A = arith.constant 0 : i32
            %dma_wait3A_461 = arith.constant 0 : i32
            %dma_wait3A_462 = tpu.memref_slice %run_scoped3A_20[%rem3A_320, %dma_wait3A, %dma_wait3A_461] : memref<2x128x128xf32, #tpu.memory_space<vmem>> -> memref<1x128x128xf32, #tpu.memory_space<vmem>>
            %dma_wait3A_463 = tpu.memref_squeeze %dma_wait3A_462 : memref<1x128x128xf32, #tpu.memory_space<vmem>> -> memref<128x128xf32, #tpu.memory_space<vmem>>
            %dma_wait3A_464 = arith.constant 0 : i32
            %dma_wait3A_465 = arith.constant 0 : i32
            %dma_wait3A_466 = tpu.memref_slice %run_scoped3A[%rem3A_316, %dma_wait3A_464, %dma_wait3A_465] : memref<2x1x128xi32, #tpu.memory_space<vmem>> -> memref<1x1x128xi32, #tpu.memory_space<vmem>>
            %dma_wait3A_467 = tpu.memref_squeeze %dma_wait3A_466 : memref<1x1x128xi32, #tpu.memory_space<vmem>> -> memref<1x128xi32, #tpu.memory_space<vmem>>
            %dma_wait3A_468 = arith.constant 0 : i32
            %dma_wait3A_469 = tpu.memref_slice %dma_wait3A_467[%run_scoped3A_323, %dma_wait3A_468] : memref<1x128xi32, #tpu.memory_space<vmem>> -> memref<1x128xi32, #tpu.memory_space<vmem>>
            %dma_wait3A_470 = tpu.memref_squeeze %dma_wait3A_469 : memref<1x128xi32, #tpu.memory_space<vmem>> -> memref<128xi32, #tpu.memory_space<vmem>>
            %dma_wait3A_471 = arith.constant 0 : i32
            %dma_wait3A_472 = arith.constant 0 : i32
            %dma_wait3A_473 = tpu.memref_slice %arg2[%dma_wait3A_471, %dma_wait3A_472] : memref<100000x128xf32, #tpu.memory_space<hbm>> -> memref<100000x128xf32, #tpu.memory_space<hbm>>
            tpu.wait_indirect_dma semaphore(%run_scoped3A_446 : memref<!tpu.dma_semaphore, #tpu.memory_space<semaphore_mem>>) src(%dma_wait3A_473 : memref<100000x128xf32, #tpu.memory_space<hbm>>) dst(%dma_wait3A_463 : memref<128x128xf32, #tpu.memory_space<vmem>>)
            tpu.yield
          }) : () -> ()
          %run_scoped3A_324 = arith.constant 0 : i32
          "tpu.region"() ({
            %run_scoped3A_446 = tpu.sem_alloc : memref<!tpu.dma_semaphore, #tpu.memory_space<semaphore_mem>>
            %dma_start3A_447 = arith.constant 0 : i32
            %dma_start3A_448 = arith.constant 0 : i32
            %dma_start3A_449 = tpu.memref_slice %run_scoped3A_22[%rem3A_322, %dma_start3A_447, %dma_start3A_448] : memref<2x128x128xf32, #tpu.memory_space<vmem>> -> memref<1x128x128xf32, #tpu.memory_space<vmem>>
            %dma_start3A_450 = tpu.memref_squeeze %dma_start3A_449 : memref<1x128x128xf32, #tpu.memory_space<vmem>> -> memref<128x128xf32, #tpu.memory_space<vmem>>
            %dma_start3A_451 = arith.constant 0 : i32
            %dma_start3A_452 = arith.constant 0 : i32
            %dma_start3A_453 = tpu.memref_slice %run_scoped3A_18[%rem3A_318, %dma_start3A_451, %dma_start3A_452] : memref<2x1x128xi32, #tpu.memory_space<vmem>> -> memref<1x1x128xi32, #tpu.memory_space<vmem>>
            %dma_start3A_454 = tpu.memref_squeeze %dma_start3A_453 : memref<1x1x128xi32, #tpu.memory_space<vmem>> -> memref<1x128xi32, #tpu.memory_space<vmem>>
            %dma_start3A_455 = arith.constant 0 : i32
            %dma_start3A_456 = tpu.memref_slice %dma_start3A_454[%run_scoped3A_324, %dma_start3A_455] : memref<1x128xi32, #tpu.memory_space<vmem>> -> memref<1x128xi32, #tpu.memory_space<vmem>>
            %dma_start3A_457 = tpu.memref_squeeze %dma_start3A_456 : memref<1x128xi32, #tpu.memory_space<vmem>> -> memref<128xi32, #tpu.memory_space<vmem>>
            %dma_start3A_458 = arith.constant 0 : i32
            %dma_start3A_459 = arith.constant 0 : i32
            %dma_start3A_460 = tpu.memref_slice %arg3[%dma_start3A_458, %dma_start3A_459] : memref<784x128xf32, #tpu.memory_space<hbm>> -> memref<784x128xf32, #tpu.memory_space<hbm>>
            tpu.enqueue_indirect_dma source(%dma_start3A_460 : memref<784x128xf32, #tpu.memory_space<hbm>>) target(%dma_start3A_450 : memref<128x128xf32, #tpu.memory_space<vmem>>) offsets(%dma_start3A_457 : memref<128xi32, #tpu.memory_space<vmem>>) semaphore(%run_scoped3A_446 : memref<!tpu.dma_semaphore, #tpu.memory_space<semaphore_mem>>)
            %dma_wait3A = arith.constant 0 : i32
            %dma_wait3A_461 = arith.constant 0 : i32
            %dma_wait3A_462 = tpu.memref_slice %run_scoped3A_22[%rem3A_322, %dma_wait3A, %dma_wait3A_461] : memref<2x128x128xf32, #tpu.memory_space<vmem>> -> memref<1x128x128xf32, #tpu.memory_space<vmem>>
            %dma_wait3A_463 = tpu.memref_squeeze %dma_wait3A_462 : memref<1x128x128xf32, #tpu.memory_space<vmem>> -> memref<128x128xf32, #tpu.memory_space<vmem>>
            %dma_wait3A_464 = arith.constant 0 : i32
            %dma_wait3A_465 = arith.constant 0 : i32
            %dma_wait3A_466 = tpu.memref_slice %run_scoped3A_18[%rem3A_318, %dma_wait3A_464, %dma_wait3A_465] : memref<2x1x128xi32, #tpu.memory_space<vmem>> -> memref<1x1x128xi32, #tpu.memory_space<vmem>>
            %dma_wait3A_467 = tpu.memref_squeeze %dma_wait3A_466 : memref<1x1x128xi32, #tpu.memory_space<vmem>> -> memref<1x128xi32, #tpu.memory_space<vmem>>
            %dma_wait3A_468 = arith.constant 0 : i32
            %dma_wait3A_469 = tpu.memref_slice %dma_wait3A_467[%run_scoped3A_324, %dma_wait3A_468] : memref<1x128xi32, #tpu.memory_space<vmem>> -> memref<1x128xi32, #tpu.memory_space<vmem>>
            %dma_wait3A_470 = tpu.memref_squeeze %dma_wait3A_469 : memref<1x128xi32, #tpu.memory_space<vmem>> -> memref<128xi32, #tpu.memory_space<vmem>>
            %dma_wait3A_471 = arith.constant 0 : i32
            %dma_wait3A_472 = arith.constant 0 : i32
            %dma_wait3A_473 = tpu.memref_slice %arg3[%dma_wait3A_471, %dma_wait3A_472] : memref<784x128xf32, #tpu.memory_space<hbm>> -> memref<784x128xf32, #tpu.memory_space<hbm>>
            tpu.wait_indirect_dma semaphore(%run_scoped3A_446 : memref<!tpu.dma_semaphore, #tpu.memory_space<semaphore_mem>>) src(%dma_wait3A_473 : memref<784x128xf32, #tpu.memory_space<hbm>>) dst(%dma_wait3A_463 : memref<128x128xf32, #tpu.memory_space<vmem>>)
            tpu.yield
          }) : () -> ()
          "tpu.trace_stop"() : () -> ()
          %ne3A_325 = arith.cmpi ne, %add3A_197, %add3A_215 : i32
          %or3A_326 = arith.constant false
          %or3A_327 = arith.ori %or3A_326, %ne3A_325 : i1
          %or3A_328 = arith.ori %or3A_327, %eq3A_196 : i1
          %convert_element_type3A_329 = arith.extui %or3A_328 : i1 to i32
          %cond3A_330 = arith.constant 0 : i32
          %cond3A_331 = arith.cmpi ne, %convert_element_type3A_329, %cond3A_330 : i32
          scf.if %cond3A_331 {
          } else {
          }
          %and3A_332 = arith.constant false
          %and3A_333 = arith.andi %or3A_328, %and3A_332 : i1
          %ne3A_334 = arith.cmpi ne, %add3A_197, %add3A_215 : i32
          %or3A_335 = arith.constant false
          %or3A_336 = arith.ori %or3A_335, %ne3A_334 : i1
          %or3A_337 = arith.ori %or3A_336, %eq3A_196 : i1
          %convert_element_type3A_338 = arith.extui %or3A_337 : i1 to i32
          %cond3A_339 = arith.constant 0 : i32
          %cond3A_340 = arith.cmpi ne, %convert_element_type3A_338, %cond3A_339 : i32
          scf.if %cond3A_340 {
          } else {
          }
          %and3A_341 = arith.constant false
          %and3A_342 = arith.andi %or3A_337, %and3A_341 : i1
          %ne3A_343 = arith.cmpi ne, %add3A_197, %add3A_215 : i32
          %or3A_344 = arith.constant false
          %or3A_345 = arith.ori %or3A_344, %ne3A_343 : i1
          %or3A_346 = arith.constant false
          %or3A_347 = arith.ori %or3A_345, %or3A_346 : i1
          %or3A_348 = arith.ori %or3A_347, %eq3A_196 : i1
          %convert_element_type3A_349 = arith.extui %or3A_348 : i1 to i32
          %cond3A_350 = arith.constant 0 : i32
          %cond3A_351 = arith.cmpi ne, %convert_element_type3A_349, %cond3A_350 : i32
          scf.if %cond3A_351 {
            "tpu.trace_start"() <{level = 10 : i32, message = "ep_copy_out"}> : () -> ()
            %rem3A_446 = arith.constant 2 : i32
            %rem3A_447 = arith.remui %while3A_185, %rem3A_446 : i32
            %mul3A_448 = arith.constant 128 : i32
            %mul3A_449 = arith.muli %mul3A_448, %add3A_197 : i32
            %dma_start3A_450 = arith.constant 0 : i32
            %dma_start3A_451 = arith.constant 0 : i32
            %dma_start3A_452 = tpu.memref_slice %run_scoped3A_20[%rem3A_447, %dma_start3A_450, %dma_start3A_451] : memref<2x128x128xf32, #tpu.memory_space<vmem>> -> memref<1x128x128xf32, #tpu.memory_space<vmem>>
            %dma_start3A_453 = tpu.memref_squeeze %dma_start3A_452 : memref<1x128x128xf32, #tpu.memory_space<vmem>> -> memref<128x128xf32, #tpu.memory_space<vmem>>
            %dma_start3A_454 = arith.constant 0 : i32
            %dma_start3A_455 = tpu.memref_slice %arg6[%mul3A_449, %dma_start3A_454] : memref<10240x128xf32, #tpu.memory_space<hbm>> -> memref<128x128xf32, #tpu.memory_space<hbm>>
            %dma_start3A_456 = tpu.memref_slice %run_scoped3A_21[%rem3A_447] : memref<2x!tpu.dma_semaphore, #tpu.memory_space<semaphore_mem>> -> memref<1x!tpu.dma_semaphore, #tpu.memory_space<semaphore_mem>>
            %dma_start3A_457 = tpu.memref_squeeze %dma_start3A_456 : memref<1x!tpu.dma_semaphore, #tpu.memory_space<semaphore_mem>> -> memref<!tpu.dma_semaphore, #tpu.memory_space<semaphore_mem>>
            %dma_start3A_458 = arith.constant 0 : i32
            %dma_start3A_459 = tpu.memref_slice %arg6[%mul3A_449, %dma_start3A_458] : memref<10240x128xf32, #tpu.memory_space<hbm>> -> memref<128x128xf32, #tpu.memory_space<hbm>>
            %dma_start3A_460 = arith.constant 0 : i32
            %dma_start3A_461 = arith.constant 0 : i32
            %dma_start3A_462 = tpu.memref_slice %run_scoped3A_20[%rem3A_447, %dma_start3A_460, %dma_start3A_461] : memref<2x128x128xf32, #tpu.memory_space<vmem>> -> memref<1x128x128xf32, #tpu.memory_space<vmem>>
            %dma_start3A_463 = tpu.memref_squeeze %dma_start3A_462 : memref<1x128x128xf32, #tpu.memory_space<vmem>> -> memref<128x128xf32, #tpu.memory_space<vmem>>
            tpu.enqueue_dma source(%dma_start3A_463 : memref<128x128xf32, #tpu.memory_space<vmem>>) target(%dma_start3A_459 : memref<128x128xf32, #tpu.memory_space<hbm>>) target_semaphore(%dma_start3A_457 : memref<!tpu.dma_semaphore, #tpu.memory_space<semaphore_mem>>)
            "tpu.trace_stop"() : () -> ()
          } else {
          }
          %and3A_352 = arith.constant true
          %and3A_353 = arith.andi %or3A_348, %and3A_352 : i1
          %add3A_354 = arith.constant 1 : i32
          %add3A_355 = arith.addi %while3A_185, %add3A_354 : i32
          %select_n3A_356 = arith.select %and3A_353, %add3A_355, %while3A_185 : i32
          %ne3A_357 = arith.cmpi ne, %add3A_197, %add3A_215 : i32
          %or3A_358 = arith.constant false
          %or3A_359 = arith.ori %or3A_358, %ne3A_357 : i1
          %or3A_360 = arith.constant false
          %or3A_361 = arith.ori %or3A_359, %or3A_360 : i1
          %or3A_362 = arith.ori %or3A_361, %eq3A_196 : i1
          %convert_element_type3A_363 = arith.extui %or3A_362 : i1 to i32
          %cond3A_364 = arith.constant 0 : i32
          %cond3A_365 = arith.cmpi ne, %convert_element_type3A_363, %cond3A_364 : i32
          scf.if %cond3A_365 {
            "tpu.trace_start"() <{level = 10 : i32, message = "ep_copy_out"}> : () -> ()
            %rem3A_446 = arith.constant 2 : i32
            %rem3A_447 = arith.remui %while3A_187, %rem3A_446 : i32
            %mul3A_448 = arith.constant 128 : i32
            %mul3A_449 = arith.muli %mul3A_448, %add3A_197 : i32
            %dma_start3A_450 = arith.constant 0 : i32
            %dma_start3A_451 = arith.constant 0 : i32
            %dma_start3A_452 = tpu.memref_slice %run_scoped3A_22[%rem3A_447, %dma_start3A_450, %dma_start3A_451] : memref<2x128x128xf32, #tpu.memory_space<vmem>> -> memref<1x128x128xf32, #tpu.memory_space<vmem>>
            %dma_start3A_453 = tpu.memref_squeeze %dma_start3A_452 : memref<1x128x128xf32, #tpu.memory_space<vmem>> -> memref<128x128xf32, #tpu.memory_space<vmem>>
            %dma_start3A_454 = arith.constant 0 : i32
            %dma_start3A_455 = tpu.memref_slice %arg7[%mul3A_449, %dma_start3A_454] : memref<10240x128xf32, #tpu.memory_space<hbm>> -> memref<128x128xf32, #tpu.memory_space<hbm>>
            %dma_start3A_456 = tpu.memref_slice %run_scoped3A_23[%rem3A_447] : memref<2x!tpu.dma_semaphore, #tpu.memory_space<semaphore_mem>> -> memref<1x!tpu.dma_semaphore, #tpu.memory_space<semaphore_mem>>
            %dma_start3A_457 = tpu.memref_squeeze %dma_start3A_456 : memref<1x!tpu.dma_semaphore, #tpu.memory_space<semaphore_mem>> -> memref<!tpu.dma_semaphore, #tpu.memory_space<semaphore_mem>>
            %dma_start3A_458 = arith.constant 0 : i32
            %dma_start3A_459 = tpu.memref_slice %arg7[%mul3A_449, %dma_start3A_458] : memref<10240x128xf32, #tpu.memory_space<hbm>> -> memref<128x128xf32, #tpu.memory_space<hbm>>
            %dma_start3A_460 = arith.constant 0 : i32
            %dma_start3A_461 = arith.constant 0 : i32
            %dma_start3A_462 = tpu.memref_slice %run_scoped3A_22[%rem3A_447, %dma_start3A_460, %dma_start3A_461] : memref<2x128x128xf32, #tpu.memory_space<vmem>> -> memref<1x128x128xf32, #tpu.memory_space<vmem>>
            %dma_start3A_463 = tpu.memref_squeeze %dma_start3A_462 : memref<1x128x128xf32, #tpu.memory_space<vmem>> -> memref<128x128xf32, #tpu.memory_space<vmem>>
            tpu.enqueue_dma source(%dma_start3A_463 : memref<128x128xf32, #tpu.memory_space<vmem>>) target(%dma_start3A_459 : memref<128x128xf32, #tpu.memory_space<hbm>>) target_semaphore(%dma_start3A_457 : memref<!tpu.dma_semaphore, #tpu.memory_space<semaphore_mem>>)
            "tpu.trace_stop"() : () -> ()
          } else {
          }
          %and3A_366 = arith.constant true
          %and3A_367 = arith.andi %or3A_362, %and3A_366 : i1
          %add3A_368 = arith.constant 1 : i32
          %add3A_369 = arith.addi %while3A_187, %add3A_368 : i32
          %select_n3A_370 = arith.select %and3A_367, %add3A_369, %while3A_187 : i32
          %ne3A_371 = arith.cmpi ne, %add3A_197, %add3A_207 : i32
          %or3A_372 = arith.constant false
          %or3A_373 = arith.ori %or3A_372, %ne3A_371 : i1
          %not3A_374 = arith.constant true
          %not3A_375 = arith.xori %eq3A_193, %not3A_374 : i1
          %and3A_376 = arith.andi %or3A_373, %not3A_375 : i1
          %convert_element_type3A_377 = arith.extui %and3A_376 : i1 to i32
          %cond3A_378 = arith.constant 0 : i32
          %cond3A_379 = arith.cmpi ne, %convert_element_type3A_377, %cond3A_378 : i32
          scf.if %cond3A_379 {
          } else {
          }
          %and3A_380 = arith.constant false
          %and3A_381 = arith.andi %and3A_376, %and3A_380 : i1
          %ne3A_382 = arith.cmpi ne, %add3A_197, %add3A_207 : i32
          %or3A_383 = arith.constant false
          %or3A_384 = arith.ori %or3A_383, %ne3A_382 : i1
          %not3A_385 = arith.constant true
          %not3A_386 = arith.xori %eq3A_193, %not3A_385 : i1
          %and3A_387 = arith.andi %or3A_384, %not3A_386 : i1
          %convert_element_type3A_388 = arith.extui %and3A_387 : i1 to i32
          %cond3A_389 = arith.constant 0 : i32
          %cond3A_390 = arith.cmpi ne, %convert_element_type3A_388, %cond3A_389 : i32
          scf.if %cond3A_390 {
          } else {
          }
          %and3A_391 = arith.constant false
          %and3A_392 = arith.andi %and3A_387, %and3A_391 : i1
          %ne3A_393 = arith.cmpi ne, %add3A_197, %add3A_207 : i32
          %or3A_394 = arith.constant false
          %or3A_395 = arith.ori %or3A_394, %ne3A_393 : i1
          %or3A_396 = arith.constant false
          %or3A_397 = arith.ori %or3A_395, %or3A_396 : i1
          %not3A_398 = arith.constant true
          %not3A_399 = arith.xori %eq3A_193, %not3A_398 : i1
          %and3A_400 = arith.andi %or3A_397, %not3A_399 : i1
          %convert_element_type3A_401 = arith.extui %and3A_400 : i1 to i32
          %cond3A_402 = arith.constant 0 : i32
          %cond3A_403 = arith.cmpi ne, %convert_element_type3A_401, %cond3A_402 : i32
          scf.if %cond3A_403 {
            "tpu.trace_start"() <{level = 10 : i32, message = "ep_wait_out"}> : () -> ()
            %rem3A_446 = arith.constant 2 : i32
            %rem3A_447 = arith.remui %while3A_186, %rem3A_446 : i32
            %mul3A_448 = arith.constant 128 : i32
            %mul3A_449 = arith.muli %mul3A_448, %add3A_207 : i32
            %dma_wait3A = arith.constant 0 : i32
            %dma_wait3A_450 = arith.constant 0 : i32
            %dma_wait3A_451 = tpu.memref_slice %run_scoped3A_20[%rem3A_447, %dma_wait3A, %dma_wait3A_450] : memref<2x128x128xf32, #tpu.memory_space<vmem>> -> memref<1x128x128xf32, #tpu.memory_space<vmem>>
            %dma_wait3A_452 = tpu.memref_squeeze %dma_wait3A_451 : memref<1x128x128xf32, #tpu.memory_space<vmem>> -> memref<128x128xf32, #tpu.memory_space<vmem>>
            %dma_wait3A_453 = arith.constant 0 : i32
            %dma_wait3A_454 = tpu.memref_slice %arg6[%mul3A_449, %dma_wait3A_453] : memref<10240x128xf32, #tpu.memory_space<hbm>> -> memref<128x128xf32, #tpu.memory_space<hbm>>
            %dma_wait3A_455 = tpu.memref_slice %run_scoped3A_21[%rem3A_447] : memref<2x!tpu.dma_semaphore, #tpu.memory_space<semaphore_mem>> -> memref<1x!tpu.dma_semaphore, #tpu.memory_space<semaphore_mem>>
            %dma_wait3A_456 = tpu.memref_squeeze %dma_wait3A_455 : memref<1x!tpu.dma_semaphore, #tpu.memory_space<semaphore_mem>> -> memref<!tpu.dma_semaphore, #tpu.memory_space<semaphore_mem>>
            %dma_wait3A_457 = arith.constant 0 : i32
            %dma_wait3A_458 = tpu.memref_slice %arg6[%mul3A_449, %dma_wait3A_457] : memref<10240x128xf32, #tpu.memory_space<hbm>> -> memref<128x128xf32, #tpu.memory_space<hbm>>
            %dma_wait3A_459 = arith.constant 0 : i32
            %dma_wait3A_460 = arith.constant 0 : i32
            %dma_wait3A_461 = tpu.memref_slice %run_scoped3A_20[%rem3A_447, %dma_wait3A_459, %dma_wait3A_460] : memref<2x128x128xf32, #tpu.memory_space<vmem>> -> memref<1x128x128xf32, #tpu.memory_space<vmem>>
            %dma_wait3A_462 = tpu.memref_squeeze %dma_wait3A_461 : memref<1x128x128xf32, #tpu.memory_space<vmem>> -> memref<128x128xf32, #tpu.memory_space<vmem>>
            tpu.wait_dma2 semaphore(%dma_wait3A_456 : memref<!tpu.dma_semaphore, #tpu.memory_space<semaphore_mem>>) src(%dma_wait3A_462 : memref<128x128xf32, #tpu.memory_space<vmem>>) dst(%dma_wait3A_458 : memref<128x128xf32, #tpu.memory_space<hbm>>)
            "tpu.trace_stop"() : () -> ()
          } else {
          }
          %and3A_404 = arith.constant true
          %and3A_405 = arith.andi %and3A_400, %and3A_404 : i1
          %add3A_406 = arith.constant 1 : i32
          %add3A_407 = arith.addi %while3A_186, %add3A_406 : i32
          %select_n3A_408 = arith.select %and3A_405, %add3A_407, %while3A_186 : i32
          %ne3A_409 = arith.cmpi ne, %add3A_197, %add3A_207 : i32
          %or3A_410 = arith.constant false
          %or3A_411 = arith.ori %or3A_410, %ne3A_409 : i1
          %or3A_412 = arith.constant false
          %or3A_413 = arith.ori %or3A_411, %or3A_412 : i1
          %not3A_414 = arith.constant true
          %not3A_415 = arith.xori %eq3A_193, %not3A_414 : i1
          %and3A_416 = arith.andi %or3A_413, %not3A_415 : i1
          %convert_element_type3A_417 = arith.extui %and3A_416 : i1 to i32
          %cond3A_418 = arith.constant 0 : i32
          %cond3A_419 = arith.cmpi ne, %convert_element_type3A_417, %cond3A_418 : i32
          scf.if %cond3A_419 {
            "tpu.trace_start"() <{level = 10 : i32, message = "ep_wait_out"}> : () -> ()
            %rem3A_446 = arith.constant 2 : i32
            %rem3A_447 = arith.remui %while3A_188, %rem3A_446 : i32
            %mul3A_448 = arith.constant 128 : i32
            %mul3A_449 = arith.muli %mul3A_448, %add3A_207 : i32
            %dma_wait3A = arith.constant 0 : i32
            %dma_wait3A_450 = arith.constant 0 : i32
            %dma_wait3A_451 = tpu.memref_slice %run_scoped3A_22[%rem3A_447, %dma_wait3A, %dma_wait3A_450] : memref<2x128x128xf32, #tpu.memory_space<vmem>> -> memref<1x128x128xf32, #tpu.memory_space<vmem>>
            %dma_wait3A_452 = tpu.memref_squeeze %dma_wait3A_451 : memref<1x128x128xf32, #tpu.memory_space<vmem>> -> memref<128x128xf32, #tpu.memory_space<vmem>>
            %dma_wait3A_453 = arith.constant 0 : i32
            %dma_wait3A_454 = tpu.memref_slice %arg7[%mul3A_449, %dma_wait3A_453] : memref<10240x128xf32, #tpu.memory_space<hbm>> -> memref<128x128xf32, #tpu.memory_space<hbm>>
            %dma_wait3A_455 = tpu.memref_slice %run_scoped3A_23[%rem3A_447] : memref<2x!tpu.dma_semaphore, #tpu.memory_space<semaphore_mem>> -> memref<1x!tpu.dma_semaphore, #tpu.memory_space<semaphore_mem>>
            %dma_wait3A_456 = tpu.memref_squeeze %dma_wait3A_455 : memref<1x!tpu.dma_semaphore, #tpu.memory_space<semaphore_mem>> -> memref<!tpu.dma_semaphore, #tpu.memory_space<semaphore_mem>>
            %dma_wait3A_457 = arith.constant 0 : i32
            %dma_wait3A_458 = tpu.memref_slice %arg7[%mul3A_449, %dma_wait3A_457] : memref<10240x128xf32, #tpu.memory_space<hbm>> -> memref<128x128xf32, #tpu.memory_space<hbm>>
            %dma_wait3A_459 = arith.constant 0 : i32
            %dma_wait3A_460 = arith.constant 0 : i32
            %dma_wait3A_461 = tpu.memref_slice %run_scoped3A_22[%rem3A_447, %dma_wait3A_459, %dma_wait3A_460] : memref<2x128x128xf32, #tpu.memory_space<vmem>> -> memref<1x128x128xf32, #tpu.memory_space<vmem>>
            %dma_wait3A_462 = tpu.memref_squeeze %dma_wait3A_461 : memref<1x128x128xf32, #tpu.memory_space<vmem>> -> memref<128x128xf32, #tpu.memory_space<vmem>>
            tpu.wait_dma2 semaphore(%dma_wait3A_456 : memref<!tpu.dma_semaphore, #tpu.memory_space<semaphore_mem>>) src(%dma_wait3A_462 : memref<128x128xf32, #tpu.memory_space<vmem>>) dst(%dma_wait3A_458 : memref<128x128xf32, #tpu.memory_space<hbm>>)
            "tpu.trace_stop"() : () -> ()
          } else {
          }
          %and3A_420 = arith.constant true
          %and3A_421 = arith.andi %and3A_416, %and3A_420 : i1
          %add3A_422 = arith.constant 1 : i32
          %add3A_423 = arith.addi %while3A_188, %add3A_422 : i32
          %select_n3A_424 = arith.select %and3A_421, %add3A_423, %while3A_188 : i32
          %ne3A_425 = arith.cmpi ne, %add3A_197, %add3A_215 : i32
          %or3A_426 = arith.constant false
          %or3A_427 = arith.ori %or3A_426, %ne3A_425 : i1
          %or3A_428 = arith.ori %or3A_427, %eq3A_196 : i1
          %add3A_429 = arith.constant 1 : i32
          %add3A_430 = arith.addi %while3A_182, %add3A_429 : i32
          %select_n3A_431 = arith.select %or3A_428, %add3A_430, %while3A_182 : i32
          %ne3A_432 = arith.cmpi ne, %add3A_197, %add3A_215 : i32
          %or3A_433 = arith.constant false
          %or3A_434 = arith.ori %or3A_433, %ne3A_432 : i1
          %or3A_435 = arith.ori %or3A_434, %eq3A_196 : i1
          %add3A_436 = arith.constant 1 : i32
          %add3A_437 = arith.addi %while3A_184, %add3A_436 : i32
          %select_n3A_438 = arith.select %or3A_435, %add3A_437, %while3A_184 : i32
          %add3A_439 = arith.constant 1 : i32
          %add3A_440 = arith.addi %while3A_189, %add3A_439 : i32
          %select_n3A_441 = arith.constant true
          %select_n3A_442 = arith.select %select_n3A_441, %add3A_440, %while3A_189 : i32
          %eq3A_443 = arith.cmpi eq, %select_n3A_442, %select_n3A : i32
          %select_n3A_444 = arith.constant 0 : i32
          %select_n3A_445 = arith.select %eq3A_443, %select_n3A_444, %select_n3A_442 : i32
          scf.yield %select_n3A_237, %select_n3A_431, %select_n3A_256, %select_n3A_438, %select_n3A_356, %select_n3A_408, %select_n3A_370, %select_n3A_424, %select_n3A_445 : i32, i32, i32, i32, i32, i32, i32, i32, i32
        }
        %sub3A_123 = arith.constant 1 : i32
        %sub3A_124 = arith.subi %while3A_122#8, %sub3A_123 : i32
        %select_n3A_125 = arith.constant true
        %select_n3A_126 = arith.select %select_n3A_125, %sub3A_124, %while3A_122#8 : i32
        %eq3A_127 = arith.constant -1 : i32
        %eq3A_128 = arith.cmpi eq, %select_n3A_126, %eq3A_127 : i32
        %sub3A_129 = arith.constant 1 : i32
        %sub3A_130 = arith.subi %select_n3A, %sub3A_129 : i32
        %select_n3A_131 = arith.select %eq3A_128, %sub3A_130, %select_n3A_126 : i32
        %sub3A_132 = arith.constant 1 : i32
        %sub3A_133 = arith.subi %mul3A_16, %sub3A_132 : i32
        %mul3A_134 = arith.constant 1 : i32
        %mul3A_135 = arith.muli %mul3A_134, %select_n3A : i32
        %eq3A_136 = arith.constant 0 : i32
        %eq3A_137 = arith.cmpi eq, %sub3A_133, %eq3A_136 : i32
        %sub3A_138 = arith.constant 1 : i32
        %sub3A_139 = arith.subi %mul3A_135, %sub3A_138 : i32
        %eq3A_140 = arith.cmpi eq, %sub3A_133, %sub3A_139 : i32
        %add3A_141 = arith.addi %select_n3A_131, %select_n3A_14 : i32
        %sub3A_142 = arith.constant 1 : i32
        %sub3A_143 = arith.subi %select_n3A_131, %sub3A_142 : i32
        %select_n3A_144 = arith.constant true
        %select_n3A_145 = arith.select %select_n3A_144, %sub3A_143, %select_n3A_131 : i32
        %eq3A_146 = arith.constant -1 : i32
        %eq3A_147 = arith.cmpi eq, %select_n3A_145, %eq3A_146 : i32
        %sub3A_148 = arith.constant 1 : i32
        %sub3A_149 = arith.subi %select_n3A, %sub3A_148 : i32
        %select_n3A_150 = arith.select %eq3A_147, %sub3A_149, %select_n3A_145 : i32
        %add3A_151 = arith.addi %select_n3A_150, %select_n3A_14 : i32
        %add3A_152 = arith.constant 1 : i32
        %add3A_153 = arith.addi %select_n3A_131, %add3A_152 : i32
        %select_n3A_154 = arith.constant true
        %select_n3A_155 = arith.select %select_n3A_154, %add3A_153, %select_n3A_131 : i32
        %eq3A_156 = arith.cmpi eq, %select_n3A_155, %select_n3A : i32
        %select_n3A_157 = arith.constant 0 : i32
        %select_n3A_158 = arith.select %eq3A_156, %select_n3A_157, %select_n3A_155 : i32
        %add3A_159 = arith.addi %select_n3A_158, %select_n3A_14 : i32
        %add3A_160 = arith.constant 1 : i32
        %add3A_161 = arith.addi %select_n3A_158, %add3A_160 : i32
        %select_n3A_162 = arith.constant true
        %select_n3A_163 = arith.select %select_n3A_162, %add3A_161, %select_n3A_158 : i32
        %eq3A_164 = arith.cmpi eq, %select_n3A_163, %select_n3A : i32
        %select_n3A_165 = arith.constant 0 : i32
        %select_n3A_166 = arith.select %eq3A_164, %select_n3A_165, %select_n3A_163 : i32
        %add3A_167 = arith.addi %select_n3A_166, %select_n3A_14 : i32
        %convert_element_type3A_168 = arith.extui %eq3A_140 : i1 to i32
        %cond3A_169 = arith.constant 0 : i32
        %cond3A_170 = arith.cmpi ne, %convert_element_type3A_168, %cond3A_169 : i32
        scf.if %cond3A_170 {
        } else {
        }
        %convert_element_type3A_171 = arith.extui %eq3A_140 : i1 to i32
        %cond3A_172 = arith.constant 0 : i32
        %cond3A_173 = arith.cmpi ne, %convert_element_type3A_171, %cond3A_172 : i32
        scf.if %cond3A_173 {
        } else {
        }
        %convert_element_type3A_174 = arith.extui %eq3A_140 : i1 to i32
        %cond3A_175 = arith.constant 0 : i32
        %cond3A_176 = arith.cmpi ne, %convert_element_type3A_174, %cond3A_175 : i32
        scf.if %cond3A_176 {
          "tpu.trace_start"() <{level = 10 : i32, message = "ep_finalize"}> : () -> ()
          %rem3A_180 = arith.constant 2 : i32
          %rem3A_181 = arith.remui %while3A_122#5, %rem3A_180 : i32
          %mul3A_182 = arith.constant 128 : i32
          %mul3A_183 = arith.muli %mul3A_182, %add3A_141 : i32
          %dma_wait3A = arith.constant 0 : i32
          %dma_wait3A_184 = arith.constant 0 : i32
          %dma_wait3A_185 = tpu.memref_slice %run_scoped3A_20[%rem3A_181, %dma_wait3A, %dma_wait3A_184] : memref<2x128x128xf32, #tpu.memory_space<vmem>> -> memref<1x128x128xf32, #tpu.memory_space<vmem>>
          %dma_wait3A_186 = tpu.memref_squeeze %dma_wait3A_185 : memref<1x128x128xf32, #tpu.memory_space<vmem>> -> memref<128x128xf32, #tpu.memory_space<vmem>>
          %dma_wait3A_187 = arith.constant 0 : i32
          %dma_wait3A_188 = tpu.memref_slice %arg6[%mul3A_183, %dma_wait3A_187] : memref<10240x128xf32, #tpu.memory_space<hbm>> -> memref<128x128xf32, #tpu.memory_space<hbm>>
          %dma_wait3A_189 = tpu.memref_slice %run_scoped3A_21[%rem3A_181] : memref<2x!tpu.dma_semaphore, #tpu.memory_space<semaphore_mem>> -> memref<1x!tpu.dma_semaphore, #tpu.memory_space<semaphore_mem>>
          %dma_wait3A_190 = tpu.memref_squeeze %dma_wait3A_189 : memref<1x!tpu.dma_semaphore, #tpu.memory_space<semaphore_mem>> -> memref<!tpu.dma_semaphore, #tpu.memory_space<semaphore_mem>>
          %dma_wait3A_191 = arith.constant 0 : i32
          %dma_wait3A_192 = tpu.memref_slice %arg6[%mul3A_183, %dma_wait3A_191] : memref<10240x128xf32, #tpu.memory_space<hbm>> -> memref<128x128xf32, #tpu.memory_space<hbm>>
          %dma_wait3A_193 = arith.constant 0 : i32
          %dma_wait3A_194 = arith.constant 0 : i32
          %dma_wait3A_195 = tpu.memref_slice %run_scoped3A_20[%rem3A_181, %dma_wait3A_193, %dma_wait3A_194] : memref<2x128x128xf32, #tpu.memory_space<vmem>> -> memref<1x128x128xf32, #tpu.memory_space<vmem>>
          %dma_wait3A_196 = tpu.memref_squeeze %dma_wait3A_195 : memref<1x128x128xf32, #tpu.memory_space<vmem>> -> memref<128x128xf32, #tpu.memory_space<vmem>>
          tpu.wait_dma2 semaphore(%dma_wait3A_190 : memref<!tpu.dma_semaphore, #tpu.memory_space<semaphore_mem>>) src(%dma_wait3A_196 : memref<128x128xf32, #tpu.memory_space<vmem>>) dst(%dma_wait3A_192 : memref<128x128xf32, #tpu.memory_space<hbm>>)
          "tpu.trace_stop"() : () -> ()
        } else {
        }
        %convert_element_type3A_177 = arith.extui %eq3A_140 : i1 to i32
        %cond3A_178 = arith.constant 0 : i32
        %cond3A_179 = arith.cmpi ne, %convert_element_type3A_177, %cond3A_178 : i32
        scf.if %cond3A_179 {
          "tpu.trace_start"() <{level = 10 : i32, message = "ep_finalize"}> : () -> ()
          %rem3A_180 = arith.constant 2 : i32
          %rem3A_181 = arith.remui %while3A_122#7, %rem3A_180 : i32
          %mul3A_182 = arith.constant 128 : i32
          %mul3A_183 = arith.muli %mul3A_182, %add3A_141 : i32
          %dma_wait3A = arith.constant 0 : i32
          %dma_wait3A_184 = arith.constant 0 : i32
          %dma_wait3A_185 = tpu.memref_slice %run_scoped3A_22[%rem3A_181, %dma_wait3A, %dma_wait3A_184] : memref<2x128x128xf32, #tpu.memory_space<vmem>> -> memref<1x128x128xf32, #tpu.memory_space<vmem>>
          %dma_wait3A_186 = tpu.memref_squeeze %dma_wait3A_185 : memref<1x128x128xf32, #tpu.memory_space<vmem>> -> memref<128x128xf32, #tpu.memory_space<vmem>>
          %dma_wait3A_187 = arith.constant 0 : i32
          %dma_wait3A_188 = tpu.memref_slice %arg7[%mul3A_183, %dma_wait3A_187] : memref<10240x128xf32, #tpu.memory_space<hbm>> -> memref<128x128xf32, #tpu.memory_space<hbm>>
          %dma_wait3A_189 = tpu.memref_slice %run_scoped3A_23[%rem3A_181] : memref<2x!tpu.dma_semaphore, #tpu.memory_space<semaphore_mem>> -> memref<1x!tpu.dma_semaphore, #tpu.memory_space<semaphore_mem>>
          %dma_wait3A_190 = tpu.memref_squeeze %dma_wait3A_189 : memref<1x!tpu.dma_semaphore, #tpu.memory_space<semaphore_mem>> -> memref<!tpu.dma_semaphore, #tpu.memory_space<semaphore_mem>>
          %dma_wait3A_191 = arith.constant 0 : i32
          %dma_wait3A_192 = tpu.memref_slice %arg7[%mul3A_183, %dma_wait3A_191] : memref<10240x128xf32, #tpu.memory_space<hbm>> -> memref<128x128xf32, #tpu.memory_space<hbm>>
          %dma_wait3A_193 = arith.constant 0 : i32
          %dma_wait3A_194 = arith.constant 0 : i32
          %dma_wait3A_195 = tpu.memref_slice %run_scoped3A_22[%rem3A_181, %dma_wait3A_193, %dma_wait3A_194] : memref<2x128x128xf32, #tpu.memory_space<vmem>> -> memref<1x128x128xf32, #tpu.memory_space<vmem>>
          %dma_wait3A_196 = tpu.memref_squeeze %dma_wait3A_195 : memref<1x128x128xf32, #tpu.memory_space<vmem>> -> memref<128x128xf32, #tpu.memory_space<vmem>>
          tpu.wait_dma2 semaphore(%dma_wait3A_190 : memref<!tpu.dma_semaphore, #tpu.memory_space<semaphore_mem>>) src(%dma_wait3A_196 : memref<128x128xf32, #tpu.memory_space<vmem>>) dst(%dma_wait3A_192 : memref<128x128xf32, #tpu.memory_space<hbm>>)
          "tpu.trace_stop"() : () -> ()
        } else {
        }
      } else {
      }
      tpu.yield
    }) : () -> ()
    return
  }
}

module attributes {stable_mosaic.version = 14 : i64} {
  func.func @_dist_body(%arg0: i32, %arg1: memref<1024x128xf32, #tpu.memory_space<vmem>>, %arg2: memref<1024x1xf32, #tpu.memory_space<vmem>>, %arg3: memref<2048x128xf32, #tpu.memory_space<vmem>>, %arg4: memref<1x1x2048xf32, #tpu.memory_space<vmem>>, %arg5: memref<1024x2048xf32, #tpu.memory_space<vmem>>, %arg6: memref<1x1024x16xf32, #tpu.memory_space<vmem>>) attributes {dimension_semantics = [#tpu.dimension_semantics<arbitrary>], iteration_bounds = array<i64: 49>, scalar_prefetch = 0 : i64, scratch_operands = 0 : i64, tpu.core_type = #tpu.core_type<tc>, window_params = [{pipeline_mode = #tpu.pipeline_mode<synchronous>, transform_indices = @transform_0, window_bounds = array<i64: 1024, 128>}, {pipeline_mode = #tpu.pipeline_mode<synchronous>, transform_indices = @transform_1, window_bounds = array<i64: 1024, 1>}, {transform_indices = @transform_2, window_bounds = array<i64: 2048, 128>}, {transform_indices = @transform_3, window_bounds = array<i64: 1, 1, 2048>}, {transform_indices = @transform_4, window_bounds = array<i64: 1024, 2048>}, {transform_indices = @transform_5, window_bounds = array<i64: 1, 1024, 16>}]} {
    %get3A = arith.constant 0 : index
    %get3A_0 = arith.constant 0 : index
    %get3A_1 = vector.load %arg1[%get3A, %get3A_0] : memref<1024x128xf32, #tpu.memory_space<vmem>>, vector<1024x128xf32>
    %get3A_2 = arith.constant 0 : index
    %get3A_3 = arith.constant 0 : index
    %get3A_4 = vector.load %arg3[%get3A_2, %get3A_3] : memref<2048x128xf32, #tpu.memory_space<vmem>>, vector<2048x128xf32>
    %get3A_5 = arith.constant 0 : index
    %get3A_6 = arith.constant 0 : index
    %get3A_7 = vector.load %arg2[%get3A_5, %get3A_6] : memref<1024x1xf32, #tpu.memory_space<vmem>>, vector<1024x1xf32>
    %get3A_8 = arith.constant 0 : index
    %get3A_9 = arith.constant 0 : index
    %get3A_10 = arith.constant 0 : index
    %get3A_11 = vector.load %arg4[%get3A_8, %get3A_9, %get3A_10] : memref<1x1x2048xf32, #tpu.memory_space<vmem>>, vector<1x1x2048xf32>
    %get3A_12 = vector.shape_cast %get3A_11 : vector<1x1x2048xf32> to vector<1x2048xf32>
    %convert_element_type3A = arith.truncf %get3A_1 : vector<1024x128xf32> to vector<1024x128xbf16>
    %convert_element_type3A_13 = arith.truncf %get3A_4 : vector<2048x128xf32> to vector<2048x128xbf16>
    %dot_general3A = arith.constant dense<0.000000e+00> : vector<1024x2048xf32>
    %dot_general3A_14 = tpu.matmul %convert_element_type3A, %convert_element_type3A_13, %dot_general3A {dimension_numbers = #tpu.dot_dimension_numbers<[1], [1], [0], [0], [0, 0, 1, 0], [], []>, transpose_lhs_hint = false} : vector<1024x128xbf16>, vector<2048x128xbf16>, vector<1024x2048xf32> -> vector<1024x2048xf32>
    %add3A = vector.broadcast %get3A_7 : vector<1024x1xf32> to vector<1024x2048xf32>
    %add3A_15 = vector.broadcast %get3A_12 : vector<1x2048xf32> to vector<1024x2048xf32>
    %add3A_16 = arith.addf %add3A, %add3A_15 : vector<1024x2048xf32>
    %mul3A = arith.constant 2.000000e+00 : f32
    %mul3A_17 = vector.broadcast %mul3A : f32 to vector<1024x2048xf32>
    %mul3A_18 = arith.mulf %mul3A_17, %dot_general3A_14 : vector<1024x2048xf32>
    %sub3A = arith.subf %add3A_16, %mul3A_18 : vector<1024x2048xf32>
    %swap3A = arith.constant 0 : index
    %swap3A_19 = arith.constant 0 : index
    %swap3A_20 = vector.load %arg5[%swap3A, %swap3A_19] : memref<1024x2048xf32, #tpu.memory_space<vmem>>, vector<1024x2048xf32>
    tpu.vector_store %arg5[%swap3A, %swap3A_19], %sub3A {strides = array<i32>} : memref<1024x2048xf32, #tpu.memory_space<vmem>>, vector<1024x2048xf32>,
    %slice3A = vector.extract_strided_slice %sub3A {offsets = [0, 0], sizes = [1024, 128], strides = [1, 1]} : vector<1024x2048xf32> to vector<1024x128xf32>
    %reduce_min3A = arith.constant dense<0x7F800000> : vector<1024xf32>
    %reduce_min3A_21 = vector.multi_reduction <minimumf>, %slice3A, %reduce_min3A [1] : vector<1024x128xf32> to vector<1024xf32>
    %broadcast_in_dim3A = vector.shape_cast %reduce_min3A_21 : vector<1024xf32> to vector<1024x1xf32>
    %slice3A_22 = vector.extract_strided_slice %sub3A {offsets = [0, 128], sizes = [1024, 128], strides = [1, 1]} : vector<1024x2048xf32> to vector<1024x128xf32>
    %reduce_min3A_23 = arith.constant dense<0x7F800000> : vector<1024xf32>
    %reduce_min3A_24 = vector.multi_reduction <minimumf>, %slice3A_22, %reduce_min3A_23 [1] : vector<1024x128xf32> to vector<1024xf32>
    %broadcast_in_dim3A_25 = vector.shape_cast %reduce_min3A_24 : vector<1024xf32> to vector<1024x1xf32>
    %slice3A_26 = vector.extract_strided_slice %sub3A {offsets = [0, 256], sizes = [1024, 128], strides = [1, 1]} : vector<1024x2048xf32> to vector<1024x128xf32>
    %reduce_min3A_27 = arith.constant dense<0x7F800000> : vector<1024xf32>
    %reduce_min3A_28 = vector.multi_reduction <minimumf>, %slice3A_26, %reduce_min3A_27 [1] : vector<1024x128xf32> to vector<1024xf32>
    %broadcast_in_dim3A_29 = vector.shape_cast %reduce_min3A_28 : vector<1024xf32> to vector<1024x1xf32>
    %slice3A_30 = vector.extract_strided_slice %sub3A {offsets = [0, 384], sizes = [1024, 128], strides = [1, 1]} : vector<1024x2048xf32> to vector<1024x128xf32>
    %reduce_min3A_31 = arith.constant dense<0x7F800000> : vector<1024xf32>
    %reduce_min3A_32 = vector.multi_reduction <minimumf>, %slice3A_30, %reduce_min3A_31 [1] : vector<1024x128xf32> to vector<1024xf32>
    %broadcast_in_dim3A_33 = vector.shape_cast %reduce_min3A_32 : vector<1024xf32> to vector<1024x1xf32>
    %slice3A_34 = vector.extract_strided_slice %sub3A {offsets = [0, 512], sizes = [1024, 128], strides = [1, 1]} : vector<1024x2048xf32> to vector<1024x128xf32>
    %reduce_min3A_35 = arith.constant dense<0x7F800000> : vector<1024xf32>
    %reduce_min3A_36 = vector.multi_reduction <minimumf>, %slice3A_34, %reduce_min3A_35 [1] : vector<1024x128xf32> to vector<1024xf32>
    %broadcast_in_dim3A_37 = vector.shape_cast %reduce_min3A_36 : vector<1024xf32> to vector<1024x1xf32>
    %slice3A_38 = vector.extract_strided_slice %sub3A {offsets = [0, 640], sizes = [1024, 128], strides = [1, 1]} : vector<1024x2048xf32> to vector<1024x128xf32>
    %reduce_min3A_39 = arith.constant dense<0x7F800000> : vector<1024xf32>
    %reduce_min3A_40 = vector.multi_reduction <minimumf>, %slice3A_38, %reduce_min3A_39 [1] : vector<1024x128xf32> to vector<1024xf32>
    %broadcast_in_dim3A_41 = vector.shape_cast %reduce_min3A_40 : vector<1024xf32> to vector<1024x1xf32>
    %slice3A_42 = vector.extract_strided_slice %sub3A {offsets = [0, 768], sizes = [1024, 128], strides = [1, 1]} : vector<1024x2048xf32> to vector<1024x128xf32>
    %reduce_min3A_43 = arith.constant dense<0x7F800000> : vector<1024xf32>
    %reduce_min3A_44 = vector.multi_reduction <minimumf>, %slice3A_42, %reduce_min3A_43 [1] : vector<1024x128xf32> to vector<1024xf32>
    %broadcast_in_dim3A_45 = vector.shape_cast %reduce_min3A_44 : vector<1024xf32> to vector<1024x1xf32>
    %slice3A_46 = vector.extract_strided_slice %sub3A {offsets = [0, 896], sizes = [1024, 128], strides = [1, 1]} : vector<1024x2048xf32> to vector<1024x128xf32>
    %reduce_min3A_47 = arith.constant dense<0x7F800000> : vector<1024xf32>
    %reduce_min3A_48 = vector.multi_reduction <minimumf>, %slice3A_46, %reduce_min3A_47 [1] : vector<1024x128xf32> to vector<1024xf32>
    %broadcast_in_dim3A_49 = vector.shape_cast %reduce_min3A_48 : vector<1024xf32> to vector<1024x1xf32>
    %slice3A_50 = vector.extract_strided_slice %sub3A {offsets = [0, 1024], sizes = [1024, 128], strides = [1, 1]} : vector<1024x2048xf32> to vector<1024x128xf32>
    %reduce_min3A_51 = arith.constant dense<0x7F800000> : vector<1024xf32>
    %reduce_min3A_52 = vector.multi_reduction <minimumf>, %slice3A_50, %reduce_min3A_51 [1] : vector<1024x128xf32> to vector<1024xf32>
    %broadcast_in_dim3A_53 = vector.shape_cast %reduce_min3A_52 : vector<1024xf32> to vector<1024x1xf32>
    %slice3A_54 = vector.extract_strided_slice %sub3A {offsets = [0, 1152], sizes = [1024, 128], strides = [1, 1]} : vector<1024x2048xf32> to vector<1024x128xf32>
    %reduce_min3A_55 = arith.constant dense<0x7F800000> : vector<1024xf32>
    %reduce_min3A_56 = vector.multi_reduction <minimumf>, %slice3A_54, %reduce_min3A_55 [1] : vector<1024x128xf32> to vector<1024xf32>
    %broadcast_in_dim3A_57 = vector.shape_cast %reduce_min3A_56 : vector<1024xf32> to vector<1024x1xf32>
    %slice3A_58 = vector.extract_strided_slice %sub3A {offsets = [0, 1280], sizes = [1024, 128], strides = [1, 1]} : vector<1024x2048xf32> to vector<1024x128xf32>
    %reduce_min3A_59 = arith.constant dense<0x7F800000> : vector<1024xf32>
    %reduce_min3A_60 = vector.multi_reduction <minimumf>, %slice3A_58, %reduce_min3A_59 [1] : vector<1024x128xf32> to vector<1024xf32>
    %broadcast_in_dim3A_61 = vector.shape_cast %reduce_min3A_60 : vector<1024xf32> to vector<1024x1xf32>
    %slice3A_62 = vector.extract_strided_slice %sub3A {offsets = [0, 1408], sizes = [1024, 128], strides = [1, 1]} : vector<1024x2048xf32> to vector<1024x128xf32>
    %reduce_min3A_63 = arith.constant dense<0x7F800000> : vector<1024xf32>
    %reduce_min3A_64 = vector.multi_reduction <minimumf>, %slice3A_62, %reduce_min3A_63 [1] : vector<1024x128xf32> to vector<1024xf32>
    %broadcast_in_dim3A_65 = vector.shape_cast %reduce_min3A_64 : vector<1024xf32> to vector<1024x1xf32>
    %slice3A_66 = vector.extract_strided_slice %sub3A {offsets = [0, 1536], sizes = [1024, 128], strides = [1, 1]} : vector<1024x2048xf32> to vector<1024x128xf32>
    %reduce_min3A_67 = arith.constant dense<0x7F800000> : vector<1024xf32>
    %reduce_min3A_68 = vector.multi_reduction <minimumf>, %slice3A_66, %reduce_min3A_67 [1] : vector<1024x128xf32> to vector<1024xf32>
    %broadcast_in_dim3A_69 = vector.shape_cast %reduce_min3A_68 : vector<1024xf32> to vector<1024x1xf32>
    %slice3A_70 = vector.extract_strided_slice %sub3A {offsets = [0, 1664], sizes = [1024, 128], strides = [1, 1]} : vector<1024x2048xf32> to vector<1024x128xf32>
    %reduce_min3A_71 = arith.constant dense<0x7F800000> : vector<1024xf32>
    %reduce_min3A_72 = vector.multi_reduction <minimumf>, %slice3A_70, %reduce_min3A_71 [1] : vector<1024x128xf32> to vector<1024xf32>
    %broadcast_in_dim3A_73 = vector.shape_cast %reduce_min3A_72 : vector<1024xf32> to vector<1024x1xf32>
    %slice3A_74 = vector.extract_strided_slice %sub3A {offsets = [0, 1792], sizes = [1024, 128], strides = [1, 1]} : vector<1024x2048xf32> to vector<1024x128xf32>
    %reduce_min3A_75 = arith.constant dense<0x7F800000> : vector<1024xf32>
    %reduce_min3A_76 = vector.multi_reduction <minimumf>, %slice3A_74, %reduce_min3A_75 [1] : vector<1024x128xf32> to vector<1024xf32>
    %broadcast_in_dim3A_77 = vector.shape_cast %reduce_min3A_76 : vector<1024xf32> to vector<1024x1xf32>
    %slice3A_78 = vector.extract_strided_slice %sub3A {offsets = [0, 1920], sizes = [1024, 128], strides = [1, 1]} : vector<1024x2048xf32> to vector<1024x128xf32>
    %reduce_min3A_79 = arith.constant dense<0x7F800000> : vector<1024xf32>
    %reduce_min3A_80 = vector.multi_reduction <minimumf>, %slice3A_78, %reduce_min3A_79 [1] : vector<1024x128xf32> to vector<1024xf32>
    %broadcast_in_dim3A_81 = vector.shape_cast %reduce_min3A_80 : vector<1024xf32> to vector<1024x1xf32>
    %concatenate3A = tpu.concatenate %broadcast_in_dim3A, %broadcast_in_dim3A_25, %broadcast_in_dim3A_29, %broadcast_in_dim3A_33, %broadcast_in_dim3A_37, %broadcast_in_dim3A_41, %broadcast_in_dim3A_45, %broadcast_in_dim3A_49, %broadcast_in_dim3A_53, %broadcast_in_dim3A_57, %broadcast_in_dim3A_61, %broadcast_in_dim3A_65, %broadcast_in_dim3A_69, %broadcast_in_dim3A_73, %broadcast_in_dim3A_77, %broadcast_in_dim3A_81 in 1 : vector<1024x1xf32>, vector<1024x1xf32>, vector<1024x1xf32>, vector<1024x1xf32>, vector<1024x1xf32>, vector<1024x1xf32>, vector<1024x1xf32>, vector<1024x1xf32>, vector<1024x1xf32>, vector<1024x1xf32>, vector<1024x1xf32>, vector<1024x1xf32>, vector<1024x1xf32>, vector<1024x1xf32>, vector<1024x1xf32>, vector<1024x1xf32> -> vector<1024x16xf32>
    %swap3A_82 = arith.constant 0 : index
    %swap3A_83 = arith.constant 0 : index
    %swap3A_84 = arith.constant 0 : index
    %swap3A_85 = vector.load %arg6[%swap3A_82, %swap3A_83, %swap3A_84] : memref<1x1024x16xf32, #tpu.memory_space<vmem>>, vector<1x1024x16xf32>
    %swap3A_86 = vector.shape_cast %swap3A_85 : vector<1x1024x16xf32> to vector<1024x16xf32>
    %swap3A_87 = vector.shape_cast %concatenate3A : vector<1024x16xf32> to vector<1x1024x16xf32>
    tpu.vector_store %arg6[%swap3A_82, %swap3A_83, %swap3A_84], %swap3A_87 {strides = array<i32>} : memref<1x1024x16xf32, #tpu.memory_space<vmem>>, vector<1x1024x16xf32>,
    return
  }
  func.func @transform_0(%arg0: i32) -> (i32, i32) {
    %c0_i32 = arith.constant 0 : i32
    %c0_i32_0 = arith.constant 0 : i32
    %c0_i32_1 = arith.constant 0 : i32
    return %c0_i32, %c0_i32_0 : i32, i32
  }
  func.func @transform_1(%arg0: i32) -> (i32, i32) {
    %c0_i32 = arith.constant 0 : i32
    %c0_i32_0 = arith.constant 0 : i32
    %c0_i32_1 = arith.constant 0 : i32
    return %c0_i32, %c0_i32_0 : i32, i32
  }
  func.func @transform_2(%arg0: i32) -> (i32, i32) {
    %c0_i32 = arith.constant 0 : i32
    %c0_i32_0 = arith.constant 0 : i32
    return %arg0, %c0_i32 : i32, i32
  }
  func.func @transform_3(%arg0: i32) -> (i32, i32, i32) {
    %c0_i32 = arith.constant 0 : i32
    %c0_i32_0 = arith.constant 0 : i32
    %c0_i32_1 = arith.constant 0 : i32
    return %arg0, %c0_i32, %c0_i32_0 : i32, i32, i32
  }
  func.func @transform_4(%arg0: i32) -> (i32, i32) {
    %c0_i32 = arith.constant 0 : i32
    %c0_i32_0 = arith.constant 0 : i32
    return %c0_i32, %arg0 : i32, i32
  }
  func.func @transform_5(%arg0: i32) -> (i32, i32, i32) {
    %c0_i32 = arith.constant 0 : i32
    %c0_i32_0 = arith.constant 0 : i32
    %c0_i32_1 = arith.constant 0 : i32
    return %arg0, %c0_i32, %c0_i32_0 : i32, i32, i32
  }
}

module attributes {stable_mosaic.version = 14 : i64} {
  func.func @_gext_body(%arg0: memref<1024x784xf32, #tpu.memory_space<vmem>>, %arg1: memref<1024x16xi32, #tpu.memory_space<vmem>>) attributes {dimension_semantics = [], scalar_prefetch = 0 : i64, scratch_operands = 0 : i64, tpu.core_type = #tpu.core_type<tc>} {
    %get3A = arith.constant 0 : index
    %get3A_0 = arith.constant 0 : index
    %get3A_1 = vector.load %arg0[%get3A, %get3A_0] : memref<1024x784xf32, #tpu.memory_space<vmem>>, vector<1024x784xf32>
    %iota3A = tpu.iota {dimensions = array<i32: 1>} : vector<1024x784xi32>
    %reduce_min3A = arith.constant dense<0x7F800000> : vector<1024xf32>
    %reduce_min3A_2 = vector.multi_reduction <minimumf>, %get3A_1, %reduce_min3A [1] : vector<1024x784xf32> to vector<1024xf32>
    %broadcast_in_dim3A = vector.shape_cast %reduce_min3A_2 : vector<1024xf32> to vector<1024x1xf32>
    %eq3A = vector.broadcast %broadcast_in_dim3A : vector<1024x1xf32> to vector<1024x784xf32>
    %eq3A_3 = arith.cmpf oeq, %get3A_1, %eq3A : vector<1024x784xf32>
    %jit3A = arith.constant 1073741824 : i32
    %broadcast_in_dim3A_4 = vector.broadcast %jit3A : i32 to vector<1024x784xi32>
    %select_n3A = arith.select %eq3A_3, %iota3A, %broadcast_in_dim3A_4 : vector<1024x784xi1>, vector<1024x784xi32>
    %reduce_min3A_5 = arith.constant dense<2147483647> : vector<1024xi32>
    %reduce_min3A_6 = vector.multi_reduction <minsi>, %select_n3A, %reduce_min3A_5 [1] : vector<1024x784xi32> to vector<1024xi32>
    %broadcast_in_dim3A_7 = vector.shape_cast %reduce_min3A_6 : vector<1024xi32> to vector<1024x1xi32>
    %eq3A_8 = vector.broadcast %broadcast_in_dim3A_7 : vector<1024x1xi32> to vector<1024x784xi32>
    %eq3A_9 = arith.cmpi eq, %iota3A, %eq3A_8 : vector<1024x784xi32>
    %jit3A_10 = arith.constant 0x7F800000 : f32
    %broadcast_in_dim3A_11 = vector.broadcast %jit3A_10 : f32 to vector<1024x784xf32>
    %select_n3A_12 = arith.select %eq3A_9, %broadcast_in_dim3A_11, %get3A_1 : vector<1024x784xi1>, vector<1024x784xf32>
    %reduce_min3A_13 = arith.constant dense<0x7F800000> : vector<1024xf32>
    %reduce_min3A_14 = vector.multi_reduction <minimumf>, %select_n3A_12, %reduce_min3A_13 [1] : vector<1024x784xf32> to vector<1024xf32>
    %broadcast_in_dim3A_15 = vector.shape_cast %reduce_min3A_14 : vector<1024xf32> to vector<1024x1xf32>
    %eq3A_16 = vector.broadcast %broadcast_in_dim3A_15 : vector<1024x1xf32> to vector<1024x784xf32>
    %eq3A_17 = arith.cmpf oeq, %select_n3A_12, %eq3A_16 : vector<1024x784xf32>
    %jit3A_18 = arith.constant 1073741824 : i32
    %broadcast_in_dim3A_19 = vector.broadcast %jit3A_18 : i32 to vector<1024x784xi32>
    %select_n3A_20 = arith.select %eq3A_17, %iota3A, %broadcast_in_dim3A_19 : vector<1024x784xi1>, vector<1024x784xi32>
    %reduce_min3A_21 = arith.constant dense<2147483647> : vector<1024xi32>
    %reduce_min3A_22 = vector.multi_reduction <minsi>, %select_n3A_20, %reduce_min3A_21 [1] : vector<1024x784xi32> to vector<1024xi32>
    %broadcast_in_dim3A_23 = vector.shape_cast %reduce_min3A_22 : vector<1024xi32> to vector<1024x1xi32>
    %eq3A_24 = vector.broadcast %broadcast_in_dim3A_23 : vector<1024x1xi32> to vector<1024x784xi32>
    %eq3A_25 = arith.cmpi eq, %iota3A, %eq3A_24 : vector<1024x784xi32>
    %jit3A_26 = arith.constant 0x7F800000 : f32
    %broadcast_in_dim3A_27 = vector.broadcast %jit3A_26 : f32 to vector<1024x784xf32>
    %select_n3A_28 = arith.select %eq3A_25, %broadcast_in_dim3A_27, %select_n3A_12 : vector<1024x784xi1>, vector<1024x784xf32>
    %reduce_min3A_29 = arith.constant dense<0x7F800000> : vector<1024xf32>
    %reduce_min3A_30 = vector.multi_reduction <minimumf>, %select_n3A_28, %reduce_min3A_29 [1] : vector<1024x784xf32> to vector<1024xf32>
    %broadcast_in_dim3A_31 = vector.shape_cast %reduce_min3A_30 : vector<1024xf32> to vector<1024x1xf32>
    %eq3A_32 = vector.broadcast %broadcast_in_dim3A_31 : vector<1024x1xf32> to vector<1024x784xf32>
    %eq3A_33 = arith.cmpf oeq, %select_n3A_28, %eq3A_32 : vector<1024x784xf32>
    %jit3A_34 = arith.constant 1073741824 : i32
    %broadcast_in_dim3A_35 = vector.broadcast %jit3A_34 : i32 to vector<1024x784xi32>
    %select_n3A_36 = arith.select %eq3A_33, %iota3A, %broadcast_in_dim3A_35 : vector<1024x784xi1>, vector<1024x784xi32>
    %reduce_min3A_37 = arith.constant dense<2147483647> : vector<1024xi32>
    %reduce_min3A_38 = vector.multi_reduction <minsi>, %select_n3A_36, %reduce_min3A_37 [1] : vector<1024x784xi32> to vector<1024xi32>
    %broadcast_in_dim3A_39 = vector.shape_cast %reduce_min3A_38 : vector<1024xi32> to vector<1024x1xi32>
    %eq3A_40 = vector.broadcast %broadcast_in_dim3A_39 : vector<1024x1xi32> to vector<1024x784xi32>
    %eq3A_41 = arith.cmpi eq, %iota3A, %eq3A_40 : vector<1024x784xi32>
    %jit3A_42 = arith.constant 0x7F800000 : f32
    %broadcast_in_dim3A_43 = vector.broadcast %jit3A_42 : f32 to vector<1024x784xf32>
    %select_n3A_44 = arith.select %eq3A_41, %broadcast_in_dim3A_43, %select_n3A_28 : vector<1024x784xi1>, vector<1024x784xf32>
    %reduce_min3A_45 = arith.constant dense<0x7F800000> : vector<1024xf32>
    %reduce_min3A_46 = vector.multi_reduction <minimumf>, %select_n3A_44, %reduce_min3A_45 [1] : vector<1024x784xf32> to vector<1024xf32>
    %broadcast_in_dim3A_47 = vector.shape_cast %reduce_min3A_46 : vector<1024xf32> to vector<1024x1xf32>
    %eq3A_48 = vector.broadcast %broadcast_in_dim3A_47 : vector<1024x1xf32> to vector<1024x784xf32>
    %eq3A_49 = arith.cmpf oeq, %select_n3A_44, %eq3A_48 : vector<1024x784xf32>
    %jit3A_50 = arith.constant 1073741824 : i32
    %broadcast_in_dim3A_51 = vector.broadcast %jit3A_50 : i32 to vector<1024x784xi32>
    %select_n3A_52 = arith.select %eq3A_49, %iota3A, %broadcast_in_dim3A_51 : vector<1024x784xi1>, vector<1024x784xi32>
    %reduce_min3A_53 = arith.constant dense<2147483647> : vector<1024xi32>
    %reduce_min3A_54 = vector.multi_reduction <minsi>, %select_n3A_52, %reduce_min3A_53 [1] : vector<1024x784xi32> to vector<1024xi32>
    %broadcast_in_dim3A_55 = vector.shape_cast %reduce_min3A_54 : vector<1024xi32> to vector<1024x1xi32>
    %eq3A_56 = vector.broadcast %broadcast_in_dim3A_55 : vector<1024x1xi32> to vector<1024x784xi32>
    %eq3A_57 = arith.cmpi eq, %iota3A, %eq3A_56 : vector<1024x784xi32>
    %jit3A_58 = arith.constant 0x7F800000 : f32
    %broadcast_in_dim3A_59 = vector.broadcast %jit3A_58 : f32 to vector<1024x784xf32>
    %select_n3A_60 = arith.select %eq3A_57, %broadcast_in_dim3A_59, %select_n3A_44 : vector<1024x784xi1>, vector<1024x784xf32>
    %reduce_min3A_61 = arith.constant dense<0x7F800000> : vector<1024xf32>
    %reduce_min3A_62 = vector.multi_reduction <minimumf>, %select_n3A_60, %reduce_min3A_61 [1] : vector<1024x784xf32> to vector<1024xf32>
    %broadcast_in_dim3A_63 = vector.shape_cast %reduce_min3A_62 : vector<1024xf32> to vector<1024x1xf32>
    %eq3A_64 = vector.broadcast %broadcast_in_dim3A_63 : vector<1024x1xf32> to vector<1024x784xf32>
    %eq3A_65 = arith.cmpf oeq, %select_n3A_60, %eq3A_64 : vector<1024x784xf32>
    %jit3A_66 = arith.constant 1073741824 : i32
    %broadcast_in_dim3A_67 = vector.broadcast %jit3A_66 : i32 to vector<1024x784xi32>
    %select_n3A_68 = arith.select %eq3A_65, %iota3A, %broadcast_in_dim3A_67 : vector<1024x784xi1>, vector<1024x784xi32>
    %reduce_min3A_69 = arith.constant dense<2147483647> : vector<1024xi32>
    %reduce_min3A_70 = vector.multi_reduction <minsi>, %select_n3A_68, %reduce_min3A_69 [1] : vector<1024x784xi32> to vector<1024xi32>
    %broadcast_in_dim3A_71 = vector.shape_cast %reduce_min3A_70 : vector<1024xi32> to vector<1024x1xi32>
    %eq3A_72 = vector.broadcast %broadcast_in_dim3A_71 : vector<1024x1xi32> to vector<1024x784xi32>
    %eq3A_73 = arith.cmpi eq, %iota3A, %eq3A_72 : vector<1024x784xi32>
    %jit3A_74 = arith.constant 0x7F800000 : f32
    %broadcast_in_dim3A_75 = vector.broadcast %jit3A_74 : f32 to vector<1024x784xf32>
    %select_n3A_76 = arith.select %eq3A_73, %broadcast_in_dim3A_75, %select_n3A_60 : vector<1024x784xi1>, vector<1024x784xf32>
    %reduce_min3A_77 = arith.constant dense<0x7F800000> : vector<1024xf32>
    %reduce_min3A_78 = vector.multi_reduction <minimumf>, %select_n3A_76, %reduce_min3A_77 [1] : vector<1024x784xf32> to vector<1024xf32>
    %broadcast_in_dim3A_79 = vector.shape_cast %reduce_min3A_78 : vector<1024xf32> to vector<1024x1xf32>
    %eq3A_80 = vector.broadcast %broadcast_in_dim3A_79 : vector<1024x1xf32> to vector<1024x784xf32>
    %eq3A_81 = arith.cmpf oeq, %select_n3A_76, %eq3A_80 : vector<1024x784xf32>
    %jit3A_82 = arith.constant 1073741824 : i32
    %broadcast_in_dim3A_83 = vector.broadcast %jit3A_82 : i32 to vector<1024x784xi32>
    %select_n3A_84 = arith.select %eq3A_81, %iota3A, %broadcast_in_dim3A_83 : vector<1024x784xi1>, vector<1024x784xi32>
    %reduce_min3A_85 = arith.constant dense<2147483647> : vector<1024xi32>
    %reduce_min3A_86 = vector.multi_reduction <minsi>, %select_n3A_84, %reduce_min3A_85 [1] : vector<1024x784xi32> to vector<1024xi32>
    %broadcast_in_dim3A_87 = vector.shape_cast %reduce_min3A_86 : vector<1024xi32> to vector<1024x1xi32>
    %eq3A_88 = vector.broadcast %broadcast_in_dim3A_87 : vector<1024x1xi32> to vector<1024x784xi32>
    %eq3A_89 = arith.cmpi eq, %iota3A, %eq3A_88 : vector<1024x784xi32>
    %jit3A_90 = arith.constant 0x7F800000 : f32
    %broadcast_in_dim3A_91 = vector.broadcast %jit3A_90 : f32 to vector<1024x784xf32>
    %select_n3A_92 = arith.select %eq3A_89, %broadcast_in_dim3A_91, %select_n3A_76 : vector<1024x784xi1>, vector<1024x784xf32>
    %reduce_min3A_93 = arith.constant dense<0x7F800000> : vector<1024xf32>
    %reduce_min3A_94 = vector.multi_reduction <minimumf>, %select_n3A_92, %reduce_min3A_93 [1] : vector<1024x784xf32> to vector<1024xf32>
    %broadcast_in_dim3A_95 = vector.shape_cast %reduce_min3A_94 : vector<1024xf32> to vector<1024x1xf32>
    %eq3A_96 = vector.broadcast %broadcast_in_dim3A_95 : vector<1024x1xf32> to vector<1024x784xf32>
    %eq3A_97 = arith.cmpf oeq, %select_n3A_92, %eq3A_96 : vector<1024x784xf32>
    %jit3A_98 = arith.constant 1073741824 : i32
    %broadcast_in_dim3A_99 = vector.broadcast %jit3A_98 : i32 to vector<1024x784xi32>
    %select_n3A_100 = arith.select %eq3A_97, %iota3A, %broadcast_in_dim3A_99 : vector<1024x784xi1>, vector<1024x784xi32>
    %reduce_min3A_101 = arith.constant dense<2147483647> : vector<1024xi32>
    %reduce_min3A_102 = vector.multi_reduction <minsi>, %select_n3A_100, %reduce_min3A_101 [1] : vector<1024x784xi32> to vector<1024xi32>
    %broadcast_in_dim3A_103 = vector.shape_cast %reduce_min3A_102 : vector<1024xi32> to vector<1024x1xi32>
    %eq3A_104 = vector.broadcast %broadcast_in_dim3A_103 : vector<1024x1xi32> to vector<1024x784xi32>
    %eq3A_105 = arith.cmpi eq, %iota3A, %eq3A_104 : vector<1024x784xi32>
    %jit3A_106 = arith.constant 0x7F800000 : f32
    %broadcast_in_dim3A_107 = vector.broadcast %jit3A_106 : f32 to vector<1024x784xf32>
    %select_n3A_108 = arith.select %eq3A_105, %broadcast_in_dim3A_107, %select_n3A_92 : vector<1024x784xi1>, vector<1024x784xf32>
    %reduce_min3A_109 = arith.constant dense<0x7F800000> : vector<1024xf32>
    %reduce_min3A_110 = vector.multi_reduction <minimumf>, %select_n3A_108, %reduce_min3A_109 [1] : vector<1024x784xf32> to vector<1024xf32>
    %broadcast_in_dim3A_111 = vector.shape_cast %reduce_min3A_110 : vector<1024xf32> to vector<1024x1xf32>
    %eq3A_112 = vector.broadcast %broadcast_in_dim3A_111 : vector<1024x1xf32> to vector<1024x784xf32>
    %eq3A_113 = arith.cmpf oeq, %select_n3A_108, %eq3A_112 : vector<1024x784xf32>
    %jit3A_114 = arith.constant 1073741824 : i32
    %broadcast_in_dim3A_115 = vector.broadcast %jit3A_114 : i32 to vector<1024x784xi32>
    %select_n3A_116 = arith.select %eq3A_113, %iota3A, %broadcast_in_dim3A_115 : vector<1024x784xi1>, vector<1024x784xi32>
    %reduce_min3A_117 = arith.constant dense<2147483647> : vector<1024xi32>
    %reduce_min3A_118 = vector.multi_reduction <minsi>, %select_n3A_116, %reduce_min3A_117 [1] : vector<1024x784xi32> to vector<1024xi32>
    %broadcast_in_dim3A_119 = vector.shape_cast %reduce_min3A_118 : vector<1024xi32> to vector<1024x1xi32>
    %eq3A_120 = vector.broadcast %broadcast_in_dim3A_119 : vector<1024x1xi32> to vector<1024x784xi32>
    %eq3A_121 = arith.cmpi eq, %iota3A, %eq3A_120 : vector<1024x784xi32>
    %jit3A_122 = arith.constant 0x7F800000 : f32
    %broadcast_in_dim3A_123 = vector.broadcast %jit3A_122 : f32 to vector<1024x784xf32>
    %select_n3A_124 = arith.select %eq3A_121, %broadcast_in_dim3A_123, %select_n3A_108 : vector<1024x784xi1>, vector<1024x784xf32>
    %reduce_min3A_125 = arith.constant dense<0x7F800000> : vector<1024xf32>
    %reduce_min3A_126 = vector.multi_reduction <minimumf>, %select_n3A_124, %reduce_min3A_125 [1] : vector<1024x784xf32> to vector<1024xf32>
    %broadcast_in_dim3A_127 = vector.shape_cast %reduce_min3A_126 : vector<1024xf32> to vector<1024x1xf32>
    %eq3A_128 = vector.broadcast %broadcast_in_dim3A_127 : vector<1024x1xf32> to vector<1024x784xf32>
    %eq3A_129 = arith.cmpf oeq, %select_n3A_124, %eq3A_128 : vector<1024x784xf32>
    %jit3A_130 = arith.constant 1073741824 : i32
    %broadcast_in_dim3A_131 = vector.broadcast %jit3A_130 : i32 to vector<1024x784xi32>
    %select_n3A_132 = arith.select %eq3A_129, %iota3A, %broadcast_in_dim3A_131 : vector<1024x784xi1>, vector<1024x784xi32>
    %reduce_min3A_133 = arith.constant dense<2147483647> : vector<1024xi32>
    %reduce_min3A_134 = vector.multi_reduction <minsi>, %select_n3A_132, %reduce_min3A_133 [1] : vector<1024x784xi32> to vector<1024xi32>
    %broadcast_in_dim3A_135 = vector.shape_cast %reduce_min3A_134 : vector<1024xi32> to vector<1024x1xi32>
    %eq3A_136 = vector.broadcast %broadcast_in_dim3A_135 : vector<1024x1xi32> to vector<1024x784xi32>
    %eq3A_137 = arith.cmpi eq, %iota3A, %eq3A_136 : vector<1024x784xi32>
    %jit3A_138 = arith.constant 0x7F800000 : f32
    %broadcast_in_dim3A_139 = vector.broadcast %jit3A_138 : f32 to vector<1024x784xf32>
    %select_n3A_140 = arith.select %eq3A_137, %broadcast_in_dim3A_139, %select_n3A_124 : vector<1024x784xi1>, vector<1024x784xf32>
    %reduce_min3A_141 = arith.constant dense<0x7F800000> : vector<1024xf32>
    %reduce_min3A_142 = vector.multi_reduction <minimumf>, %select_n3A_140, %reduce_min3A_141 [1] : vector<1024x784xf32> to vector<1024xf32>
    %broadcast_in_dim3A_143 = vector.shape_cast %reduce_min3A_142 : vector<1024xf32> to vector<1024x1xf32>
    %eq3A_144 = vector.broadcast %broadcast_in_dim3A_143 : vector<1024x1xf32> to vector<1024x784xf32>
    %eq3A_145 = arith.cmpf oeq, %select_n3A_140, %eq3A_144 : vector<1024x784xf32>
    %jit3A_146 = arith.constant 1073741824 : i32
    %broadcast_in_dim3A_147 = vector.broadcast %jit3A_146 : i32 to vector<1024x784xi32>
    %select_n3A_148 = arith.select %eq3A_145, %iota3A, %broadcast_in_dim3A_147 : vector<1024x784xi1>, vector<1024x784xi32>
    %reduce_min3A_149 = arith.constant dense<2147483647> : vector<1024xi32>
    %reduce_min3A_150 = vector.multi_reduction <minsi>, %select_n3A_148, %reduce_min3A_149 [1] : vector<1024x784xi32> to vector<1024xi32>
    %broadcast_in_dim3A_151 = vector.shape_cast %reduce_min3A_150 : vector<1024xi32> to vector<1024x1xi32>
    %eq3A_152 = vector.broadcast %broadcast_in_dim3A_151 : vector<1024x1xi32> to vector<1024x784xi32>
    %eq3A_153 = arith.cmpi eq, %iota3A, %eq3A_152 : vector<1024x784xi32>
    %jit3A_154 = arith.constant 0x7F800000 : f32
    %broadcast_in_dim3A_155 = vector.broadcast %jit3A_154 : f32 to vector<1024x784xf32>
    %select_n3A_156 = arith.select %eq3A_153, %broadcast_in_dim3A_155, %select_n3A_140 : vector<1024x784xi1>, vector<1024x784xf32>
    %reduce_min3A_157 = arith.constant dense<0x7F800000> : vector<1024xf32>
    %reduce_min3A_158 = vector.multi_reduction <minimumf>, %select_n3A_156, %reduce_min3A_157 [1] : vector<1024x784xf32> to vector<1024xf32>
    %broadcast_in_dim3A_159 = vector.shape_cast %reduce_min3A_158 : vector<1024xf32> to vector<1024x1xf32>
    %eq3A_160 = vector.broadcast %broadcast_in_dim3A_159 : vector<1024x1xf32> to vector<1024x784xf32>
    %eq3A_161 = arith.cmpf oeq, %select_n3A_156, %eq3A_160 : vector<1024x784xf32>
    %jit3A_162 = arith.constant 1073741824 : i32
    %broadcast_in_dim3A_163 = vector.broadcast %jit3A_162 : i32 to vector<1024x784xi32>
    %select_n3A_164 = arith.select %eq3A_161, %iota3A, %broadcast_in_dim3A_163 : vector<1024x784xi1>, vector<1024x784xi32>
    %reduce_min3A_165 = arith.constant dense<2147483647> : vector<1024xi32>
    %reduce_min3A_166 = vector.multi_reduction <minsi>, %select_n3A_164, %reduce_min3A_165 [1] : vector<1024x784xi32> to vector<1024xi32>
    %broadcast_in_dim3A_167 = vector.shape_cast %reduce_min3A_166 : vector<1024xi32> to vector<1024x1xi32>
    %eq3A_168 = vector.broadcast %broadcast_in_dim3A_167 : vector<1024x1xi32> to vector<1024x784xi32>
    %eq3A_169 = arith.cmpi eq, %iota3A, %eq3A_168 : vector<1024x784xi32>
    %jit3A_170 = arith.constant 0x7F800000 : f32
    %broadcast_in_dim3A_171 = vector.broadcast %jit3A_170 : f32 to vector<1024x784xf32>
    %select_n3A_172 = arith.select %eq3A_169, %broadcast_in_dim3A_171, %select_n3A_156 : vector<1024x784xi1>, vector<1024x784xf32>
    %reduce_min3A_173 = arith.constant dense<0x7F800000> : vector<1024xf32>
    %reduce_min3A_174 = vector.multi_reduction <minimumf>, %select_n3A_172, %reduce_min3A_173 [1] : vector<1024x784xf32> to vector<1024xf32>
    %broadcast_in_dim3A_175 = vector.shape_cast %reduce_min3A_174 : vector<1024xf32> to vector<1024x1xf32>
    %eq3A_176 = vector.broadcast %broadcast_in_dim3A_175 : vector<1024x1xf32> to vector<1024x784xf32>
    %eq3A_177 = arith.cmpf oeq, %select_n3A_172, %eq3A_176 : vector<1024x784xf32>
    %jit3A_178 = arith.constant 1073741824 : i32
    %broadcast_in_dim3A_179 = vector.broadcast %jit3A_178 : i32 to vector<1024x784xi32>
    %select_n3A_180 = arith.select %eq3A_177, %iota3A, %broadcast_in_dim3A_179 : vector<1024x784xi1>, vector<1024x784xi32>
    %reduce_min3A_181 = arith.constant dense<2147483647> : vector<1024xi32>
    %reduce_min3A_182 = vector.multi_reduction <minsi>, %select_n3A_180, %reduce_min3A_181 [1] : vector<1024x784xi32> to vector<1024xi32>
    %broadcast_in_dim3A_183 = vector.shape_cast %reduce_min3A_182 : vector<1024xi32> to vector<1024x1xi32>
    %eq3A_184 = vector.broadcast %broadcast_in_dim3A_183 : vector<1024x1xi32> to vector<1024x784xi32>
    %eq3A_185 = arith.cmpi eq, %iota3A, %eq3A_184 : vector<1024x784xi32>
    %jit3A_186 = arith.constant 0x7F800000 : f32
    %broadcast_in_dim3A_187 = vector.broadcast %jit3A_186 : f32 to vector<1024x784xf32>
    %select_n3A_188 = arith.select %eq3A_185, %broadcast_in_dim3A_187, %select_n3A_172 : vector<1024x784xi1>, vector<1024x784xf32>
    %reduce_min3A_189 = arith.constant dense<0x7F800000> : vector<1024xf32>
    %reduce_min3A_190 = vector.multi_reduction <minimumf>, %select_n3A_188, %reduce_min3A_189 [1] : vector<1024x784xf32> to vector<1024xf32>
    %broadcast_in_dim3A_191 = vector.shape_cast %reduce_min3A_190 : vector<1024xf32> to vector<1024x1xf32>
    %eq3A_192 = vector.broadcast %broadcast_in_dim3A_191 : vector<1024x1xf32> to vector<1024x784xf32>
    %eq3A_193 = arith.cmpf oeq, %select_n3A_188, %eq3A_192 : vector<1024x784xf32>
    %jit3A_194 = arith.constant 1073741824 : i32
    %broadcast_in_dim3A_195 = vector.broadcast %jit3A_194 : i32 to vector<1024x784xi32>
    %select_n3A_196 = arith.select %eq3A_193, %iota3A, %broadcast_in_dim3A_195 : vector<1024x784xi1>, vector<1024x784xi32>
    %reduce_min3A_197 = arith.constant dense<2147483647> : vector<1024xi32>
    %reduce_min3A_198 = vector.multi_reduction <minsi>, %select_n3A_196, %reduce_min3A_197 [1] : vector<1024x784xi32> to vector<1024xi32>
    %broadcast_in_dim3A_199 = vector.shape_cast %reduce_min3A_198 : vector<1024xi32> to vector<1024x1xi32>
    %eq3A_200 = vector.broadcast %broadcast_in_dim3A_199 : vector<1024x1xi32> to vector<1024x784xi32>
    %eq3A_201 = arith.cmpi eq, %iota3A, %eq3A_200 : vector<1024x784xi32>
    %jit3A_202 = arith.constant 0x7F800000 : f32
    %broadcast_in_dim3A_203 = vector.broadcast %jit3A_202 : f32 to vector<1024x784xf32>
    %select_n3A_204 = arith.select %eq3A_201, %broadcast_in_dim3A_203, %select_n3A_188 : vector<1024x784xi1>, vector<1024x784xf32>
    %reduce_min3A_205 = arith.constant dense<0x7F800000> : vector<1024xf32>
    %reduce_min3A_206 = vector.multi_reduction <minimumf>, %select_n3A_204, %reduce_min3A_205 [1] : vector<1024x784xf32> to vector<1024xf32>
    %broadcast_in_dim3A_207 = vector.shape_cast %reduce_min3A_206 : vector<1024xf32> to vector<1024x1xf32>
    %eq3A_208 = vector.broadcast %broadcast_in_dim3A_207 : vector<1024x1xf32> to vector<1024x784xf32>
    %eq3A_209 = arith.cmpf oeq, %select_n3A_204, %eq3A_208 : vector<1024x784xf32>
    %jit3A_210 = arith.constant 1073741824 : i32
    %broadcast_in_dim3A_211 = vector.broadcast %jit3A_210 : i32 to vector<1024x784xi32>
    %select_n3A_212 = arith.select %eq3A_209, %iota3A, %broadcast_in_dim3A_211 : vector<1024x784xi1>, vector<1024x784xi32>
    %reduce_min3A_213 = arith.constant dense<2147483647> : vector<1024xi32>
    %reduce_min3A_214 = vector.multi_reduction <minsi>, %select_n3A_212, %reduce_min3A_213 [1] : vector<1024x784xi32> to vector<1024xi32>
    %broadcast_in_dim3A_215 = vector.shape_cast %reduce_min3A_214 : vector<1024xi32> to vector<1024x1xi32>
    %eq3A_216 = vector.broadcast %broadcast_in_dim3A_215 : vector<1024x1xi32> to vector<1024x784xi32>
    %eq3A_217 = arith.cmpi eq, %iota3A, %eq3A_216 : vector<1024x784xi32>
    %jit3A_218 = arith.constant 0x7F800000 : f32
    %broadcast_in_dim3A_219 = vector.broadcast %jit3A_218 : f32 to vector<1024x784xf32>
    %select_n3A_220 = arith.select %eq3A_217, %broadcast_in_dim3A_219, %select_n3A_204 : vector<1024x784xi1>, vector<1024x784xf32>
    %reduce_min3A_221 = arith.constant dense<0x7F800000> : vector<1024xf32>
    %reduce_min3A_222 = vector.multi_reduction <minimumf>, %select_n3A_220, %reduce_min3A_221 [1] : vector<1024x784xf32> to vector<1024xf32>
    %broadcast_in_dim3A_223 = vector.shape_cast %reduce_min3A_222 : vector<1024xf32> to vector<1024x1xf32>
    %eq3A_224 = vector.broadcast %broadcast_in_dim3A_223 : vector<1024x1xf32> to vector<1024x784xf32>
    %eq3A_225 = arith.cmpf oeq, %select_n3A_220, %eq3A_224 : vector<1024x784xf32>
    %jit3A_226 = arith.constant 1073741824 : i32
    %broadcast_in_dim3A_227 = vector.broadcast %jit3A_226 : i32 to vector<1024x784xi32>
    %select_n3A_228 = arith.select %eq3A_225, %iota3A, %broadcast_in_dim3A_227 : vector<1024x784xi1>, vector<1024x784xi32>
    %reduce_min3A_229 = arith.constant dense<2147483647> : vector<1024xi32>
    %reduce_min3A_230 = vector.multi_reduction <minsi>, %select_n3A_228, %reduce_min3A_229 [1] : vector<1024x784xi32> to vector<1024xi32>
    %broadcast_in_dim3A_231 = vector.shape_cast %reduce_min3A_230 : vector<1024xi32> to vector<1024x1xi32>
    %eq3A_232 = vector.broadcast %broadcast_in_dim3A_231 : vector<1024x1xi32> to vector<1024x784xi32>
    %eq3A_233 = arith.cmpi eq, %iota3A, %eq3A_232 : vector<1024x784xi32>
    %jit3A_234 = arith.constant 0x7F800000 : f32
    %broadcast_in_dim3A_235 = vector.broadcast %jit3A_234 : f32 to vector<1024x784xf32>
    %select_n3A_236 = arith.select %eq3A_233, %broadcast_in_dim3A_235, %select_n3A_220 : vector<1024x784xi1>, vector<1024x784xf32>
    %reduce_min3A_237 = arith.constant dense<0x7F800000> : vector<1024xf32>
    %reduce_min3A_238 = vector.multi_reduction <minimumf>, %select_n3A_236, %reduce_min3A_237 [1] : vector<1024x784xf32> to vector<1024xf32>
    %broadcast_in_dim3A_239 = vector.shape_cast %reduce_min3A_238 : vector<1024xf32> to vector<1024x1xf32>
    %eq3A_240 = vector.broadcast %broadcast_in_dim3A_239 : vector<1024x1xf32> to vector<1024x784xf32>
    %eq3A_241 = arith.cmpf oeq, %select_n3A_236, %eq3A_240 : vector<1024x784xf32>
    %jit3A_242 = arith.constant 1073741824 : i32
    %broadcast_in_dim3A_243 = vector.broadcast %jit3A_242 : i32 to vector<1024x784xi32>
    %select_n3A_244 = arith.select %eq3A_241, %iota3A, %broadcast_in_dim3A_243 : vector<1024x784xi1>, vector<1024x784xi32>
    %reduce_min3A_245 = arith.constant dense<2147483647> : vector<1024xi32>
    %reduce_min3A_246 = vector.multi_reduction <minsi>, %select_n3A_244, %reduce_min3A_245 [1] : vector<1024x784xi32> to vector<1024xi32>
    %broadcast_in_dim3A_247 = vector.shape_cast %reduce_min3A_246 : vector<1024xi32> to vector<1024x1xi32>
    %concatenate3A = tpu.concatenate %broadcast_in_dim3A_7, %broadcast_in_dim3A_23, %broadcast_in_dim3A_39, %broadcast_in_dim3A_55, %broadcast_in_dim3A_71, %broadcast_in_dim3A_87, %broadcast_in_dim3A_103, %broadcast_in_dim3A_119, %broadcast_in_dim3A_135, %broadcast_in_dim3A_151, %broadcast_in_dim3A_167, %broadcast_in_dim3A_183, %broadcast_in_dim3A_199, %broadcast_in_dim3A_215, %broadcast_in_dim3A_231, %broadcast_in_dim3A_247 in 1 : vector<1024x1xi32>, vector<1024x1xi32>, vector<1024x1xi32>, vector<1024x1xi32>, vector<1024x1xi32>, vector<1024x1xi32>, vector<1024x1xi32>, vector<1024x1xi32>, vector<1024x1xi32>, vector<1024x1xi32>, vector<1024x1xi32>, vector<1024x1xi32>, vector<1024x1xi32>, vector<1024x1xi32>, vector<1024x1xi32>, vector<1024x1xi32> -> vector<1024x16xi32>
    %swap3A = arith.constant 0 : index
    %swap3A_248 = arith.constant 0 : index
    %swap3A_249 = vector.load %arg1[%swap3A, %swap3A_248] : memref<1024x16xi32, #tpu.memory_space<vmem>>, vector<1024x16xi32>
    tpu.vector_store %arg1[%swap3A, %swap3A_248], %concatenate3A {strides = array<i32>} : memref<1024x16xi32, #tpu.memory_space<vmem>>, vector<1024x16xi32>,
    return
  }
}

module attributes {stable_mosaic.version = 14 : i64} {
  func.func @_fin_body(%arg0: memref<1024x2048xf32, #tpu.memory_space<vmem>>, %arg1: memref<1024x2048xi32, #tpu.memory_space<vmem>>, %arg2: memref<1024x16xi32, #tpu.memory_space<vmem>>) attributes {dimension_semantics = [], scalar_prefetch = 0 : i64, scratch_operands = 0 : i64, tpu.core_type = #tpu.core_type<tc>} {
    %get3A = arith.constant 0 : index
    %get3A_0 = arith.constant 0 : index
    %get3A_1 = vector.load %arg0[%get3A, %get3A_0] : memref<1024x2048xf32, #tpu.memory_space<vmem>>, vector<1024x2048xf32>
    %max3A = arith.constant 0.000000e+00 : f32
    %max3A_2 = vector.broadcast %max3A : f32 to vector<1024x2048xf32>
    %max3A_3 = arith.maximumf %get3A_1, %max3A_2 : vector<1024x2048xf32>
    %sqrt3A = math.sqrt %max3A_3 : vector<1024x2048xf32>
    %get3A_4 = arith.constant 0 : index
    %get3A_5 = arith.constant 0 : index
    %get3A_6 = vector.load %arg1[%get3A_4, %get3A_5] : memref<1024x2048xi32, #tpu.memory_space<vmem>>, vector<1024x2048xi32>
    %reduce_min3A = arith.constant dense<0x7F800000> : vector<1024xf32>
    %reduce_min3A_7 = vector.multi_reduction <minimumf>, %sqrt3A, %reduce_min3A [1] : vector<1024x2048xf32> to vector<1024xf32>
    %broadcast_in_dim3A = vector.shape_cast %reduce_min3A_7 : vector<1024xf32> to vector<1024x1xf32>
    %eq3A = vector.broadcast %broadcast_in_dim3A : vector<1024x1xf32> to vector<1024x2048xf32>
    %eq3A_8 = arith.cmpf oeq, %sqrt3A, %eq3A : vector<1024x2048xf32>
    %jit3A = arith.constant 1073741824 : i32
    %broadcast_in_dim3A_9 = vector.broadcast %jit3A : i32 to vector<1024x2048xi32>
    %select_n3A = arith.select %eq3A_8, %get3A_6, %broadcast_in_dim3A_9 : vector<1024x2048xi1>, vector<1024x2048xi32>
    %reduce_min3A_10 = arith.constant dense<2147483647> : vector<1024xi32>
    %reduce_min3A_11 = vector.multi_reduction <minsi>, %select_n3A, %reduce_min3A_10 [1] : vector<1024x2048xi32> to vector<1024xi32>
    %broadcast_in_dim3A_12 = vector.shape_cast %reduce_min3A_11 : vector<1024xi32> to vector<1024x1xi32>
    %eq3A_13 = vector.broadcast %broadcast_in_dim3A_12 : vector<1024x1xi32> to vector<1024x2048xi32>
    %eq3A_14 = arith.cmpi eq, %get3A_6, %eq3A_13 : vector<1024x2048xi32>
    %jit3A_15 = arith.constant 0x7F800000 : f32
    %broadcast_in_dim3A_16 = vector.broadcast %jit3A_15 : f32 to vector<1024x2048xf32>
    %select_n3A_17 = arith.select %eq3A_14, %broadcast_in_dim3A_16, %sqrt3A : vector<1024x2048xi1>, vector<1024x2048xf32>
    %reduce_min3A_18 = arith.constant dense<0x7F800000> : vector<1024xf32>
    %reduce_min3A_19 = vector.multi_reduction <minimumf>, %select_n3A_17, %reduce_min3A_18 [1] : vector<1024x2048xf32> to vector<1024xf32>
    %broadcast_in_dim3A_20 = vector.shape_cast %reduce_min3A_19 : vector<1024xf32> to vector<1024x1xf32>
    %eq3A_21 = vector.broadcast %broadcast_in_dim3A_20 : vector<1024x1xf32> to vector<1024x2048xf32>
    %eq3A_22 = arith.cmpf oeq, %select_n3A_17, %eq3A_21 : vector<1024x2048xf32>
    %jit3A_23 = arith.constant 1073741824 : i32
    %broadcast_in_dim3A_24 = vector.broadcast %jit3A_23 : i32 to vector<1024x2048xi32>
    %select_n3A_25 = arith.select %eq3A_22, %get3A_6, %broadcast_in_dim3A_24 : vector<1024x2048xi1>, vector<1024x2048xi32>
    %reduce_min3A_26 = arith.constant dense<2147483647> : vector<1024xi32>
    %reduce_min3A_27 = vector.multi_reduction <minsi>, %select_n3A_25, %reduce_min3A_26 [1] : vector<1024x2048xi32> to vector<1024xi32>
    %broadcast_in_dim3A_28 = vector.shape_cast %reduce_min3A_27 : vector<1024xi32> to vector<1024x1xi32>
    %eq3A_29 = vector.broadcast %broadcast_in_dim3A_28 : vector<1024x1xi32> to vector<1024x2048xi32>
    %eq3A_30 = arith.cmpi eq, %get3A_6, %eq3A_29 : vector<1024x2048xi32>
    %jit3A_31 = arith.constant 0x7F800000 : f32
    %broadcast_in_dim3A_32 = vector.broadcast %jit3A_31 : f32 to vector<1024x2048xf32>
    %select_n3A_33 = arith.select %eq3A_30, %broadcast_in_dim3A_32, %select_n3A_17 : vector<1024x2048xi1>, vector<1024x2048xf32>
    %reduce_min3A_34 = arith.constant dense<0x7F800000> : vector<1024xf32>
    %reduce_min3A_35 = vector.multi_reduction <minimumf>, %select_n3A_33, %reduce_min3A_34 [1] : vector<1024x2048xf32> to vector<1024xf32>
    %broadcast_in_dim3A_36 = vector.shape_cast %reduce_min3A_35 : vector<1024xf32> to vector<1024x1xf32>
    %eq3A_37 = vector.broadcast %broadcast_in_dim3A_36 : vector<1024x1xf32> to vector<1024x2048xf32>
    %eq3A_38 = arith.cmpf oeq, %select_n3A_33, %eq3A_37 : vector<1024x2048xf32>
    %jit3A_39 = arith.constant 1073741824 : i32
    %broadcast_in_dim3A_40 = vector.broadcast %jit3A_39 : i32 to vector<1024x2048xi32>
    %select_n3A_41 = arith.select %eq3A_38, %get3A_6, %broadcast_in_dim3A_40 : vector<1024x2048xi1>, vector<1024x2048xi32>
    %reduce_min3A_42 = arith.constant dense<2147483647> : vector<1024xi32>
    %reduce_min3A_43 = vector.multi_reduction <minsi>, %select_n3A_41, %reduce_min3A_42 [1] : vector<1024x2048xi32> to vector<1024xi32>
    %broadcast_in_dim3A_44 = vector.shape_cast %reduce_min3A_43 : vector<1024xi32> to vector<1024x1xi32>
    %eq3A_45 = vector.broadcast %broadcast_in_dim3A_44 : vector<1024x1xi32> to vector<1024x2048xi32>
    %eq3A_46 = arith.cmpi eq, %get3A_6, %eq3A_45 : vector<1024x2048xi32>
    %jit3A_47 = arith.constant 0x7F800000 : f32
    %broadcast_in_dim3A_48 = vector.broadcast %jit3A_47 : f32 to vector<1024x2048xf32>
    %select_n3A_49 = arith.select %eq3A_46, %broadcast_in_dim3A_48, %select_n3A_33 : vector<1024x2048xi1>, vector<1024x2048xf32>
    %reduce_min3A_50 = arith.constant dense<0x7F800000> : vector<1024xf32>
    %reduce_min3A_51 = vector.multi_reduction <minimumf>, %select_n3A_49, %reduce_min3A_50 [1] : vector<1024x2048xf32> to vector<1024xf32>
    %broadcast_in_dim3A_52 = vector.shape_cast %reduce_min3A_51 : vector<1024xf32> to vector<1024x1xf32>
    %eq3A_53 = vector.broadcast %broadcast_in_dim3A_52 : vector<1024x1xf32> to vector<1024x2048xf32>
    %eq3A_54 = arith.cmpf oeq, %select_n3A_49, %eq3A_53 : vector<1024x2048xf32>
    %jit3A_55 = arith.constant 1073741824 : i32
    %broadcast_in_dim3A_56 = vector.broadcast %jit3A_55 : i32 to vector<1024x2048xi32>
    %select_n3A_57 = arith.select %eq3A_54, %get3A_6, %broadcast_in_dim3A_56 : vector<1024x2048xi1>, vector<1024x2048xi32>
    %reduce_min3A_58 = arith.constant dense<2147483647> : vector<1024xi32>
    %reduce_min3A_59 = vector.multi_reduction <minsi>, %select_n3A_57, %reduce_min3A_58 [1] : vector<1024x2048xi32> to vector<1024xi32>
    %broadcast_in_dim3A_60 = vector.shape_cast %reduce_min3A_59 : vector<1024xi32> to vector<1024x1xi32>
    %eq3A_61 = vector.broadcast %broadcast_in_dim3A_60 : vector<1024x1xi32> to vector<1024x2048xi32>
    %eq3A_62 = arith.cmpi eq, %get3A_6, %eq3A_61 : vector<1024x2048xi32>
    %jit3A_63 = arith.constant 0x7F800000 : f32
    %broadcast_in_dim3A_64 = vector.broadcast %jit3A_63 : f32 to vector<1024x2048xf32>
    %select_n3A_65 = arith.select %eq3A_62, %broadcast_in_dim3A_64, %select_n3A_49 : vector<1024x2048xi1>, vector<1024x2048xf32>
    %reduce_min3A_66 = arith.constant dense<0x7F800000> : vector<1024xf32>
    %reduce_min3A_67 = vector.multi_reduction <minimumf>, %select_n3A_65, %reduce_min3A_66 [1] : vector<1024x2048xf32> to vector<1024xf32>
    %broadcast_in_dim3A_68 = vector.shape_cast %reduce_min3A_67 : vector<1024xf32> to vector<1024x1xf32>
    %eq3A_69 = vector.broadcast %broadcast_in_dim3A_68 : vector<1024x1xf32> to vector<1024x2048xf32>
    %eq3A_70 = arith.cmpf oeq, %select_n3A_65, %eq3A_69 : vector<1024x2048xf32>
    %jit3A_71 = arith.constant 1073741824 : i32
    %broadcast_in_dim3A_72 = vector.broadcast %jit3A_71 : i32 to vector<1024x2048xi32>
    %select_n3A_73 = arith.select %eq3A_70, %get3A_6, %broadcast_in_dim3A_72 : vector<1024x2048xi1>, vector<1024x2048xi32>
    %reduce_min3A_74 = arith.constant dense<2147483647> : vector<1024xi32>
    %reduce_min3A_75 = vector.multi_reduction <minsi>, %select_n3A_73, %reduce_min3A_74 [1] : vector<1024x2048xi32> to vector<1024xi32>
    %broadcast_in_dim3A_76 = vector.shape_cast %reduce_min3A_75 : vector<1024xi32> to vector<1024x1xi32>
    %eq3A_77 = vector.broadcast %broadcast_in_dim3A_76 : vector<1024x1xi32> to vector<1024x2048xi32>
    %eq3A_78 = arith.cmpi eq, %get3A_6, %eq3A_77 : vector<1024x2048xi32>
    %jit3A_79 = arith.constant 0x7F800000 : f32
    %broadcast_in_dim3A_80 = vector.broadcast %jit3A_79 : f32 to vector<1024x2048xf32>
    %select_n3A_81 = arith.select %eq3A_78, %broadcast_in_dim3A_80, %select_n3A_65 : vector<1024x2048xi1>, vector<1024x2048xf32>
    %reduce_min3A_82 = arith.constant dense<0x7F800000> : vector<1024xf32>
    %reduce_min3A_83 = vector.multi_reduction <minimumf>, %select_n3A_81, %reduce_min3A_82 [1] : vector<1024x2048xf32> to vector<1024xf32>
    %broadcast_in_dim3A_84 = vector.shape_cast %reduce_min3A_83 : vector<1024xf32> to vector<1024x1xf32>
    %eq3A_85 = vector.broadcast %broadcast_in_dim3A_84 : vector<1024x1xf32> to vector<1024x2048xf32>
    %eq3A_86 = arith.cmpf oeq, %select_n3A_81, %eq3A_85 : vector<1024x2048xf32>
    %jit3A_87 = arith.constant 1073741824 : i32
    %broadcast_in_dim3A_88 = vector.broadcast %jit3A_87 : i32 to vector<1024x2048xi32>
    %select_n3A_89 = arith.select %eq3A_86, %get3A_6, %broadcast_in_dim3A_88 : vector<1024x2048xi1>, vector<1024x2048xi32>
    %reduce_min3A_90 = arith.constant dense<2147483647> : vector<1024xi32>
    %reduce_min3A_91 = vector.multi_reduction <minsi>, %select_n3A_89, %reduce_min3A_90 [1] : vector<1024x2048xi32> to vector<1024xi32>
    %broadcast_in_dim3A_92 = vector.shape_cast %reduce_min3A_91 : vector<1024xi32> to vector<1024x1xi32>
    %eq3A_93 = vector.broadcast %broadcast_in_dim3A_92 : vector<1024x1xi32> to vector<1024x2048xi32>
    %eq3A_94 = arith.cmpi eq, %get3A_6, %eq3A_93 : vector<1024x2048xi32>
    %jit3A_95 = arith.constant 0x7F800000 : f32
    %broadcast_in_dim3A_96 = vector.broadcast %jit3A_95 : f32 to vector<1024x2048xf32>
    %select_n3A_97 = arith.select %eq3A_94, %broadcast_in_dim3A_96, %select_n3A_81 : vector<1024x2048xi1>, vector<1024x2048xf32>
    %reduce_min3A_98 = arith.constant dense<0x7F800000> : vector<1024xf32>
    %reduce_min3A_99 = vector.multi_reduction <minimumf>, %select_n3A_97, %reduce_min3A_98 [1] : vector<1024x2048xf32> to vector<1024xf32>
    %broadcast_in_dim3A_100 = vector.shape_cast %reduce_min3A_99 : vector<1024xf32> to vector<1024x1xf32>
    %eq3A_101 = vector.broadcast %broadcast_in_dim3A_100 : vector<1024x1xf32> to vector<1024x2048xf32>
    %eq3A_102 = arith.cmpf oeq, %select_n3A_97, %eq3A_101 : vector<1024x2048xf32>
    %jit3A_103 = arith.constant 1073741824 : i32
    %broadcast_in_dim3A_104 = vector.broadcast %jit3A_103 : i32 to vector<1024x2048xi32>
    %select_n3A_105 = arith.select %eq3A_102, %get3A_6, %broadcast_in_dim3A_104 : vector<1024x2048xi1>, vector<1024x2048xi32>
    %reduce_min3A_106 = arith.constant dense<2147483647> : vector<1024xi32>
    %reduce_min3A_107 = vector.multi_reduction <minsi>, %select_n3A_105, %reduce_min3A_106 [1] : vector<1024x2048xi32> to vector<1024xi32>
    %broadcast_in_dim3A_108 = vector.shape_cast %reduce_min3A_107 : vector<1024xi32> to vector<1024x1xi32>
    %eq3A_109 = vector.broadcast %broadcast_in_dim3A_108 : vector<1024x1xi32> to vector<1024x2048xi32>
    %eq3A_110 = arith.cmpi eq, %get3A_6, %eq3A_109 : vector<1024x2048xi32>
    %jit3A_111 = arith.constant 0x7F800000 : f32
    %broadcast_in_dim3A_112 = vector.broadcast %jit3A_111 : f32 to vector<1024x2048xf32>
    %select_n3A_113 = arith.select %eq3A_110, %broadcast_in_dim3A_112, %select_n3A_97 : vector<1024x2048xi1>, vector<1024x2048xf32>
    %reduce_min3A_114 = arith.constant dense<0x7F800000> : vector<1024xf32>
    %reduce_min3A_115 = vector.multi_reduction <minimumf>, %select_n3A_113, %reduce_min3A_114 [1] : vector<1024x2048xf32> to vector<1024xf32>
    %broadcast_in_dim3A_116 = vector.shape_cast %reduce_min3A_115 : vector<1024xf32> to vector<1024x1xf32>
    %eq3A_117 = vector.broadcast %broadcast_in_dim3A_116 : vector<1024x1xf32> to vector<1024x2048xf32>
    %eq3A_118 = arith.cmpf oeq, %select_n3A_113, %eq3A_117 : vector<1024x2048xf32>
    %jit3A_119 = arith.constant 1073741824 : i32
    %broadcast_in_dim3A_120 = vector.broadcast %jit3A_119 : i32 to vector<1024x2048xi32>
    %select_n3A_121 = arith.select %eq3A_118, %get3A_6, %broadcast_in_dim3A_120 : vector<1024x2048xi1>, vector<1024x2048xi32>
    %reduce_min3A_122 = arith.constant dense<2147483647> : vector<1024xi32>
    %reduce_min3A_123 = vector.multi_reduction <minsi>, %select_n3A_121, %reduce_min3A_122 [1] : vector<1024x2048xi32> to vector<1024xi32>
    %broadcast_in_dim3A_124 = vector.shape_cast %reduce_min3A_123 : vector<1024xi32> to vector<1024x1xi32>
    %eq3A_125 = vector.broadcast %broadcast_in_dim3A_124 : vector<1024x1xi32> to vector<1024x2048xi32>
    %eq3A_126 = arith.cmpi eq, %get3A_6, %eq3A_125 : vector<1024x2048xi32>
    %jit3A_127 = arith.constant 0x7F800000 : f32
    %broadcast_in_dim3A_128 = vector.broadcast %jit3A_127 : f32 to vector<1024x2048xf32>
    %select_n3A_129 = arith.select %eq3A_126, %broadcast_in_dim3A_128, %select_n3A_113 : vector<1024x2048xi1>, vector<1024x2048xf32>
    %reduce_min3A_130 = arith.constant dense<0x7F800000> : vector<1024xf32>
    %reduce_min3A_131 = vector.multi_reduction <minimumf>, %select_n3A_129, %reduce_min3A_130 [1] : vector<1024x2048xf32> to vector<1024xf32>
    %broadcast_in_dim3A_132 = vector.shape_cast %reduce_min3A_131 : vector<1024xf32> to vector<1024x1xf32>
    %eq3A_133 = vector.broadcast %broadcast_in_dim3A_132 : vector<1024x1xf32> to vector<1024x2048xf32>
    %eq3A_134 = arith.cmpf oeq, %select_n3A_129, %eq3A_133 : vector<1024x2048xf32>
    %jit3A_135 = arith.constant 1073741824 : i32
    %broadcast_in_dim3A_136 = vector.broadcast %jit3A_135 : i32 to vector<1024x2048xi32>
    %select_n3A_137 = arith.select %eq3A_134, %get3A_6, %broadcast_in_dim3A_136 : vector<1024x2048xi1>, vector<1024x2048xi32>
    %reduce_min3A_138 = arith.constant dense<2147483647> : vector<1024xi32>
    %reduce_min3A_139 = vector.multi_reduction <minsi>, %select_n3A_137, %reduce_min3A_138 [1] : vector<1024x2048xi32> to vector<1024xi32>
    %broadcast_in_dim3A_140 = vector.shape_cast %reduce_min3A_139 : vector<1024xi32> to vector<1024x1xi32>
    %eq3A_141 = vector.broadcast %broadcast_in_dim3A_140 : vector<1024x1xi32> to vector<1024x2048xi32>
    %eq3A_142 = arith.cmpi eq, %get3A_6, %eq3A_141 : vector<1024x2048xi32>
    %jit3A_143 = arith.constant 0x7F800000 : f32
    %broadcast_in_dim3A_144 = vector.broadcast %jit3A_143 : f32 to vector<1024x2048xf32>
    %select_n3A_145 = arith.select %eq3A_142, %broadcast_in_dim3A_144, %select_n3A_129 : vector<1024x2048xi1>, vector<1024x2048xf32>
    %reduce_min3A_146 = arith.constant dense<0x7F800000> : vector<1024xf32>
    %reduce_min3A_147 = vector.multi_reduction <minimumf>, %select_n3A_145, %reduce_min3A_146 [1] : vector<1024x2048xf32> to vector<1024xf32>
    %broadcast_in_dim3A_148 = vector.shape_cast %reduce_min3A_147 : vector<1024xf32> to vector<1024x1xf32>
    %eq3A_149 = vector.broadcast %broadcast_in_dim3A_148 : vector<1024x1xf32> to vector<1024x2048xf32>
    %eq3A_150 = arith.cmpf oeq, %select_n3A_145, %eq3A_149 : vector<1024x2048xf32>
    %jit3A_151 = arith.constant 1073741824 : i32
    %broadcast_in_dim3A_152 = vector.broadcast %jit3A_151 : i32 to vector<1024x2048xi32>
    %select_n3A_153 = arith.select %eq3A_150, %get3A_6, %broadcast_in_dim3A_152 : vector<1024x2048xi1>, vector<1024x2048xi32>
    %reduce_min3A_154 = arith.constant dense<2147483647> : vector<1024xi32>
    %reduce_min3A_155 = vector.multi_reduction <minsi>, %select_n3A_153, %reduce_min3A_154 [1] : vector<1024x2048xi32> to vector<1024xi32>
    %broadcast_in_dim3A_156 = vector.shape_cast %reduce_min3A_155 : vector<1024xi32> to vector<1024x1xi32>
    %broadcast_in_dim3A_157 = arith.constant 1073741824 : i32
    %broadcast_in_dim3A_158 = vector.broadcast %broadcast_in_dim3A_157 : i32 to vector<1024x6xi32>
    %concatenate3A = tpu.concatenate %broadcast_in_dim3A_12, %broadcast_in_dim3A_28, %broadcast_in_dim3A_44, %broadcast_in_dim3A_60, %broadcast_in_dim3A_76, %broadcast_in_dim3A_92, %broadcast_in_dim3A_108, %broadcast_in_dim3A_124, %broadcast_in_dim3A_140, %broadcast_in_dim3A_156, %broadcast_in_dim3A_158 in 1 : vector<1024x1xi32>, vector<1024x1xi32>, vector<1024x1xi32>, vector<1024x1xi32>, vector<1024x1xi32>, vector<1024x1xi32>, vector<1024x1xi32>, vector<1024x1xi32>, vector<1024x1xi32>, vector<1024x1xi32>, vector<1024x6xi32> -> vector<1024x16xi32>
    %swap3A = arith.constant 0 : index
    %swap3A_159 = arith.constant 0 : index
    %swap3A_160 = vector.load %arg2[%swap3A, %swap3A_159] : memref<1024x16xi32, #tpu.memory_space<vmem>>, vector<1024x16xi32>
    tpu.vector_store %arg2[%swap3A, %swap3A_159], %concatenate3A {strides = array<i32>} : memref<1024x16xi32, #tpu.memory_space<vmem>>, vector<1024x16xi32>,
    return
  }
}

module attributes {stable_mosaic.version = 14 : i64} {
  func.func @_ysel_body(%arg0: memref<10240x128xf32, #tpu.memory_space<vmem>>, %arg1: memref<10240x1xi32, #tpu.memory_space<vmem>>, %arg2: memref<10240x1xf32, #tpu.memory_space<vmem>>) attributes {dimension_semantics = [], scalar_prefetch = 0 : i64, scratch_operands = 0 : i64, tpu.core_type = #tpu.core_type<tc>} {
    %iota3A = tpu.iota {dimensions = array<i32: 1>} : vector<10240x128xi32>
    %get3A = arith.constant 0 : index
    %get3A_0 = arith.constant 0 : index
    %get3A_1 = vector.load %arg1[%get3A, %get3A_0] : memref<10240x1xi32, #tpu.memory_space<vmem>>, vector<10240x1xi32>
    %eq3A = vector.broadcast %get3A_1 : vector<10240x1xi32> to vector<10240x128xi32>
    %eq3A_2 = arith.cmpi eq, %iota3A, %eq3A : vector<10240x128xi32>
    %get3A_3 = arith.constant 0 : index
    %get3A_4 = arith.constant 0 : index
    %get3A_5 = vector.load %arg0[%get3A_3, %get3A_4] : memref<10240x128xf32, #tpu.memory_space<vmem>>, vector<10240x128xf32>
    %jit3A = arith.constant 0.000000e+00 : f32
    %broadcast_in_dim3A = vector.broadcast %jit3A : f32 to vector<10240x128xf32>
    %select_n3A = arith.select %eq3A_2, %get3A_5, %broadcast_in_dim3A : vector<10240x128xi1>, vector<10240x128xf32>
    %reduce_sum3A = arith.constant dense<0.000000e+00> : vector<10240xf32>
    %reduce_sum3A_6 = vector.multi_reduction <add>, %select_n3A, %reduce_sum3A [1] : vector<10240x128xf32> to vector<10240xf32>
    %broadcast_in_dim3A_7 = vector.shape_cast %reduce_sum3A_6 : vector<10240xf32> to vector<10240x1xf32>
    %swap3A = arith.constant 0 : index
    %swap3A_8 = arith.constant 0 : index
    %swap3A_9 = vector.load %arg2[%swap3A, %swap3A_8] : memref<10240x1xf32, #tpu.memory_space<vmem>>, vector<10240x1xf32>
    tpu.vector_store %arg2[%swap3A, %swap3A_8], %broadcast_in_dim3A_7 {strides = array<i32>} : memref<10240x1xf32, #tpu.memory_space<vmem>>, vector<10240x1xf32>,
    return
  }
}

</mosaic_0001>

<sc_bundles>
// kernel: kernel.11.cloned.1.call-start
scs
__scs_entry_jumppad:
0x0: {  	(pc) =	sbr.rel $0x88, $3  }
0x1: {  	(tag) =	ssettag $0x0;
	lr =	simm.s32 $0x1  }
0x2: {  	[smem:$0x3F9E] =	sst lr;
	_ =	strace $0xD0000000  }
0x3: {  	_ = 	snop  }
0x4: {  	_ = 	snop  }
0x5: {  	_ = 	snop  }
0x6: {  	_ = 	snop  }
0x7: {  	_ = 	snop  }
__scs_overlays_trampoline_lowered:
0x8: {  	[smem:$0x3FAD] =	sst s0  }
0x9: {  	[smem:$0x3FAE] =	sst s1  }
0xa: {  	[smem:$0x3FAF] =	sst s2  }
0xb: {  	[smem:$0x3FB0] =	sst s3  }
0xc: {  	[smem:$0x3FB1] =	sst s4  }
0xd: {  	[smem:$0x3FB2] =	sst s5  }
0xe: {  	[smem:$0x3FB3] =	sst s6  }
0xf: {  	[smem:$0x3FB4] =	sst s7  }
0x10: {  	[smem:$0x3FB5] =	sst s8  }
0x11: {  	[smem:$0x3FB6] =	sst s9;
	s0 =	simm.s32 @!p0 $0x0  }
0x12: {  	s1 =	sld [smem:$0x3F9C];
	s0 =	simm.s32 @p0 $0x1  }
0x13: {  	[smem:$0x3FB7] =	sst s0;
	s0 =	simm.s32 @!p1 $0x0  }
0x14: {  	s2 =	sld [smem:$0x3F9B];
	s0 =	simm.s32 @p1 $0x1  }
0x15: {  	[smem:$0x3FB8] =	sst s0;
	s0 =	simm.s32 @!p2 $0x0  }
0x16: {  	s3 =	sld [smem:$0x3FDB];
	s0 =	simm.s32 @p2 $0x1  }
0x17: {  	s4 =	simm.s32 $0x1BF5;
	[smem:$0x3FBA] =	sst s0  }
0x18: {  	s0 =	sld [smem:$0x3F9D];
	_ =	swait.ge [sflag:s4], $0x0  }
0x19: {  	s7 =	sld [smem:$0x3F9E]  }
0x1a: {  	s8 =	sadd.s32 $0xFFFFE003, lr  }
0x1b: {  	s9 =	sadd.s32 $0xFFFFFEF7, lr;
	s5 =	simm.s32 $0xFFFFFFFF;
	p2 =	slt.u32 s8, $0xFFFFF086  }
0x1c: {  	p1 =	slt.u32 s9, $0xF7A;
	s5 =	simm.s32 @!p2 $0x0  }
0x1d: {  	s5 =	simm.s32 @p1 $0x1;
	p0 =	seq.s32 s7, s2  }
0x1e: {  	s7 =	smul.u32 @!p0 $0xF7A, s2;
	p2 =	seq.s32 @!p0 s5, $0x0  }
0x1f: {  	s9 =	smul.u32 $0xF7A, s1;
	s8 =	simm.s32 @!p0 $0x1BF5;
	p2 =	por !p2, p0  }
0x20: {  	[sflag:s8] =	ssyncset.s32 @!p0 $0xFFFFF086;
	s6 =	sadd.s32 @!p0 s3, s7;
	s7 =	simm.s32 @!p0 $0x108  }
0x21: {  	s3 =	sadd.s32 s3, s9;
	s6 =	sadd.s32 @!p0 $0x88, s6;
	s7 =	simm.s32 @p2 $0x1082  }
0x22: {  	[simem:s7], [sflag:s8] =	dma.local @!p0 [hbm:s6], $0xF7A  }
0x23: {  	s9 =	sor.u32 $0xD0000000, s2;
	s6 =	simm.s32 $0x108;
	_ =	swait.ge @!p0 [sflag:s8], $0x0  }
0x24: {  	s3 =	sadd.s32 $0x88, s3;
	s6 =	simm.s32 @!p1 $0x1082;
	[sflag:s4] =	ssyncset.s32 $0xFFFFF086  }
0x25: {  	[simem:s6], [sflag:s4] =	dma.local [hbm:s3], $0xF7A  }
0x26: {  	[smem:$0x3F9E] =	sst s1;
	(tag) =	ssettag s2;
	_ =	strace s9  }
0x27: {  	s1 =	sld [smem:$0x3FAE]  }
0x28: {  	s2 =	sld [smem:$0x3FAF]  }
0x29: {  	s4 =	sld [smem:$0x3FB1]  }
0x2a: {  	p0 =	seq.s32 s5, $0x0;
	s5 =	sld [smem:$0x3FB2]  }
0x2b: {  	s6 =	sld [smem:$0x3FB3]  }
0x2c: {  	s7 =	sld [smem:$0x3FB4]  }
0x2d: {  	s3 =	simm.s32 $0x108;
	s8 =	sld [smem:$0x3FB5]  }
0x2e: {  	s3 =	simm.s32 @!p0 $0x1082;
	s9 =	sld [smem:$0x3FB6]  }
0x2f: {  	lr =	sadd.s32 s0, s3;
	s0 =	sld [smem:$0x3FAD]  }
0x30: {  	s3 =	sld [smem:$0x3FB0]  }
0x31: {  	[smem:$0x3FB9] =	sst s10  }
0x32: {  	s10 =	sld [smem:$0x3FB7];
	_ =	sdelay $0x3  }
0x33: {  	p0 =	seq.s32 s10, $0x1;
	s10 =	sld [smem:$0x3FB9];
	_ =	sdelay $0x3  }
0x34: {  	[smem:$0x3FB9] =	sst s10  }
0x35: {  	s10 =	sld [smem:$0x3FB8];
	_ =	sdelay $0x3  }
0x36: {  	p1 =	seq.s32 s10, $0x1;
	s10 =	sld [smem:$0x3FB9];
	_ =	sdelay $0x3  }
0x37: {  	[smem:$0x3FB9] =	sst s10  }
0x38: {  	s10 =	sld [smem:$0x3FBA]  }
0x39: {  	_ = 	snop;
	(pc) =	sbr.ind lr, $3  }
0x3a: {  	_ = 	snop  }
0x3b: {  	_ = 	snop  }
0x3c: {  	p2 =	seq.s32 s10, $0x1;
	s10 =	sld [smem:$0x3FB9]  }
0x3d: {  	_ =	shalt  }
0x3e: {  	_ =	shalt  }
0x3f: {  	_ =	shalt  }
0x40: {  	_ =	shalt  }
0x41: {  	_ =	shalt  }
0x42: {  	_ =	shalt  }
0x43: {  	_ =	shalt  }
0x44: {  	_ =	shalt  }
0x45: {  	_ =	shalt  }
0x46: {  	_ =	shalt  }
0x47: {  	_ =	shalt  }
0x48: {  	_ =	shalt  }
0x49: {  	_ =	shalt  }
0x4a: {  	_ =	shalt  }
0x4b: {  	_ =	shalt  }
0x4c: {  	_ =	shalt  }
0x4d: {  	_ =	shalt  }
0x4e: {  	_ =	shalt  }
0x4f: {  	_ =	shalt  }
0x50: {  	_ =	shalt  }
0x51: {  	_ =	shalt  }
0x52: {  	_ =	shalt  }
0x53: {  	_ =	shalt  }
0x54: {  	_ =	shalt  }
0x55: {  	_ =	shalt  }
0x56: {  	_ =	shalt  }
0x57: {  	_ =	shalt  }
0x58: {  	_ =	shalt  }
0x59: {  	_ =	shalt  }
0x5a: {  	_ =	shalt  }
0x5b: {  	_ =	shalt  }
0x5c: {  	_ =	shalt  }
0x5d: {  	_ =	shalt  }
0x5e: {  	_ =	shalt  }
0x5f: {  	_ =	shalt  }
0x60: {  	_ =	shalt  }
0x61: {  	_ =	shalt  }
0x62: {  	_ =	shalt  }
0x63: {  	_ =	shalt  }
0x64: {  	_ =	shalt  }
0x65: {  	_ =	shalt  }
0x66: {  	_ =	shalt  }
0x67: {  	_ =	shalt  }
0x68: {  	_ =	shalt  }
0x69: {  	_ =	shalt  }
0x6a: {  	_ =	shalt  }
0x6b: {  	_ =	shalt  }
0x6c: {  	_ =	shalt  }
0x6d: {  	_ =	shalt  }
0x6e: {  	_ =	shalt  }
0x6f: {  	_ =	shalt  }
0x70: {  	_ =	shalt  }
0x71: {  	_ =	shalt  }
0x72: {  	_ =	shalt  }
0x73: {  	_ =	shalt  }
0x74: {  	_ =	shalt  }
0x75: {  	_ =	shalt  }
0x76: {  	_ =	shalt  }
0x77: {  	_ =	shalt  }
0x78: {  	_ =	shalt  }
0x79: {  	_ =	shalt  }
0x7a: {  	_ =	shalt  }
0x7b: {  	_ =	shalt  }
0x7c: {  	_ =	shalt  }
0x7d: {  	_ =	shalt  }
0x7e: {  	_ =	shalt  }
0x7f: {  	_ =	shalt  }
0x80: {  	_ =	shalt  }
0x81: {  	_ =	shalt  }
0x82: {  	_ =	shalt  }
0x83: {  	_ =	shalt  }
0x84: {  	_ =	shalt  }
0x85: {  	_ =	shalt  }
0x86: {  	_ =	shalt  }
0x87: {  	_ =	shalt  }
.Lfunc_end0:
.L_simem_size_0:
called_computation.1_lowered:
.L_overlay_start_0:
0x88: {  	s2 =	sld [smem:$0x3FD9]  }
0x89: {  	s3 =	sld [smem:$0x3FFE];
	_ =	sdelay $0x1  }
0x8a: {  	s1 =	srdreg.scid  }
0x8b: {  	s0 =	sand.u32 $0x1, s1  }
0x8c: {  	s17 =	sshll.u32 s0, $0xA;
	s2 =	sadd.s32 s3, s2  }
0x8d: {  	s2 =	sadd.s32 s2, s17  }
0x8e: {  	[smem:$0x3FC5] =	sst s2  }
0x8f: {  	_ = 	snop  }
0x90: {  	s2 =	sld [smem:$0x3FC8]  }
0x91: {  	s18 =	sld [smem:$0x3FD0];
	(tm) =	ssettm $0x1  }
0x92: {  	s4 =	sld [smem:$0x3FFB];
	_ =	sdelay $0x3  }
0x93: {  	_ =	strace s4  }
0x94: {  	s4 =	sld [smem:$0x3FFC];
	_ =	sdelay $0x3  }
0x95: {  	_ =	strace s4  }
0x96: {  	s4 =	sld [smem:$0x3FFD];
	_ =	sdelay $0x3  }
0x97: {  	_ =	strace s4  }
0x98: {  	_ =	strace $0x8FFFFFFF  }
0x99: {  	s19 =	sld [smem:$0x3FDB];
	_ =	sdelay $0x1  }
0x9a: {  	s5 =	simm.s32 $_scs_section_size  }
0x9b: {  	s6 =	simm.s32 $_size__tile_overlayer_lowered;
	s7 =	simm.s32 $_tile_overlayer_lowered  }
0x9c: {  	s22 =	simm.s32 $0x1BFF;
	s21 =	sshll.u32 s7, $0x1;
	s4 =	sadd.s32 s5, s19  }
0x9d: {  	s8 =	simm.s32 $0x0;
	s20 =	sshll.u32 s6, $0x1;
	s6 =	sadd.s32 s21, s4  }
0x9e: {  	[timem:s8], [sflag:s22] =	dma.local [hbm:s6], s20  }
0x9f: {  	_ =	swait.ge [sflag:s22], s20  }
0xa0: {  	s5 =	ssub.s32 $0x0, s20;
	[sflag:s22] =	ssyncset.done $0x0  }
0xa1: {  	[sflag:s22] =	ssyncadd.s32 s5;
	_ =	sdelay $0x1  }
0xa2: {  	s23 =	simm.s32 $0x1B8B  }
0xa3: {  	_ =	swait.ge [sflag:s23], $0x1  }
0xa4: {  	[sflag:s23] =	ssyncset.done $0x0  }
0xa5: {  	s25 =	simm.s32 $0x1B8E;
	s24 =	sld [smem:$0x3FFE];
	[sflag:s23] =	ssyncadd.s32 $0xFFFFFFFF  }
0xa6: {  	s26 =	simm.s32 $execute0_lowered;
	[smem:$0x3FD2] =	sst s25  }
0xa7: {  	s6 =	sshll.u32 s26, $0x1;
	_ =	strace $0x80000050;
	[dreg:$0x1] =	wrdreg $0xFFFFFFFF  }
0xa8: {  	s28 =	simm.s32 $_size_execute0_lowered;
	s4 =	sadd.s32 s4, s6;
	[dreg:$0x0] =	wrdreg $0x0  }
0xa9: {  	s6 =	sshll.u32 s28, $0x1;
	[dreg:$0x2] =	wrdreg s4  }
0xaa: {  	[dreg:$0x3] =	wrdreg s6  }
0xab: {  	[dreg:$0x4] =	wrdreg $0xC0  }
0xac: {  	_ =	task [dreg:s8], $0x5FFFF  }
0xad: {  	[dreg:$0x1] =	wrdreg $0xFFFFFFFF  }
0xae: {  	[dreg:$0x0] =	wrdreg $0x60  }
0xaf: {  	[dreg:$0x2] =	wrdreg s2  }
0xb0: {  	[dreg:$0x3] =	wrdreg s24  }
0xb1: {  	[dreg:$0x4] =	wrdreg s18  }
0xb2: {  	[dreg:$0x5] =	wrdreg $0x9  }
0xb3: {  	_ =	task.clear_ibuf [dreg:s8], $0x6FFFF;
	_ =	strace $0x90000050  }
0xb4: {  	s29 =	simm.s32 $0x9;
	_ =	strace $0x8000005E  }
0xb5: {  	_ =	swait.ge [sflag:s29], $0x1  }
0xb6: {  	[sflag:s29] =	ssyncadd.s32 $0xFFFFFFFF  }
0xb7: {  	_ =	strace $0x9000005E  }
0xb8: {  	_ =	sfence  }
0xb9: {  	s30 =	sld [smem:$0x0];
	_ =	sdelay $0x2  }
0xba: {  	s31 =	sshll.u32 s1, $0xD;
	s1 =	sshrl.u32 s1, $0x2  }
0xbb: {  	s3 =	sand.u32 $0x4000, s31;
	s1 =	sadd.s32 s1, s30  }
0xbc: {  	s0 =	sor.u32 s3, s0;
	s1 =	sshll.u32 s1, $0x11  }
0xbd: {  	s0 =	sor.u32 s1, s0  }
0xbe: {  	s0 =	sadd.s32 $0x8F2B, s0  }
0xbf: {  	[sflag:s0] =	ssyncadd.remote.s32 $0x1  }
0xc0: {  	_ =	sfence.sel $0xFFFF  }
0xc1: {  	[dreg:$0x0] =	wrdreg $0xFFFFFFFF;
	(pc) =	sbr.abs _section_cstart, $3  }
0xc2: {  	[dreg:$0x1] =	wrdreg $0xFFFFFFFF  }
0xc3: {  	_ =	task.clear_ibuf [dreg:s8], $0x2FFFF;
	_ =	strace $0x9FFFFFFF  }
0xc4: {  	(tm) =	ssettm $0x7FFFFFFF  }
0xc5: {  	_ =	shalt  }
tec
execute0_lowered:
.L_overlay_start_1:
0x0: {  	(tag) =	ssettag $0x1  }
0x1: {  	s0 =	rddreg [dreg:$0x0];
	s1 =	srdreg.scid  }
0x2: {  	s2 =	rddreg [dreg:$0x1];
	s1 =	sand.u32 $0x1, s1  }
0x3: {  	s3 =	rddreg [dreg:$0x2];
	s6 =	stileid.u32;
	s5 =	sshll.u32 s1, $0x4  }
0x4: {  	s4 =	simm.s32 $0x0;
	s16 =	simm.s32 $0x80;
	s5 =	sor.u32 s6, s5  }
0x5: {  	s17 =	simm.s32 $0x9;
	s8 =	smul.u32 $0x3, s5;
	s5 =	sshll.u32 s5, $0x1  }
0x6: {  	s18 =	simm.s32 $0x0;
	p0 =	seq.s32 s1, $0x0;
	s5 =	sadd.s32 $0x10, s5  }
0x7: {  	[smem:$0x7FF] =	sst s4;
	s7 =	sadd.s32 $0x600, s2;
	s5 =	smov.u32 @p0 s8  }
0x8: {  	s10 =	sadd.s32 $0x1200, s2;
	_ =	strace $0x80000051;
	s11 =	sshll.u32 s5, $0x4  }
0x9: {  	s9 =	ssub.s32 $0x2, s1;
	s6 =	sadd.s32 $0x40E00, s2;
	s12 =	sand.u32 $0x1FFFFFF0, s11  }
0xa: {  	s29 =	sshrl.u32 s9, $0x1;
	s8 =	sadd.s32 $0xC00, s2;
	s30 =	sadd.s32 s7, s12  }
0xb: {  	s2 =	ssub.s32 s9, s29;
	s31 =	sadd.s32 s8, s12;
	[dreg:$0x4] =	wrdreg s30  }
0xc: {  	s14 =	smax.u32 s2, $0x1;
	s11 =	sxor.u32 $0x3, s1;
	[dreg:$0x5] =	wrdreg s31  }
.LBB2_1:
0xd: {  	_ =	strace $0x80000052;
	s2 =	simm.s32 $0x100;
	s29 =	simm.s32 $0x1  }
0xe: {  	s30 =	simm.s32 $0x0;
	s19 =	simm.s32 $0x0;
	s20 =	simm.s32 $0x0  }
0xf: {  	s26 =	simm.s32 $0x0;
	s21 =	simm.s32 $0x0;
	s1 =	rddreg [dreg:$0x4]  }
0x10: {  	[tilespmem:s4], [sflag:$0x1] =	stream.linear.gather [hbm4b:s1+s4], $0x80, $0x200038;
	[tilespmem:$0x10200] =	vst v63  }
0x11: {  	s22 =	simm.s32 $0x0;
	s23 =	simm.s32 $0x1;
	s31 =	rddreg [dreg:$0x5]  }
0x12: {  	[tilespmem:s2], [sflag:$0x3] =	stream.linear.gather [hbm4b:s31+s4], $0x80, $0x200038;
	[tilespmem:$0x10200] =	vst v63  }
0x13: {  	s24 =	simm.s32 $0x0;
	s25 =	simm.s32 $0x0;
	_ =	strace $0x90000052  }
.LBB2_2:
0x14: {  	s28 =	sadd.s32 $0x1, s30  }
0x15: {  	p0 =	seq.s32 s28, s11  }
0x16: {  	s28 =	simm.s32 @p0 $0x0;
	p0 =	sge.u32 s25, s9  }
0x17: {  	p1 =	seq.s32 @!p0 s30, s28  }
0x18: {  	p2 =	por p1, p0  }
0x19: {  	s1 =	sadd.s32 @!p2 s5, s28  }
0x1a: {  	s2 =	sand.u32 @!p2 $0x1, s29;
	s1 =	sshll.u32 @!p2 s1, $0x4  }
0x1b: {  	_ =	strace @!p2 $0x80000053;
	s31 =	simm.s32 @!p2 $0x0;
	s1 =	sand.u32 @!p2 $0x1FFFFFF0, s1  }
0x1c: {  	s12 =	sshll.u32 @!p2 s2, $0x7;
	s2 =	sadd.s32 @!p2 $0x1, s2;
	s15 =	sadd.s32 @!p2 s7, s1  }
0x1d: {  	[tilespmem:s12], [sflag:s2] =	stream.linear.gather @!p2 [hbm4b:s15+s31], $0x80, $0x200038;
	[tilespmem:$0x10200] =	vst v63  }
0x1e: {  	s2 =	sand.u32 @!p2 $0x1, s23  }
0x1f: {  	s1 =	sadd.s32 @!p2 s8, s1;
	_ =	strace @!p2 $0x90000053;
	s12 =	sshll.u32 @!p2 s2, $0x7  }
0x20: {  	s2 =	sadd.s32 @!p2 $0x3, s2;
	_ =	strace @!p2 $0x80000054;
	s12 =	sor.u32 @!p2 $0x100, s12  }
0x21: {  	[tilespmem:s12], [sflag:s2] =	stream.linear.gather @!p2 [hbm4b:s1+s31], $0x80, $0x200038;
	[tilespmem:$0x10200] =	vst v63  }
0x22: {  	s12 =	sand.u32 $0x1, s24;
	_ =	strace @!p2 $0x90000054  }
0x23: {  	s1 =	sadd.s32 $0x1, s12;
	_ =	strace $0x80000055  }
0x24: {  	_ =	swait.ge [sflag:s1], $0x80  }
0x25: {  	[sflag:s1] =	ssyncset.done $0x0  }
0x26: {  	[sflag:s1] =	ssyncadd.s32 $0xFFFFFF80  }
0x27: {  	s13 =	sand.u32 $0x1, s22;
	_ =	strace $0x90000055  }
0x28: {  	s1 =	sadd.s32 $0x3, s13;
	_ =	strace $0x80000056  }
0x29: {  	_ =	swait.ge [sflag:s1], $0x80  }
0x2a: {  	p3 =	seq.s32 s9, s25;
	[sflag:s1] =	ssyncset.done $0x0  }
0x2b: {  	p4 =	seq.s32 @!p3 s30, s28;
	[sflag:s1] =	ssyncadd.s32 $0xFFFFFF80;
	s1 =	sand.u32 $0x1, s21  }
0x2c: {  	s31 =	sshll.u32 s24, $0x7;
	_ =	strace $0x90000056;
	s15 =	sshll.u32 s1, $0xE  }
0x2d: {  	s12 =	sand.u32 $0x80, s31;
	_ =	strace $0x80000057;
	s15 =	sor.u32 $0x200, s15  }
0x2e: {  	[tilespmem:s15], [sflag:$0x9] =	stream.indirect.gather [hbm4b:s0+s16], $0x80, s12, s16, $0x2000b8;
	[tilespmem:$0x10200] =	vst v63  }
0x2f: {  	s2 =	sand.u32 $0x1, s20;
	s13 =	sshll.u32 s22, $0x7;
	_ =	swait.ge [sflag:s17], $0x4000  }
0x30: {  	s31 =	sshll.u32 s2, $0xE;
	s13 =	sand.u32 $0x80, s13;
	[sflag:s17] =	ssyncset.done $0x0  }
0x31: {  	s13 =	sor.u32 $0x100, s13;
	s12 =	sor.u32 $0x8200, s31;
	[sflag:s17] =	ssyncadd.s32 $0xFFFFC000  }
0x32: {  	[tilespmem:s12], [sflag:$0x9] =	stream.indirect.gather [hbm4b:s6+s16], $0x80, s13, s16, $0x2000b8;
	[tilespmem:$0x10200] =	vst v63  }
0x33: {  	p3 =	por p3, !p4;
	_ =	swait.ge [sflag:s17], $0x4000  }
0x34: {  	s13 =	sadd.s32 @p3 s5, s30;
	[sflag:s17] =	ssyncset.done $0x0  }
0x35: {  	s13 =	sshll.u32 @p3 s13, $0xB;
	[sflag:s17] =	ssyncadd.s32 $0xFFFFC000  }
0x36: {  	p1 =	por !p1, p0;
	s13 =	sand.u32 @p3 $0x1FFFF800, s13;
	_ =	strace $0x90000057  }
0x37: {  	s1 =	sadd.s32 @p3 $0x5, s1;
	s30 =	sadd.s32 @p3 s3, s13;
	_ =	strace @p3 $0x80000058  }
0x38: {  	[hbm4b:s30+s4] =	stream.linear.scatter @p3 [tilespmem:s15], [sflag:s1], $0x4000, $0x200038;
	[tilespmem:$0x10200] =	vst v63  }
0x39: {  	s21 =	sadd.s32 @p3 $0x1, s21;
	s31 =	simm.s32 $0x0;
	_ =	strace @p3 $0x90000058  }
0x3a: {  	s1 =	sadd.s32 @p3 $0x7, s2;
	s2 =	sadd.s32 @p3 s10, s13;
	_ =	strace @p3 $0x80000059  }
0x3b: {  	[hbm4b:s2+s4] =	stream.linear.scatter @p3 [tilespmem:s12], [sflag:s1], $0x4000, $0x200038;
	[tilespmem:$0x10200] =	vst v63  }
0x3c: {  	s31 =	simm.s32 @p3 $0x1;
	_ =	strace @p3 $0x90000059;
	p3 =	seq.s32 s25, $0x0  }
0x3d: {  	s20 =	sadd.s32 s20, s31;
	s24 =	sadd.s32 s24, s31;
	s1 =	sand.u32 @!p3 $0x1, s26  }
0x3e: {  	s22 =	sadd.s32 s22, s31;
	_ =	strace @!p3 $0x8000005A;
	s1 =	sadd.s32 @!p3 $0x5, s1  }
0x3f: {  	s13 =	smov.u32 s29;
	s2 =	sadd.s32 @!p2 $0x1, s29;
	_ =	swait.ge @!p3 [sflag:s1], $0x4000  }
0x40: {  	s13 =	smov.u32 @p1 s2;
	s25 =	sadd.s32 $0x1, s25;
	[sflag:s1] =	ssyncset.done @!p3 $0x0  }
0x41: {  	s12 =	sand.u32 @!p3 $0x1, s19;
	[sflag:s1] =	ssyncadd.s32 @!p3 $0xFFFFC000;
	s1 =	simm.s32 $0x0  }
0x42: {  	s13 =	smov.u32 @p0 s29;
	s2 =	simm.s32 @!p3 $0x1;
	s1 =	simm.s32 @p1 $0x1  }
0x43: {  	_ =	strace @!p3 $0x9000005A;
	s1 =	simm.s32 @p0 $0x0;
	p0 =	sne.s32 s11, s25  }
.Ltmp0:
0x44: {  	s12 =	sadd.s32 @!p3 $0x7, s12;
	_ =	strace @!p3 $0x8000005B;
	(pc) =	sbr.rel @p0 .LBB2_2-.Ltmp0, $4  }
0x45: {  	s30 =	smov.u32 s28;
	s2 =	simm.s32 @p3 $0x0;
	_ =	swait.ge @!p3 [sflag:s12], $0x4000  }
0x46: {  	s23 =	sadd.s32 s23, s1;
	s1 =	sadd.s32 @!p3 $0x1, s26;
	[sflag:s12] =	ssyncset.done @!p3 $0x0  }
0x47: {  	s29 =	smov.u32 s13;
	s1 =	smov.u32 @p3 s26;
	[sflag:s12] =	ssyncadd.s32 @!p3 $0xFFFFC000  }
0x48: {  	s19 =	sadd.s32 s19, s2;
	s26 =	smov.u32 s1;
	_ =	strace @!p3 $0x9000005B  }
0x49: {  	s1 =	sand.u32 $0x1, s1  }
0x4a: {  	_ =	strace $0x8000005C;
	s1 =	sadd.s32 $0x5, s1  }
0x4b: {  	_ =	swait.ge [sflag:s1], $0x4000  }
0x4c: {  	[sflag:s1] =	ssyncset.done $0x0  }
0x4d: {  	s18 =	sadd.s32 $0x1, s18;
	[sflag:s1] =	ssyncadd.s32 $0xFFFFC000  }
0x4e: {  	s31 =	sand.u32 $0x1, s19;
	p0 =	sne.s32 s18, s14;
	_ =	strace $0x9000005C  }
.Ltmp1:
0x4f: {  	s1 =	sadd.s32 $0x7, s31;
	_ =	strace $0x8000005D;
	(pc) =	sbr.rel @p0 .LBB2_1-.Ltmp1, $4  }
0x50: {  	_ =	swait.ge [sflag:s1], $0x4000  }
0x51: {  	[sflag:s1] =	ssyncset.done $0x0  }
0x52: {  	[sflag:s1] =	ssyncadd.s32 $0xFFFFC000  }
0x53: {  	_ =	strace $0x9000005D  }
0x54: {  	_ =	sfence.sel $0x180000  }
0x55: {  	[bflag:$0x0] =	sbarrier.arrive $0xFFFF  }
0x56: {  	_ =	strace $0x90000051  }
0x57: {  	s0 =	stileid.u32;
	[bflag:$0x2] =	sbarrier.arrive $0xFFFF  }
0x58: {  	p0 =	sne.s32 s0, $0x0;
	s0 =	rddreg [dreg:$0x3]  }
0x59: {  	s0 =	sadd.s32 @!p0 $0x100000, s0  }
0x5a: {  	[sflag:s0] =	ssyncadd.tile.s32 @!p0 $0x1;
	_ =	shalt  }
.Lfunc_end2:
_tile_overlayer_lowered:
.L_overlay_start_2:
0x5b: {  	(tag) =	ssettag $0x2  }
0x5c: {  	s0 =	rddreg [dreg:$0x0];
	s2 =	stileid.u32  }
0x5d: {  	s1 =	rddreg [dreg:$0x1];
	p0 =	sne.s32 s2, $0x0  }
0x5e: {  	s3 =	rddreg [dreg:$0x2];
	[bflag:$0x3] =	sbarrier.arrive $0xFFFF;
	s2 =	simm.s32 @!p0 $0x1C01  }
0x5f: {  	[timem:s3], [sflag:s2] =	dma.local @!p0 [hbm:s0], s1  }
0x60: {  	s0 =	simm.s32 @!p0 $0x1  }
0x61: {  	_ =	swait.ge @!p0 [sflag:s0], s1  }
0x62: {  	s1 =	ssub.s32 @!p0 $0x0, s1;
	[sflag:s0] =	ssyncset.done @!p0 $0x0  }
0x63: {  	[sflag:s0] =	ssyncadd.s32 @!p0 s1  }
0x64: {  	[bflag:$0x3] =	sbarrier.arrive $0xFFFF  }
0x65: {  	_ =	shalt  }

// kernel: kernel.8.cloned.1.call-start
scs
__scs_entry_jumppad:
0x0: {  	(pc) =	sbr.rel $0x88, $3  }
0x1: {  	(tag) =	ssettag $0x0;
	lr =	simm.s32 $0x1  }
0x2: {  	[smem:$0x3F9E] =	sst lr;
	_ =	strace $0xD0000000  }
0x3: {  	_ = 	snop  }
0x4: {  	_ = 	snop  }
0x5: {  	_ = 	snop  }
0x6: {  	_ = 	snop  }
0x7: {  	_ = 	snop  }
__scs_overlays_trampoline_lowered:
0x8: {  	[smem:$0x3FAD] =	sst s0  }
0x9: {  	[smem:$0x3FAE] =	sst s1  }
0xa: {  	[smem:$0x3FAF] =	sst s2  }
0xb: {  	[smem:$0x3FB0] =	sst s3  }
0xc: {  	[smem:$0x3FB1] =	sst s4  }
0xd: {  	[smem:$0x3FB2] =	sst s5  }
0xe: {  	[smem:$0x3FB3] =	sst s6  }
0xf: {  	[smem:$0x3FB4] =	sst s7  }
0x10: {  	[smem:$0x3FB5] =	sst s8  }
0x11: {  	[smem:$0x3FB6] =	sst s9;
	s0 =	simm.s32 @!p0 $0x0  }
0x12: {  	s1 =	sld [smem:$0x3F9C];
	s0 =	simm.s32 @p0 $0x1  }
0x13: {  	[smem:$0x3FB7] =	sst s0;
	s0 =	simm.s32 @!p1 $0x0  }
0x14: {  	s2 =	sld [smem:$0x3F9B];
	s0 =	simm.s32 @p1 $0x1  }
0x15: {  	[smem:$0x3FB8] =	sst s0;
	s0 =	simm.s32 @!p2 $0x0  }
0x16: {  	s3 =	sld [smem:$0x3FDB];
	s0 =	simm.s32 @p2 $0x1  }
0x17: {  	s4 =	simm.s32 $0x1BF5;
	[smem:$0x3FBA] =	sst s0  }
0x18: {  	s0 =	sld [smem:$0x3F9D];
	_ =	swait.ge [sflag:s4], $0x0  }
0x19: {  	s7 =	sld [smem:$0x3F9E]  }
0x1a: {  	s8 =	sadd.s32 $0xFFFFE003, lr  }
0x1b: {  	s9 =	sadd.s32 $0xFFFFFEF7, lr;
	s5 =	simm.s32 $0xFFFFFFFF;
	p2 =	slt.u32 s8, $0xFFFFF086  }
0x1c: {  	p1 =	slt.u32 s9, $0xF7A;
	s5 =	simm.s32 @!p2 $0x0  }
0x1d: {  	s5 =	simm.s32 @p1 $0x1;
	p0 =	seq.s32 s7, s2  }
0x1e: {  	s7 =	smul.u32 @!p0 $0xF7A, s2;
	p2 =	seq.s32 @!p0 s5, $0x0  }
0x1f: {  	s9 =	smul.u32 $0xF7A, s1;
	s8 =	simm.s32 @!p0 $0x1BF5;
	p2 =	por !p2, p0  }
0x20: {  	[sflag:s8] =	ssyncset.s32 @!p0 $0xFFFFF086;
	s6 =	sadd.s32 @!p0 s3, s7;
	s7 =	simm.s32 @!p0 $0x108  }
0x21: {  	s3 =	sadd.s32 s3, s9;
	s6 =	sadd.s32 @!p0 $0x88, s6;
	s7 =	simm.s32 @p2 $0x1082  }
0x22: {  	[simem:s7], [sflag:s8] =	dma.local @!p0 [hbm:s6], $0xF7A  }
0x23: {  	s9 =	sor.u32 $0xD0000000, s2;
	s6 =	simm.s32 $0x108;
	_ =	swait.ge @!p0 [sflag:s8], $0x0  }
0x24: {  	s3 =	sadd.s32 $0x88, s3;
	s6 =	simm.s32 @!p1 $0x1082;
	[sflag:s4] =	ssyncset.s32 $0xFFFFF086  }
0x25: {  	[simem:s6], [sflag:s4] =	dma.local [hbm:s3], $0xF7A  }
0x26: {  	[smem:$0x3F9E] =	sst s1;
	(tag) =	ssettag s2;
	_ =	strace s9  }
0x27: {  	s1 =	sld [smem:$0x3FAE]  }
0x28: {  	s2 =	sld [smem:$0x3FAF]  }
0x29: {  	s4 =	sld [smem:$0x3FB1]  }
0x2a: {  	p0 =	seq.s32 s5, $0x0;
	s5 =	sld [smem:$0x3FB2]  }
0x2b: {  	s6 =	sld [smem:$0x3FB3]  }
0x2c: {  	s7 =	sld [smem:$0x3FB4]  }
0x2d: {  	s3 =	simm.s32 $0x108;
	s8 =	sld [smem:$0x3FB5]  }
0x2e: {  	s3 =	simm.s32 @!p0 $0x1082;
	s9 =	sld [smem:$0x3FB6]  }
0x2f: {  	lr =	sadd.s32 s0, s3;
	s0 =	sld [smem:$0x3FAD]  }
0x30: {  	s3 =	sld [smem:$0x3FB0]  }
0x31: {  	[smem:$0x3FB9] =	sst s10  }
0x32: {  	s10 =	sld [smem:$0x3FB7];
	_ =	sdelay $0x3  }
0x33: {  	p0 =	seq.s32 s10, $0x1;
	s10 =	sld [smem:$0x3FB9];
	_ =	sdelay $0x3  }
0x34: {  	[smem:$0x3FB9] =	sst s10  }
0x35: {  	s10 =	sld [smem:$0x3FB8];
	_ =	sdelay $0x3  }
0x36: {  	p1 =	seq.s32 s10, $0x1;
	s10 =	sld [smem:$0x3FB9];
	_ =	sdelay $0x3  }
0x37: {  	[smem:$0x3FB9] =	sst s10  }
0x38: {  	s10 =	sld [smem:$0x3FBA]  }
0x39: {  	_ = 	snop;
	(pc) =	sbr.ind lr, $3  }
0x3a: {  	_ = 	snop  }
0x3b: {  	_ = 	snop  }
0x3c: {  	p2 =	seq.s32 s10, $0x1;
	s10 =	sld [smem:$0x3FB9]  }
0x3d: {  	_ =	shalt  }
0x3e: {  	_ =	shalt  }
0x3f: {  	_ =	shalt  }
0x40: {  	_ =	shalt  }
0x41: {  	_ =	shalt  }
0x42: {  	_ =	shalt  }
0x43: {  	_ =	shalt  }
0x44: {  	_ =	shalt  }
0x45: {  	_ =	shalt  }
0x46: {  	_ =	shalt  }
0x47: {  	_ =	shalt  }
0x48: {  	_ =	shalt  }
0x49: {  	_ =	shalt  }
0x4a: {  	_ =	shalt  }
0x4b: {  	_ =	shalt  }
0x4c: {  	_ =	shalt  }
0x4d: {  	_ =	shalt  }
0x4e: {  	_ =	shalt  }
0x4f: {  	_ =	shalt  }
0x50: {  	_ =	shalt  }
0x51: {  	_ =	shalt  }
0x52: {  	_ =	shalt  }
0x53: {  	_ =	shalt  }
0x54: {  	_ =	shalt  }
0x55: {  	_ =	shalt  }
0x56: {  	_ =	shalt  }
0x57: {  	_ =	shalt  }
0x58: {  	_ =	shalt  }
0x59: {  	_ =	shalt  }
0x5a: {  	_ =	shalt  }
0x5b: {  	_ =	shalt  }
0x5c: {  	_ =	shalt  }
0x5d: {  	_ =	shalt  }
0x5e: {  	_ =	shalt  }
0x5f: {  	_ =	shalt  }
0x60: {  	_ =	shalt  }
0x61: {  	_ =	shalt  }
0x62: {  	_ =	shalt  }
0x63: {  	_ =	shalt  }
0x64: {  	_ =	shalt  }
0x65: {  	_ =	shalt  }
0x66: {  	_ =	shalt  }
0x67: {  	_ =	shalt  }
0x68: {  	_ =	shalt  }
0x69: {  	_ =	shalt  }
0x6a: {  	_ =	shalt  }
0x6b: {  	_ =	shalt  }
0x6c: {  	_ =	shalt  }
0x6d: {  	_ =	shalt  }
0x6e: {  	_ =	shalt  }
0x6f: {  	_ =	shalt  }
0x70: {  	_ =	shalt  }
0x71: {  	_ =	shalt  }
0x72: {  	_ =	shalt  }
0x73: {  	_ =	shalt  }
0x74: {  	_ =	shalt  }
0x75: {  	_ =	shalt  }
0x76: {  	_ =	shalt  }
0x77: {  	_ =	shalt  }
0x78: {  	_ =	shalt  }
0x79: {  	_ =	shalt  }
0x7a: {  	_ =	shalt  }
0x7b: {  	_ =	shalt  }
0x7c: {  	_ =	shalt  }
0x7d: {  	_ =	shalt  }
0x7e: {  	_ =	shalt  }
0x7f: {  	_ =	shalt  }
0x80: {  	_ =	shalt  }
0x81: {  	_ =	shalt  }
0x82: {  	_ =	shalt  }
0x83: {  	_ =	shalt  }
0x84: {  	_ =	shalt  }
0x85: {  	_ =	shalt  }
0x86: {  	_ =	shalt  }
0x87: {  	_ =	shalt  }
.Lfunc_end0:
.L_simem_size_0:
called_computation_lowered:
.L_overlay_start_0:
0x88: {  	s2 =	sld [smem:$0x3FD9]  }
0x89: {  	s3 =	sld [smem:$0x3FFE];
	_ =	sdelay $0x1  }
0x8a: {  	s1 =	srdreg.scid  }
0x8b: {  	s0 =	sand.u32 $0x1, s1  }
0x8c: {  	s16 =	sshll.u32 s0, $0xA;
	s2 =	sadd.s32 s3, s2  }
0x8d: {  	s2 =	sadd.s32 s2, s16  }
0x8e: {  	[smem:$0x3FC5] =	sst s2  }
0x8f: {  	_ = 	snop  }
0x90: {  	(tm) =	ssettm $0x1  }
0x91: {  	s17 =	sld [smem:$0x3FFB];
	_ =	sdelay $0x3  }
0x92: {  	_ =	strace s17  }
0x93: {  	s2 =	sld [smem:$0x3FFC];
	_ =	sdelay $0x3  }
0x94: {  	_ =	strace s2  }
0x95: {  	s2 =	sld [smem:$0x3FFD];
	_ =	sdelay $0x3  }
0x96: {  	_ =	strace s2  }
0x97: {  	_ =	strace $0x8FFFFFFF  }
0x98: {  	s18 =	sld [smem:$0x3FDB];
	_ =	sdelay $0x1  }
0x99: {  	s19 =	simm.s32 $_scs_section_size  }
0x9a: {  	s4 =	simm.s32 $_size__tile_overlayer_lowered;
	s5 =	simm.s32 $_tile_overlayer_lowered  }
0x9b: {  	s22 =	simm.s32 $0x1BFF;
	s21 =	sshll.u32 s5, $0x1;
	s2 =	sadd.s32 s19, s18  }
0x9c: {  	s6 =	simm.s32 $0x0;
	s20 =	sshll.u32 s4, $0x1;
	s4 =	sadd.s32 s21, s2  }
0x9d: {  	[timem:s6], [sflag:s22] =	dma.local [hbm:s4], s20  }
0x9e: {  	_ =	swait.ge [sflag:s22], s20  }
0x9f: {  	s3 =	ssub.s32 $0x0, s20;
	[sflag:s22] =	ssyncset.done $0x0  }
0xa0: {  	[sflag:s22] =	ssyncadd.s32 s3;
	_ =	sdelay $0x1  }
0xa1: {  	s23 =	simm.s32 $0x1B8B  }
0xa2: {  	_ =	swait.ge [sflag:s23], $0x1  }
0xa3: {  	[sflag:s23] =	ssyncset.done $0x0  }
0xa4: {  	s25 =	simm.s32 $0x1B8E;
	s24 =	sld [smem:$0x3FFE];
	[sflag:s23] =	ssyncadd.s32 $0xFFFFFFFF  }
0xa5: {  	s26 =	simm.s32 $execute0_lowered;
	[smem:$0x3FD2] =	sst s25  }
0xa6: {  	s4 =	sshll.u32 s26, $0x1;
	_ =	strace $0x80000046;
	[dreg:$0x1] =	wrdreg $0xFFFFFFFF  }
0xa7: {  	s28 =	simm.s32 $_size_execute0_lowered;
	s2 =	sadd.s32 s2, s4;
	[dreg:$0x0] =	wrdreg $0x0  }
0xa8: {  	s4 =	sshll.u32 s28, $0x1;
	[dreg:$0x2] =	wrdreg s2  }
0xa9: {  	[dreg:$0x3] =	wrdreg s4  }
0xaa: {  	[dreg:$0x4] =	wrdreg $0xC0  }
0xab: {  	_ =	task [dreg:s6], $0x5FFFF  }
0xac: {  	[dreg:$0x1] =	wrdreg $0xFFFFFFFF  }
0xad: {  	[dreg:$0x0] =	wrdreg $0x60  }
0xae: {  	[dreg:$0x2] =	wrdreg s24  }
0xaf: {  	[dreg:$0x3] =	wrdreg $0x9  }
0xb0: {  	_ =	task.clear_ibuf [dreg:s6], $0x4FFFF;
	_ =	strace $0x90000046  }
0xb1: {  	s29 =	simm.s32 $0x9;
	_ =	strace $0x8000004F  }
0xb2: {  	_ =	swait.ge [sflag:s29], $0x1  }
0xb3: {  	[sflag:s29] =	ssyncadd.s32 $0xFFFFFFFF  }
0xb4: {  	_ =	strace $0x9000004F  }
0xb5: {  	_ =	sfence  }
0xb6: {  	s30 =	sld [smem:$0x0];
	_ =	sdelay $0x2  }
0xb7: {  	s31 =	sshll.u32 s1, $0xD;
	s1 =	sshrl.u32 s1, $0x2  }
0xb8: {  	s3 =	sand.u32 $0x4000, s31;
	s1 =	sadd.s32 s1, s30  }
0xb9: {  	s0 =	sor.u32 s3, s0;
	s1 =	sshll.u32 s1, $0x11  }
0xba: {  	s0 =	sor.u32 s1, s0  }
0xbb: {  	s0 =	sadd.s32 $0x8F2B, s0  }
0xbc: {  	[sflag:s0] =	ssyncadd.remote.s32 $0x1  }
0xbd: {  	_ =	sfence.sel $0xFFFF  }
0xbe: {  	[dreg:$0x0] =	wrdreg $0xFFFFFFFF;
	(pc) =	sbr.abs _section_cstart, $3  }
0xbf: {  	[dreg:$0x1] =	wrdreg $0xFFFFFFFF  }
0xc0: {  	_ =	task.clear_ibuf [dreg:s6], $0x2FFFF;
	_ =	strace $0x9FFFFFFF  }
0xc1: {  	(tm) =	ssettm $0x7FFFFFFF  }
tec
execute0_lowered:
.L_overlay_start_1:
0x0: {  	(tag) =	ssettag $0x1  }
0x1: {  	s0 =	srdreg.scid  }
0x2: {  	s20 =	sand.u32 $0x1, s0  }
0x3: {  	s1 =	stileid.u32;
	s3 =	sshll.u32 s20, $0x4  }
0x4: {  	s10 =	rddreg [dreg:$0x0];
	s2 =	simm.s32 $0x0;
	s11 =	sor.u32 s1, s3  }
0x5: {  	[smem:$0x7FF] =	sst s2;
	s3 =	sshll.u32 s11, $0x6  }
0x6: {  	s0 =	rddreg [dreg:$0x1];
	_ =	strace $0x80000047;
	s16 =	sadd.s32 s3, s10  }
0x7: {  	_ =	strace $0x80000048;
	s3 =	sadd.s32 $0x600, s16  }
0x8: {  	[tilespmem:s2], [sflag:$0x1] =	stream.linear.gather [hbm4b:s3+s2], $0x80, $0x200038;
	[tilespmem:$0x8100] =	vst v63  }
0x9: {  	_ =	strace $0x90000048  }
0xa: {  	s5 =	simm.s32 $0x80;
	s4 =	sadd.s32 $0x610, s16;
	_ =	strace $0x80000049  }
0xb: {  	[tilespmem:s5], [sflag:$0x2] =	stream.linear.gather [hbm4b:s4+s2], $0x80, $0x200038;
	[tilespmem:$0x8100] =	vst v63  }
0xc: {  	_ =	strace $0x90000049  }
0xd: {  	s6 =	simm.s32 $0x1;
	_ =	strace $0x8000004A  }
0xe: {  	_ =	swait.ge [sflag:s6], $0x80  }
0xf: {  	[sflag:s6] =	ssyncset.done $0x0  }
0x10: {  	[sflag:s6] =	ssyncadd.s32 $0xFFFFFF80  }
0x11: {  	s8 =	simm.s32 $0x100;
	_ =	strace $0x9000004A  }
0x12: {  	s9 =	simm.s32 $0x5;
	s7 =	sadd.s32 $0xE8C600, s10;
	_ =	strace $0x8000004B  }
0x13: {  	[tilespmem:s8], [sflag:$0x5] =	stream.indirect.gather [hbm4b:s7+s5], $0x80, s2, s5, $0x2000b8;
	[tilespmem:$0x8100] =	vst v63  }
0x14: {  	_ =	swait.ge [sflag:s9], $0x4000  }
0x15: {  	[sflag:s9] =	ssyncset.done $0x0  }
0x16: {  	s11 =	sshll.u32 s11, $0xD;
	[sflag:s9] =	ssyncadd.s32 $0xFFFFC000  }
0x17: {  	s19 =	sadd.s32 s11, s10;
	_ =	strace $0x9000004B  }
0x18: {  	s10 =	sadd.s32 $0xE00, s19;
	_ =	strace $0x8000004C  }
0x19: {  	[hbm4b:s10+s2] =	stream.linear.scatter [tilespmem:s8], [sflag:$0x3], $0x4000, $0x200038;
	[tilespmem:$0x8100] =	vst v63  }
0x1a: {  	_ =	strace $0x9000004C  }
0x1b: {  	s11 =	sadd.s32 $0x620, s16;
	_ =	strace $0x80000049  }
0x1c: {  	[tilespmem:s2], [sflag:$0x1] =	stream.linear.gather [hbm4b:s11+s2], $0x80, $0x200038;
	[tilespmem:$0x8100] =	vst v63  }
0x1d: {  	_ =	strace $0x90000049  }
0x1e: {  	s12 =	simm.s32 $0x2;
	_ =	strace $0x8000004A  }
0x1f: {  	_ =	swait.ge [sflag:s12], $0x80  }
0x20: {  	[sflag:s12] =	ssyncset.done $0x0  }
0x21: {  	[sflag:s12] =	ssyncadd.s32 $0xFFFFFF80  }
0x22: {  	_ =	strace $0x9000004A  }
0x23: {  	s13 =	simm.s32 $0x4100;
	_ =	strace $0x8000004B  }
0x24: {  	[tilespmem:s13], [sflag:$0x5] =	stream.indirect.gather [hbm4b:s7+s5], $0x80, s5, s5, $0x2000b8;
	[tilespmem:$0x8100] =	vst v63  }
0x25: {  	_ =	swait.ge [sflag:s9], $0x4000  }
0x26: {  	[sflag:s9] =	ssyncset.done $0x0  }
0x27: {  	[sflag:s9] =	ssyncadd.s32 $0xFFFFC000  }
0x28: {  	_ =	strace $0x9000004B  }
0x29: {  	s14 =	sadd.s32 $0x1600, s19;
	_ =	strace $0x8000004C  }
0x2a: {  	[hbm4b:s14+s2] =	stream.linear.scatter [tilespmem:s13], [sflag:$0x4], $0x4000, $0x200038;
	[tilespmem:$0x8100] =	vst v63  }
0x2b: {  	_ =	strace $0x9000004C  }
0x2c: {  	s15 =	simm.s32 $0x3;
	_ =	strace $0x8000004D  }
0x2d: {  	_ =	swait.ge [sflag:s15], $0x4000  }
0x2e: {  	[sflag:s15] =	ssyncset.done $0x0  }
0x2f: {  	[sflag:s15] =	ssyncadd.s32 $0xFFFFC000  }
0x30: {  	_ =	strace $0x9000004D  }
0x31: {  	s16 =	sadd.s32 $0x630, s16;
	_ =	strace $0x80000049  }
0x32: {  	[tilespmem:s5], [sflag:$0x2] =	stream.linear.gather [hbm4b:s16+s2], $0x80, $0x200038;
	[tilespmem:$0x8100] =	vst v63  }
0x33: {  	_ =	strace $0x90000049  }
0x34: {  	_ =	strace $0x8000004A  }
0x35: {  	_ =	swait.ge [sflag:s6], $0x80  }
0x36: {  	[sflag:s6] =	ssyncset.done $0x0  }
0x37: {  	[sflag:s6] =	ssyncadd.s32 $0xFFFFFF80  }
0x38: {  	_ =	strace $0x9000004A  }
0x39: {  	_ =	strace $0x8000004B  }
0x3a: {  	[tilespmem:s8], [sflag:$0x5] =	stream.indirect.gather [hbm4b:s7+s5], $0x80, s2, s5, $0x2000b8;
	[tilespmem:$0x8100] =	vst v63  }
0x3b: {  	_ =	swait.ge [sflag:s9], $0x4000  }
0x3c: {  	[sflag:s9] =	ssyncset.done $0x0  }
0x3d: {  	[sflag:s9] =	ssyncadd.s32 $0xFFFFC000  }
0x3e: {  	_ =	strace $0x9000004B  }
0x3f: {  	s17 =	sadd.s32 $0x1E00, s19;
	_ =	strace $0x8000004C  }
0x40: {  	[hbm4b:s17+s2] =	stream.linear.scatter [tilespmem:s8], [sflag:$0x3], $0x4000, $0x200038;
	[tilespmem:$0x8100] =	vst v63  }
0x41: {  	_ =	strace $0x9000004C  }
0x42: {  	s18 =	simm.s32 $0x4;
	_ =	strace $0x8000004D  }
0x43: {  	_ =	swait.ge [sflag:s18], $0x4000  }
0x44: {  	[sflag:s18] =	ssyncset.done $0x0  }
0x45: {  	[sflag:s18] =	ssyncadd.s32 $0xFFFFC000  }
0x46: {  	_ =	strace $0x9000004D  }
0x47: {  	_ =	strace $0x8000004A  }
0x48: {  	_ =	swait.ge [sflag:s12], $0x80  }
0x49: {  	[sflag:s12] =	ssyncset.done $0x0  }
0x4a: {  	[sflag:s12] =	ssyncadd.s32 $0xFFFFFF80  }
0x4b: {  	_ =	strace $0x9000004A  }
0x4c: {  	_ =	strace $0x8000004B  }
0x4d: {  	[tilespmem:s13], [sflag:$0x5] =	stream.indirect.gather [hbm4b:s7+s5], $0x80, s5, s5, $0x2000b8;
	[tilespmem:$0x8100] =	vst v63  }
0x4e: {  	_ =	swait.ge [sflag:s9], $0x4000  }
0x4f: {  	[sflag:s9] =	ssyncset.done $0x0  }
0x50: {  	[sflag:s9] =	ssyncadd.s32 $0xFFFFC000  }
0x51: {  	_ =	strace $0x9000004B  }
0x52: {  	s19 =	sadd.s32 $0x2600, s19;
	_ =	strace $0x8000004C  }
0x53: {  	[hbm4b:s19+s2] =	stream.linear.scatter [tilespmem:s13], [sflag:$0x4], $0x4000, $0x200038;
	[tilespmem:$0x8100] =	vst v63  }
0x54: {  	s20 =	ssub.s32 $0x2, s20;
	_ =	strace $0x9000004C  }
0x55: {  	s21 =	sshrl.u32 s20, $0x1;
	_ =	strace $0x8000004D  }
0x56: {  	s20 =	ssub.s32 s20, s21;
	_ =	swait.ge [sflag:s15], $0x4000  }
0x57: {  	s20 =	smax.u32 s20, $0x1;
	[sflag:s15] =	ssyncset.done $0x0  }
0x58: {  	p0 =	sne.s32 s20, $0x1;
	[sflag:s15] =	ssyncadd.s32 $0xFFFFC000  }
.Ltmp0:
0x59: {  	_ =	strace $0x9000004D;
	(pc) =	sbr.rel @!p0 .LBB2_2-.Ltmp0, $4  }
0x5a: {  	_ =	strace $0x8000004E  }
0x5b: {  	_ =	swait.ge [sflag:s18], $0x4000  }
0x5c: {  	[sflag:s18] =	ssyncset.done $0x0  }
0x5d: {  	s20 =	sadd.s32 $0xFFFFFFFF, s20;
	[sflag:s18] =	ssyncadd.s32 $0xFFFFC000  }
.LBB2_1:
0x5e: {  	p0 =	sne.s32 s20, $0x1;
	s20 =	sadd.s32 $0xFFFFFFFF, s20;
	_ =	strace $0x9000004E  }
0x5f: {  	_ =	strace $0x80000048  }
0x60: {  	[tilespmem:s2], [sflag:$0x1] =	stream.linear.gather [hbm4b:s3+s2], $0x80, $0x200038;
	[tilespmem:$0x8100] =	vst v63  }
0x61: {  	_ =	strace $0x90000048  }
0x62: {  	_ =	strace $0x80000049  }
0x63: {  	[tilespmem:s5], [sflag:$0x2] =	stream.linear.gather [hbm4b:s4+s2], $0x80, $0x200038;
	[tilespmem:$0x8100] =	vst v63  }
0x64: {  	_ =	strace $0x90000049  }
0x65: {  	_ =	strace $0x8000004A  }
0x66: {  	_ =	swait.ge [sflag:s6], $0x80  }
0x67: {  	[sflag:s6] =	ssyncset.done $0x0  }
0x68: {  	[sflag:s6] =	ssyncadd.s32 $0xFFFFFF80  }
0x69: {  	_ =	strace $0x9000004A  }
0x6a: {  	_ =	strace $0x8000004B  }
0x6b: {  	[tilespmem:s8], [sflag:$0x5] =	stream.indirect.gather [hbm4b:s7+s5], $0x80, s2, s5, $0x2000b8;
	[tilespmem:$0x8100] =	vst v63  }
0x6c: {  	_ =	swait.ge [sflag:s9], $0x4000  }
0x6d: {  	[sflag:s9] =	ssyncset.done $0x0  }
0x6e: {  	[sflag:s9] =	ssyncadd.s32 $0xFFFFC000  }
0x6f: {  	_ =	strace $0x9000004B  }
0x70: {  	_ =	strace $0x8000004C  }
0x71: {  	[hbm4b:s10+s2] =	stream.linear.scatter [tilespmem:s8], [sflag:$0x3], $0x4000, $0x200038;
	[tilespmem:$0x8100] =	vst v63  }
0x72: {  	_ =	strace $0x9000004C  }
0x73: {  	_ =	strace $0x80000049  }
0x74: {  	[tilespmem:s2], [sflag:$0x1] =	stream.linear.gather [hbm4b:s11+s2], $0x80, $0x200038;
	[tilespmem:$0x8100] =	vst v63  }
0x75: {  	_ =	strace $0x90000049  }
0x76: {  	_ =	strace $0x8000004A  }
0x77: {  	_ =	swait.ge [sflag:s12], $0x80  }
0x78: {  	[sflag:s12] =	ssyncset.done $0x0  }
0x79: {  	[sflag:s12] =	ssyncadd.s32 $0xFFFFFF80  }
0x7a: {  	_ =	strace $0x9000004A  }
0x7b: {  	_ =	strace $0x8000004B  }
0x7c: {  	[tilespmem:s13], [sflag:$0x5] =	stream.indirect.gather [hbm4b:s7+s5], $0x80, s5, s5, $0x2000b8;
	[tilespmem:$0x8100] =	vst v63  }
0x7d: {  	_ =	swait.ge [sflag:s9], $0x4000  }
0x7e: {  	[sflag:s9] =	ssyncset.done $0x0  }
0x7f: {  	[sflag:s9] =	ssyncadd.s32 $0xFFFFC000  }
0x80: {  	_ =	strace $0x9000004B  }
0x81: {  	_ =	strace $0x8000004C  }
0x82: {  	[hbm4b:s14+s2] =	stream.linear.scatter [tilespmem:s13], [sflag:$0x4], $0x4000, $0x200038;
	[tilespmem:$0x8100] =	vst v63  }
0x83: {  	_ =	strace $0x9000004C  }
0x84: {  	_ =	strace $0x8000004D  }
0x85: {  	_ =	swait.ge [sflag:s15], $0x4000  }
0x86: {  	[sflag:s15] =	ssyncset.done $0x0  }
0x87: {  	[sflag:s15] =	ssyncadd.s32 $0xFFFFC000  }
0x88: {  	_ =	strace $0x9000004D  }
0x89: {  	_ =	strace $0x80000049  }
0x8a: {  	[tilespmem:s5], [sflag:$0x2] =	stream.linear.gather [hbm4b:s16+s2], $0x80, $0x200038;
	[tilespmem:$0x8100] =	vst v63  }
0x8b: {  	_ =	strace $0x90000049  }
0x8c: {  	_ =	strace $0x8000004A  }
0x8d: {  	_ =	swait.ge [sflag:s6], $0x80  }
0x8e: {  	[sflag:s6] =	ssyncset.done $0x0  }
0x8f: {  	[sflag:s6] =	ssyncadd.s32 $0xFFFFFF80  }
0x90: {  	_ =	strace $0x9000004A  }
0x91: {  	_ =	strace $0x8000004B  }
0x92: {  	[tilespmem:s8], [sflag:$0x5] =	stream.indirect.gather [hbm4b:s7+s5], $0x80, s2, s5, $0x2000b8;
	[tilespmem:$0x8100] =	vst v63  }
0x93: {  	_ =	swait.ge [sflag:s9], $0x4000  }
0x94: {  	[sflag:s9] =	ssyncset.done $0x0  }
0x95: {  	[sflag:s9] =	ssyncadd.s32 $0xFFFFC000  }
0x96: {  	_ =	strace $0x9000004B  }
0x97: {  	_ =	strace $0x8000004C  }
0x98: {  	[hbm4b:s17+s2] =	stream.linear.scatter [tilespmem:s8], [sflag:$0x3], $0x4000, $0x200038;
	[tilespmem:$0x8100] =	vst v63  }
0x99: {  	_ =	strace $0x9000004C  }
0x9a: {  	_ =	strace $0x8000004D  }
0x9b: {  	_ =	swait.ge [sflag:s18], $0x4000  }
0x9c: {  	[sflag:s18] =	ssyncset.done $0x0  }
0x9d: {  	[sflag:s18] =	ssyncadd.s32 $0xFFFFC000  }
0x9e: {  	_ =	strace $0x9000004D  }
0x9f: {  	_ =	strace $0x8000004A  }
0xa0: {  	_ =	swait.ge [sflag:s12], $0x80  }
0xa1: {  	[sflag:s12] =	ssyncset.done $0x0  }
0xa2: {  	[sflag:s12] =	ssyncadd.s32 $0xFFFFFF80  }
0xa3: {  	_ =	strace $0x9000004A  }
0xa4: {  	_ =	strace $0x8000004B  }
0xa5: {  	[tilespmem:s13], [sflag:$0x5] =	stream.indirect.gather [hbm4b:s7+s5], $0x80, s5, s5, $0x2000b8;
	[tilespmem:$0x8100] =	vst v63  }
0xa6: {  	_ =	swait.ge [sflag:s9], $0x4000  }
0xa7: {  	[sflag:s9] =	ssyncset.done $0x0  }
0xa8: {  	[sflag:s9] =	ssyncadd.s32 $0xFFFFC000  }
0xa9: {  	_ =	strace $0x9000004B  }
0xaa: {  	_ =	strace $0x8000004C  }
0xab: {  	[hbm4b:s19+s2] =	stream.linear.scatter [tilespmem:s13], [sflag:$0x4], $0x4000, $0x200038;
	[tilespmem:$0x8100] =	vst v63  }
0xac: {  	_ =	strace $0x9000004C  }
0xad: {  	_ =	strace $0x8000004D  }
0xae: {  	_ =	swait.ge [sflag:s15], $0x4000  }
0xaf: {  	[sflag:s15] =	ssyncset.done $0x0  }
0xb0: {  	[sflag:s15] =	ssyncadd.s32 $0xFFFFC000  }
.Ltmp1:
0xb1: {  	_ =	strace $0x9000004D;
	(pc) =	sbr.rel @p0 .LBB2_1-.Ltmp1, $4  }
0xb2: {  	_ =	strace $0x8000004E  }
0xb3: {  	_ =	swait.ge [sflag:s18], $0x4000  }
0xb4: {  	[sflag:s18] =	ssyncset.done $0x0  }
0xb5: {  	[sflag:s18] =	ssyncadd.s32 $0xFFFFC000  }
.LBB2_2:
0xb6: {  	_ =	strace $0x9000004E  }
0xb7: {  	_ =	sfence.sel $0x180000  }
0xb8: {  	[bflag:$0x0] =	sbarrier.arrive $0xFFFF  }
0xb9: {  	p0 =	sne.s32 s1, $0x0;
	_ =	strace $0x90000047  }
0xba: {  	s0 =	sadd.s32 @!p0 $0x100000, s0;
	[bflag:$0x2] =	sbarrier.arrive $0xFFFF  }
0xbb: {  	[sflag:s0] =	ssyncadd.tile.s32 @!p0 $0x1;
	_ =	shalt  }
.Lfunc_end2:
_tile_overlayer_lowered:
.L_overlay_start_2:
0xbc: {  	(tag) =	ssettag $0x2  }
0xbd: {  	s0 =	rddreg [dreg:$0x0];
	s2 =	stileid.u32  }
0xbe: {  	s1 =	rddreg [dreg:$0x1];
	p0 =	sne.s32 s2, $0x0  }
0xbf: {  	s3 =	rddreg [dreg:$0x2];
	[bflag:$0x3] =	sbarrier.arrive $0xFFFF;
	s2 =	simm.s32 @!p0 $0x1C01  }
0xc0: {  	[timem:s3], [sflag:s2] =	dma.local @!p0 [hbm:s0], s1  }
0xc1: {  	s0 =	simm.s32 @!p0 $0x1  }
0xc2: {  	_ =	swait.ge @!p0 [sflag:s0], s1  }
0xc3: {  	s1 =	ssub.s32 @!p0 $0x0, s1;
	[sflag:s0] =	ssyncset.done @!p0 $0x0  }
0xc4: {  	[sflag:s0] =	ssyncadd.s32 @!p0 s1  }
0xc5: {  	[bflag:$0x3] =	sbarrier.arrive $0xFFFF  }
0xc6: {  	_ =	shalt  }

</sc_bundles>
